<compile_context>
chip_gen: v7x
topology: tpu7x:2x2x1
jax: 0.10.2.dev20260603
libtpu: 0.0.44.dev20260713+nightly
codegen_flags: <defaults>
</compile_context>

<pallas_src>
import functools

import jax
import jax.numpy as jnp
from jax import lax
from jax.experimental import pallas as pl
from jax.experimental.pallas import tpu as pltpu
from jax.experimental.pallas import tpu_sc as plsc

N_NODES = 10000
N_EDGES = 320000
D = 128

NC = 2
NS = 16
NW = NC * NS
EPW = N_EDGES // NW
CHUNK = 80
NCHUNK = EPW // CHUNK
NBUF = 4
IRING = 8
LA = 3
LAI = 6
UNROLL = 8
NITER = 128 // UNROLL
ROWS_PER_TILE = 624
ROWS_REM = N_NODES - NS * ROWS_PER_TILE

_mesh = plsc.VectorSubcoreMesh(core_axis_name="c", subcore_axis_name="s")


@functools.partial(
    pl.kernel,
    mesh=_mesh,
    out_type=jax.ShapeDtypeStruct((NC, N_NODES, D), jnp.float32),
    scratch_types=(
        [pltpu.VMEM((IRING, CHUNK), jnp.int32)] * 2
        + [pltpu.VMEM((CHUNK, D), jnp.float32)] * NBUF
        + [pltpu.VMEM_SHARED((N_NODES, D), jnp.float32)]
        + [pltpu.SemaphoreType.DMA] * (2 * NBUF + IRING)
    ),
)
def _sc_aggregate(x_hbm, edges_hbm, out_hbm, si, di, *rest):
    rows = rest[:NBUF]
    agg = rest[NBUF]
    gsem = rest[NBUF + 1:NBUF + 1 + NBUF]
    ssem = rest[NBUF + 1 + NBUF:NBUF + 1 + 2 * NBUF]
    isem = rest[NBUF + 1 + 2 * NBUF:]
    c = lax.axis_index("c")
    s = lax.axis_index("s")
    wid = c * NS + s
    base = wid * EPW
    row0 = s * ROWS_PER_TILE

    def fire_idx(ch, slot):
        off = pl.multiple_of(base + ch * CHUNK, 8)
        pltpu.async_copy(edges_hbm.at[pl.ds(off, CHUNK)], si.at[slot],
                         isem[slot])
        pltpu.async_copy(edges_hbm.at[pl.ds(N_EDGES + off, CHUNK)],
                         di.at[slot], isem[slot])

    def wait_idx(slot):
        pltpu.make_async_copy(edges_hbm.at[pl.ds(0, CHUNK)], si.at[slot],
                              isem[slot]).wait()
        pltpu.make_async_copy(edges_hbm.at[pl.ds(0, CHUNK)], di.at[slot],
                              isem[slot]).wait()

    def wait_gather(slot):
        pltpu.make_async_copy(x_hbm.at[si.at[0]], rows[slot],
                              gsem[slot]).wait()

    def wait_scatter(slot):
        pltpu.make_async_copy(rows[slot], agg.at[di.at[0]],
                              ssem[slot]).wait()

    for j in range(LAI):
        fire_idx(j, j)
    for u in range(LA):
        wait_idx(u)
        pltpu.async_copy(x_hbm.at[si.at[u]], rows[u], gsem[u])

    @pl.when(c == 0)
    def _():
        pltpu.sync_copy(x_hbm.at[pl.ds(row0, ROWS_PER_TILE)],
                        agg.at[pl.ds(row0, ROWS_PER_TILE)])

        @pl.when(s == NS - 1)
        def _():
            pltpu.sync_copy(x_hbm.at[pl.ds(NS * ROWS_PER_TILE, ROWS_REM)],
                            agg.at[pl.ds(NS * ROWS_PER_TILE, ROWS_REM)])

    @pl.when(c != 0)
    def _():
        def zero_row(r, carry):
            for j in range(D // 16):
                rows[NBUF - 1][r, pl.ds(16 * j, 16)] = jnp.zeros(
                    (16,), jnp.float32)
            return carry

        lax.fori_loop(0, CHUNK, zero_row, 0)
        for j in range(ROWS_PER_TILE // CHUNK):
            pltpu.sync_copy(rows[NBUF - 1],
                            agg.at[pl.ds(row0 + j * CHUNK, CHUNK)])
        rem = ROWS_PER_TILE % CHUNK
        pltpu.sync_copy(rows[NBUF - 1].at[pl.ds(0, rem)],
                        agg.at[pl.ds(row0 + ROWS_PER_TILE - rem, rem)])

        @pl.when(s == NS - 1)
        def _():
            pltpu.sync_copy(rows[NBUF - 1].at[pl.ds(0, ROWS_REM)],
                            agg.at[pl.ds(NS * ROWS_PER_TILE, ROWS_REM)])

    plsc.subcore_barrier()

    def body(k, carry):
        for u in range(UNROLL):
            g = k * UNROLL + u
            b = u % NBUF
            gp = g + LA
            bp = (u + LA) % NBUF
            bgi = (u + LA) % IRING
            gi = g + LAI
            bi = (u + LAI) % IRING

            @pl.when((gp >= NBUF) & (gp < NCHUNK))
            def _():
                wait_scatter(bp)

            @pl.when(gi < NCHUNK)
            def _():
                fire_idx(gi, bi)

            @pl.when(gp < NCHUNK)
            def _():
                wait_idx(bgi)
                pltpu.async_copy(x_hbm.at[si.at[bgi]], rows[bp], gsem[bp])

            @pl.when(g < NCHUNK)
            def _():
                wait_gather(b)
                pltpu.async_copy(rows[b], agg.at[di.at[u]], ssem[b], add=True)
        return carry

    lax.fori_loop(0, NITER, body, 0)

    for b in range(NBUF):
        wait_scatter(b)

    plsc.subcore_barrier()
    pltpu.sync_copy(agg.at[pl.ds(row0, ROWS_PER_TILE)],
                    out_hbm.at[c, pl.ds(row0, ROWS_PER_TILE)])

    @pl.when(s == NS - 1)
    def _():
        pltpu.sync_copy(agg.at[pl.ds(NS * ROWS_PER_TILE, ROWS_REM)],
                        out_hbm.at[c, pl.ds(NS * ROWS_PER_TILE, ROWS_REM)])


def _tc_mlp(p_ref, w_ref, b_ref, o_ref):
    h = p_ref[0] + p_ref[1]
    y = lax.dot_general(h, w_ref[...], (((1,), (1,)), ((), ())),
                        preferred_element_type=jnp.float32)
    o_ref[...] = jnp.maximum(y + b_ref[...], 0.0)


_BR = 1000


def kernel(x, edge_index, W, b):
    edges = edge_index.reshape(2 * N_EDGES)
    partial = _sc_aggregate(x, edges)

    out = pl.pallas_call(
        _tc_mlp,
        grid=(N_NODES // _BR,),
        in_specs=[
            pl.BlockSpec((NC, _BR, D), lambda r: (0, r, 0)),
            pl.BlockSpec((D, D), lambda r: (0, 0)),
            pl.BlockSpec((1, D), lambda r: (0, 0)),
        ],
        out_specs=pl.BlockSpec((_BR, D), lambda r: (r, 0)),
        out_shape=jax.ShapeDtypeStruct((N_NODES, D), jnp.float32),
    )(partial, W, b.reshape(1, D))
    return out

# --- scband reference (transcript-rebuilt; emitter-appended) ---
"""Pipeline reference for scband-directional-ginconv-19610820673953 (READ-ONLY COPY).

The authoritative reference and input builder live on the scoring server;
editing this copy changes nothing except your own understanding.
"""

import jax, jax.numpy as jnp
import numpy as np

N_NODES = 10000
N_EDGES = 320000
D_IN = 128
D_OUT = 128


def setup_inputs(seed: int = 0) -> dict:
    key = jax.random.key(seed)
    k1, k2, k3, k4 = jax.random.split(key, 4)
    x = jax.random.normal(k1, (N_NODES, D_IN), dtype=jnp.float32)
    edge_index = jax.random.randint(k2, (2, N_EDGES), 0, N_NODES, dtype=jnp.int32)
    # Linear(in_channels=128, out_channels=128) params (PyTorch-style: y = x @ W.T + b)
    bound = 1.0 / np.sqrt(D_IN)
    W = jax.random.uniform(k3, (D_OUT, D_IN), minval=-bound, maxval=bound, dtype=jnp.float32)
    b = jax.random.uniform(k4, (D_OUT,), minval=-bound, maxval=bound, dtype=jnp.float32)
    return {"x": x, "edge_index": edge_index, "W": W, "b": b}


def reference(x, edge_index, W, b):
    # GINConv (eps=0, train_eps=False): h_i = mlp((1+eps)*x_i + sum_{j->i} x_j)
    src = edge_index[0]
    dst = edge_index[1]
    msgs = jnp.take(x, src, axis=0)                       # gather source node features
    agg = jax.ops.segment_sum(msgs, dst, num_segments=N_NODES)  # scatter-add at dst
    h = x + agg                                           # (1 + eps) * x + agg, eps = 0
    # mlp: Linear -> ReLU -> Dropout (eval mode: identity)
    h = h @ W.T + b
    h = jax.nn.relu(h)
    # outer F.relu in DirectionalGINConv.forward
    return jax.nn.relu(h)

if __name__ == "__main__":
    import jax
    _d = setup_inputs()
    print(jax.jit(kernel)(*tuple(_d.values())))

</pallas_src>

<mosaic_0001>
#map = affine_map<(d0, d1) -> (0, 0)>
#map1 = affine_map<(d0, d1) -> (0)>
#map2 = affine_map<(d0, d1) -> (0, 0, 0)>
module attributes {stable_mosaic.version = 14 : i64} {
  func.func @_sc_aggregate(%arg0: i32, %arg1: i32, %arg2: memref<10000x128xf32, #tpu.memory_space<hbm>>, %arg3: memref<640000xi32, #tpu.memory_space<hbm>>, %arg4: memref<2x10000x128xf32, #tpu.memory_space<hbm>>, %arg5: memref<8x80xi32, #tpu.memory_space<vmem>>, %arg6: memref<8x80xi32, #tpu.memory_space<vmem>>, %arg7: memref<80x128xf32, #tpu.memory_space<vmem>>, %arg8: memref<80x128xf32, #tpu.memory_space<vmem>>, %arg9: memref<80x128xf32, #tpu.memory_space<vmem>>, %arg10: memref<80x128xf32, #tpu.memory_space<vmem>>, %arg11: memref<10000x128xf32, #tpu.memory_space<vmem_shared>>, %arg12: memref<!tpu.dma_semaphore, #tpu.memory_space<semaphore_mem>>, %arg13: memref<!tpu.dma_semaphore, #tpu.memory_space<semaphore_mem>>, %arg14: memref<!tpu.dma_semaphore, #tpu.memory_space<semaphore_mem>>, %arg15: memref<!tpu.dma_semaphore, #tpu.memory_space<semaphore_mem>>, %arg16: memref<!tpu.dma_semaphore, #tpu.memory_space<semaphore_mem>>, %arg17: memref<!tpu.dma_semaphore, #tpu.memory_space<semaphore_mem>>, %arg18: memref<!tpu.dma_semaphore, #tpu.memory_space<semaphore_mem>>, %arg19: memref<!tpu.dma_semaphore, #tpu.memory_space<semaphore_mem>>, %arg20: memref<!tpu.dma_semaphore, #tpu.memory_space<semaphore_mem>>, %arg21: memref<!tpu.dma_semaphore, #tpu.memory_space<semaphore_mem>>, %arg22: memref<!tpu.dma_semaphore, #tpu.memory_space<semaphore_mem>>, %arg23: memref<!tpu.dma_semaphore, #tpu.memory_space<semaphore_mem>>, %arg24: memref<!tpu.dma_semaphore, #tpu.memory_space<semaphore_mem>>, %arg25: memref<!tpu.dma_semaphore, #tpu.memory_space<semaphore_mem>>, %arg26: memref<!tpu.dma_semaphore, #tpu.memory_space<semaphore_mem>>, %arg27: memref<!tpu.dma_semaphore, #tpu.memory_space<semaphore_mem>>) attributes {dimension_semantics = [#tpu.dimension_semantics<core_parallel>, #tpu.dimension_semantics<subcore_parallel>], iteration_bounds = array<i64: 2, 16>, scalar_prefetch = 0 : i64, scratch_operands = 23 : i64, tpu.core_type = #tpu.core_type<sc_vector_subcore>, window_params = [{transform_indices = #map}, {transform_indices = #map1}, {transform_indices = #map2}]} {
    %mul3A = arith.constant 16 : i32
    %mul3A_0 = arith.muli %arg0, %mul3A : i32
    %add3A = arith.addi %mul3A_0, %arg1 : i32
    %mul3A_1 = arith.constant 10000 : i32
    %mul3A_2 = arith.muli %add3A, %mul3A_1 : i32
    %mul3A_3 = arith.constant 624 : i32
    %mul3A_4 = arith.muli %arg1, %mul3A_3 : i32
    %add3A_5 = arith.constant 0 : i32
    %add3A_6 = arith.addi %mul3A_2, %add3A_5 : i32
    %multiple_of3A = tpu.assume_multiple %add3A_6, 8 : i32
    %dma_start3A = arith.constant 0 : i32
    %dma_start3A_7 = arith.constant 0 : i32
    %dma_start3A_8 = tpu.memref_slice %arg5[%dma_start3A, %dma_start3A_7] : memref<8x80xi32, #tpu.memory_space<vmem>> -> memref<1x80xi32, #tpu.memory_space<vmem>>
    %dma_start3A_9 = tpu.memref_squeeze %dma_start3A_8 : memref<1x80xi32, #tpu.memory_space<vmem>> -> memref<80xi32, #tpu.memory_space<vmem>>
    %dma_start3A_10 = tpu.memref_slice %arg3[%multiple_of3A] : memref<640000xi32, #tpu.memory_space<hbm>> -> memref<80xi32, #tpu.memory_space<hbm>>
    %dma_start3A_11 = arith.constant 0 : i32
    %dma_start3A_12 = tpu.memref_slice %arg5[%dma_start3A, %dma_start3A_11] : memref<8x80xi32, #tpu.memory_space<vmem>> -> memref<1x80xi32, #tpu.memory_space<vmem>>
    %dma_start3A_13 = tpu.memref_squeeze %dma_start3A_12 : memref<1x80xi32, #tpu.memory_space<vmem>> -> memref<80xi32, #tpu.memory_space<vmem>>
    %dma_start3A_14 = tpu.memref_slice %arg3[%multiple_of3A] : memref<640000xi32, #tpu.memory_space<hbm>> -> memref<80xi32, #tpu.memory_space<hbm>>
    tpu.enqueue_dma source(%dma_start3A_14 : memref<80xi32, #tpu.memory_space<hbm>>) target(%dma_start3A_13 : memref<80xi32, #tpu.memory_space<vmem>>) target_semaphore(%arg20 : memref<!tpu.dma_semaphore, #tpu.memory_space<semaphore_mem>>)
    %add3A_15 = arith.constant 320000 : i32
    %add3A_16 = arith.addi %add3A_15, %multiple_of3A : i32
    %dma_start3A_17 = arith.constant 0 : i32
    %dma_start3A_18 = arith.constant 0 : i32
    %dma_start3A_19 = tpu.memref_slice %arg6[%dma_start3A_17, %dma_start3A_18] : memref<8x80xi32, #tpu.memory_space<vmem>> -> memref<1x80xi32, #tpu.memory_space<vmem>>
    %dma_start3A_20 = tpu.memref_squeeze %dma_start3A_19 : memref<1x80xi32, #tpu.memory_space<vmem>> -> memref<80xi32, #tpu.memory_space<vmem>>
    %dma_start3A_21 = tpu.memref_slice %arg3[%add3A_16] : memref<640000xi32, #tpu.memory_space<hbm>> -> memref<80xi32, #tpu.memory_space<hbm>>
    %dma_start3A_22 = arith.constant 0 : i32
    %dma_start3A_23 = tpu.memref_slice %arg6[%dma_start3A_17, %dma_start3A_22] : memref<8x80xi32, #tpu.memory_space<vmem>> -> memref<1x80xi32, #tpu.memory_space<vmem>>
    %dma_start3A_24 = tpu.memref_squeeze %dma_start3A_23 : memref<1x80xi32, #tpu.memory_space<vmem>> -> memref<80xi32, #tpu.memory_space<vmem>>
    %dma_start3A_25 = tpu.memref_slice %arg3[%add3A_16] : memref<640000xi32, #tpu.memory_space<hbm>> -> memref<80xi32, #tpu.memory_space<hbm>>
    tpu.enqueue_dma source(%dma_start3A_25 : memref<80xi32, #tpu.memory_space<hbm>>) target(%dma_start3A_24 : memref<80xi32, #tpu.memory_space<vmem>>) target_semaphore(%arg20 : memref<!tpu.dma_semaphore, #tpu.memory_space<semaphore_mem>>)
    %add3A_26 = arith.constant 80 : i32
    %add3A_27 = arith.addi %mul3A_2, %add3A_26 : i32
    %multiple_of3A_28 = tpu.assume_multiple %add3A_27, 8 : i32
    %dma_start3A_29 = arith.constant 1 : i32
    %dma_start3A_30 = arith.constant 0 : i32
    %dma_start3A_31 = tpu.memref_slice %arg5[%dma_start3A_29, %dma_start3A_30] : memref<8x80xi32, #tpu.memory_space<vmem>> -> memref<1x80xi32, #tpu.memory_space<vmem>>
    %dma_start3A_32 = tpu.memref_squeeze %dma_start3A_31 : memref<1x80xi32, #tpu.memory_space<vmem>> -> memref<80xi32, #tpu.memory_space<vmem>>
    %dma_start3A_33 = tpu.memref_slice %arg3[%multiple_of3A_28] : memref<640000xi32, #tpu.memory_space<hbm>> -> memref<80xi32, #tpu.memory_space<hbm>>
    %dma_start3A_34 = arith.constant 0 : i32
    %dma_start3A_35 = tpu.memref_slice %arg5[%dma_start3A_29, %dma_start3A_34] : memref<8x80xi32, #tpu.memory_space<vmem>> -> memref<1x80xi32, #tpu.memory_space<vmem>>
    %dma_start3A_36 = tpu.memref_squeeze %dma_start3A_35 : memref<1x80xi32, #tpu.memory_space<vmem>> -> memref<80xi32, #tpu.memory_space<vmem>>
    %dma_start3A_37 = tpu.memref_slice %arg3[%multiple_of3A_28] : memref<640000xi32, #tpu.memory_space<hbm>> -> memref<80xi32, #tpu.memory_space<hbm>>
    tpu.enqueue_dma source(%dma_start3A_37 : memref<80xi32, #tpu.memory_space<hbm>>) target(%dma_start3A_36 : memref<80xi32, #tpu.memory_space<vmem>>) target_semaphore(%arg21 : memref<!tpu.dma_semaphore, #tpu.memory_space<semaphore_mem>>)
    %add3A_38 = arith.constant 320000 : i32
    %add3A_39 = arith.addi %add3A_38, %multiple_of3A_28 : i32
    %dma_start3A_40 = arith.constant 1 : i32
    %dma_start3A_41 = arith.constant 0 : i32
    %dma_start3A_42 = tpu.memref_slice %arg6[%dma_start3A_40, %dma_start3A_41] : memref<8x80xi32, #tpu.memory_space<vmem>> -> memref<1x80xi32, #tpu.memory_space<vmem>>
    %dma_start3A_43 = tpu.memref_squeeze %dma_start3A_42 : memref<1x80xi32, #tpu.memory_space<vmem>> -> memref<80xi32, #tpu.memory_space<vmem>>
    %dma_start3A_44 = tpu.memref_slice %arg3[%add3A_39] : memref<640000xi32, #tpu.memory_space<hbm>> -> memref<80xi32, #tpu.memory_space<hbm>>
    %dma_start3A_45 = arith.constant 0 : i32
    %dma_start3A_46 = tpu.memref_slice %arg6[%dma_start3A_40, %dma_start3A_45] : memref<8x80xi32, #tpu.memory_space<vmem>> -> memref<1x80xi32, #tpu.memory_space<vmem>>
    %dma_start3A_47 = tpu.memref_squeeze %dma_start3A_46 : memref<1x80xi32, #tpu.memory_space<vmem>> -> memref<80xi32, #tpu.memory_space<vmem>>
    %dma_start3A_48 = tpu.memref_slice %arg3[%add3A_39] : memref<640000xi32, #tpu.memory_space<hbm>> -> memref<80xi32, #tpu.memory_space<hbm>>
    tpu.enqueue_dma source(%dma_start3A_48 : memref<80xi32, #tpu.memory_space<hbm>>) target(%dma_start3A_47 : memref<80xi32, #tpu.memory_space<vmem>>) target_semaphore(%arg21 : memref<!tpu.dma_semaphore, #tpu.memory_space<semaphore_mem>>)
    %add3A_49 = arith.constant 160 : i32
    %add3A_50 = arith.addi %mul3A_2, %add3A_49 : i32
    %multiple_of3A_51 = tpu.assume_multiple %add3A_50, 8 : i32
    %dma_start3A_52 = arith.constant 2 : i32
    %dma_start3A_53 = arith.constant 0 : i32
    %dma_start3A_54 = tpu.memref_slice %arg5[%dma_start3A_52, %dma_start3A_53] : memref<8x80xi32, #tpu.memory_space<vmem>> -> memref<1x80xi32, #tpu.memory_space<vmem>>
    %dma_start3A_55 = tpu.memref_squeeze %dma_start3A_54 : memref<1x80xi32, #tpu.memory_space<vmem>> -> memref<80xi32, #tpu.memory_space<vmem>>
    %dma_start3A_56 = tpu.memref_slice %arg3[%multiple_of3A_51] : memref<640000xi32, #tpu.memory_space<hbm>> -> memref<80xi32, #tpu.memory_space<hbm>>
    %dma_start3A_57 = arith.constant 0 : i32
    %dma_start3A_58 = tpu.memref_slice %arg5[%dma_start3A_52, %dma_start3A_57] : memref<8x80xi32, #tpu.memory_space<vmem>> -> memref<1x80xi32, #tpu.memory_space<vmem>>
    %dma_start3A_59 = tpu.memref_squeeze %dma_start3A_58 : memref<1x80xi32, #tpu.memory_space<vmem>> -> memref<80xi32, #tpu.memory_space<vmem>>
    %dma_start3A_60 = tpu.memref_slice %arg3[%multiple_of3A_51] : memref<640000xi32, #tpu.memory_space<hbm>> -> memref<80xi32, #tpu.memory_space<hbm>>
    tpu.enqueue_dma source(%dma_start3A_60 : memref<80xi32, #tpu.memory_space<hbm>>) target(%dma_start3A_59 : memref<80xi32, #tpu.memory_space<vmem>>) target_semaphore(%arg22 : memref<!tpu.dma_semaphore, #tpu.memory_space<semaphore_mem>>)
    %add3A_61 = arith.constant 320000 : i32
    %add3A_62 = arith.addi %add3A_61, %multiple_of3A_51 : i32
    %dma_start3A_63 = arith.constant 2 : i32
    %dma_start3A_64 = arith.constant 0 : i32
    %dma_start3A_65 = tpu.memref_slice %arg6[%dma_start3A_63, %dma_start3A_64] : memref<8x80xi32, #tpu.memory_space<vmem>> -> memref<1x80xi32, #tpu.memory_space<vmem>>
    %dma_start3A_66 = tpu.memref_squeeze %dma_start3A_65 : memref<1x80xi32, #tpu.memory_space<vmem>> -> memref<80xi32, #tpu.memory_space<vmem>>
    %dma_start3A_67 = tpu.memref_slice %arg3[%add3A_62] : memref<640000xi32, #tpu.memory_space<hbm>> -> memref<80xi32, #tpu.memory_space<hbm>>
    %dma_start3A_68 = arith.constant 0 : i32
    %dma_start3A_69 = tpu.memref_slice %arg6[%dma_start3A_63, %dma_start3A_68] : memref<8x80xi32, #tpu.memory_space<vmem>> -> memref<1x80xi32, #tpu.memory_space<vmem>>
    %dma_start3A_70 = tpu.memref_squeeze %dma_start3A_69 : memref<1x80xi32, #tpu.memory_space<vmem>> -> memref<80xi32, #tpu.memory_space<vmem>>
    %dma_start3A_71 = tpu.memref_slice %arg3[%add3A_62] : memref<640000xi32, #tpu.memory_space<hbm>> -> memref<80xi32, #tpu.memory_space<hbm>>
    tpu.enqueue_dma source(%dma_start3A_71 : memref<80xi32, #tpu.memory_space<hbm>>) target(%dma_start3A_70 : memref<80xi32, #tpu.memory_space<vmem>>) target_semaphore(%arg22 : memref<!tpu.dma_semaphore, #tpu.memory_space<semaphore_mem>>)
    %add3A_72 = arith.constant 240 : i32
    %add3A_73 = arith.addi %mul3A_2, %add3A_72 : i32
    %multiple_of3A_74 = tpu.assume_multiple %add3A_73, 8 : i32
    %dma_start3A_75 = arith.constant 3 : i32
    %dma_start3A_76 = arith.constant 0 : i32
    %dma_start3A_77 = tpu.memref_slice %arg5[%dma_start3A_75, %dma_start3A_76] : memref<8x80xi32, #tpu.memory_space<vmem>> -> memref<1x80xi32, #tpu.memory_space<vmem>>
    %dma_start3A_78 = tpu.memref_squeeze %dma_start3A_77 : memref<1x80xi32, #tpu.memory_space<vmem>> -> memref<80xi32, #tpu.memory_space<vmem>>
    %dma_start3A_79 = tpu.memref_slice %arg3[%multiple_of3A_74] : memref<640000xi32, #tpu.memory_space<hbm>> -> memref<80xi32, #tpu.memory_space<hbm>>
    %dma_start3A_80 = arith.constant 0 : i32
    %dma_start3A_81 = tpu.memref_slice %arg5[%dma_start3A_75, %dma_start3A_80] : memref<8x80xi32, #tpu.memory_space<vmem>> -> memref<1x80xi32, #tpu.memory_space<vmem>>
    %dma_start3A_82 = tpu.memref_squeeze %dma_start3A_81 : memref<1x80xi32, #tpu.memory_space<vmem>> -> memref<80xi32, #tpu.memory_space<vmem>>
    %dma_start3A_83 = tpu.memref_slice %arg3[%multiple_of3A_74] : memref<640000xi32, #tpu.memory_space<hbm>> -> memref<80xi32, #tpu.memory_space<hbm>>
    tpu.enqueue_dma source(%dma_start3A_83 : memref<80xi32, #tpu.memory_space<hbm>>) target(%dma_start3A_82 : memref<80xi32, #tpu.memory_space<vmem>>) target_semaphore(%arg23 : memref<!tpu.dma_semaphore, #tpu.memory_space<semaphore_mem>>)
    %add3A_84 = arith.constant 320000 : i32
    %add3A_85 = arith.addi %add3A_84, %multiple_of3A_74 : i32
    %dma_start3A_86 = arith.constant 3 : i32
    %dma_start3A_87 = arith.constant 0 : i32
    %dma_start3A_88 = tpu.memref_slice %arg6[%dma_start3A_86, %dma_start3A_87] : memref<8x80xi32, #tpu.memory_space<vmem>> -> memref<1x80xi32, #tpu.memory_space<vmem>>
    %dma_start3A_89 = tpu.memref_squeeze %dma_start3A_88 : memref<1x80xi32, #tpu.memory_space<vmem>> -> memref<80xi32, #tpu.memory_space<vmem>>
    %dma_start3A_90 = tpu.memref_slice %arg3[%add3A_85] : memref<640000xi32, #tpu.memory_space<hbm>> -> memref<80xi32, #tpu.memory_space<hbm>>
    %dma_start3A_91 = arith.constant 0 : i32
    %dma_start3A_92 = tpu.memref_slice %arg6[%dma_start3A_86, %dma_start3A_91] : memref<8x80xi32, #tpu.memory_space<vmem>> -> memref<1x80xi32, #tpu.memory_space<vmem>>
    %dma_start3A_93 = tpu.memref_squeeze %dma_start3A_92 : memref<1x80xi32, #tpu.memory_space<vmem>> -> memref<80xi32, #tpu.memory_space<vmem>>
    %dma_start3A_94 = tpu.memref_slice %arg3[%add3A_85] : memref<640000xi32, #tpu.memory_space<hbm>> -> memref<80xi32, #tpu.memory_space<hbm>>
    tpu.enqueue_dma source(%dma_start3A_94 : memref<80xi32, #tpu.memory_space<hbm>>) target(%dma_start3A_93 : memref<80xi32, #tpu.memory_space<vmem>>) target_semaphore(%arg23 : memref<!tpu.dma_semaphore, #tpu.memory_space<semaphore_mem>>)
    %add3A_95 = arith.constant 320 : i32
    %add3A_96 = arith.addi %mul3A_2, %add3A_95 : i32
    %multiple_of3A_97 = tpu.assume_multiple %add3A_96, 8 : i32
    %dma_start3A_98 = arith.constant 4 : i32
    %dma_start3A_99 = arith.constant 0 : i32
    %dma_start3A_100 = tpu.memref_slice %arg5[%dma_start3A_98, %dma_start3A_99] : memref<8x80xi32, #tpu.memory_space<vmem>> -> memref<1x80xi32, #tpu.memory_space<vmem>>
    %dma_start3A_101 = tpu.memref_squeeze %dma_start3A_100 : memref<1x80xi32, #tpu.memory_space<vmem>> -> memref<80xi32, #tpu.memory_space<vmem>>
    %dma_start3A_102 = tpu.memref_slice %arg3[%multiple_of3A_97] : memref<640000xi32, #tpu.memory_space<hbm>> -> memref<80xi32, #tpu.memory_space<hbm>>
    %dma_start3A_103 = arith.constant 0 : i32
    %dma_start3A_104 = tpu.memref_slice %arg5[%dma_start3A_98, %dma_start3A_103] : memref<8x80xi32, #tpu.memory_space<vmem>> -> memref<1x80xi32, #tpu.memory_space<vmem>>
    %dma_start3A_105 = tpu.memref_squeeze %dma_start3A_104 : memref<1x80xi32, #tpu.memory_space<vmem>> -> memref<80xi32, #tpu.memory_space<vmem>>
    %dma_start3A_106 = tpu.memref_slice %arg3[%multiple_of3A_97] : memref<640000xi32, #tpu.memory_space<hbm>> -> memref<80xi32, #tpu.memory_space<hbm>>
    tpu.enqueue_dma source(%dma_start3A_106 : memref<80xi32, #tpu.memory_space<hbm>>) target(%dma_start3A_105 : memref<80xi32, #tpu.memory_space<vmem>>) target_semaphore(%arg24 : memref<!tpu.dma_semaphore, #tpu.memory_space<semaphore_mem>>)
    %add3A_107 = arith.constant 320000 : i32
    %add3A_108 = arith.addi %add3A_107, %multiple_of3A_97 : i32
    %dma_start3A_109 = arith.constant 4 : i32
    %dma_start3A_110 = arith.constant 0 : i32
    %dma_start3A_111 = tpu.memref_slice %arg6[%dma_start3A_109, %dma_start3A_110] : memref<8x80xi32, #tpu.memory_space<vmem>> -> memref<1x80xi32, #tpu.memory_space<vmem>>
    %dma_start3A_112 = tpu.memref_squeeze %dma_start3A_111 : memref<1x80xi32, #tpu.memory_space<vmem>> -> memref<80xi32, #tpu.memory_space<vmem>>
    %dma_start3A_113 = tpu.memref_slice %arg3[%add3A_108] : memref<640000xi32, #tpu.memory_space<hbm>> -> memref<80xi32, #tpu.memory_space<hbm>>
    %dma_start3A_114 = arith.constant 0 : i32
    %dma_start3A_115 = tpu.memref_slice %arg6[%dma_start3A_109, %dma_start3A_114] : memref<8x80xi32, #tpu.memory_space<vmem>> -> memref<1x80xi32, #tpu.memory_space<vmem>>
    %dma_start3A_116 = tpu.memref_squeeze %dma_start3A_115 : memref<1x80xi32, #tpu.memory_space<vmem>> -> memref<80xi32, #tpu.memory_space<vmem>>
    %dma_start3A_117 = tpu.memref_slice %arg3[%add3A_108] : memref<640000xi32, #tpu.memory_space<hbm>> -> memref<80xi32, #tpu.memory_space<hbm>>
    tpu.enqueue_dma source(%dma_start3A_117 : memref<80xi32, #tpu.memory_space<hbm>>) target(%dma_start3A_116 : memref<80xi32, #tpu.memory_space<vmem>>) target_semaphore(%arg24 : memref<!tpu.dma_semaphore, #tpu.memory_space<semaphore_mem>>)
    %add3A_118 = arith.constant 400 : i32
    %add3A_119 = arith.addi %mul3A_2, %add3A_118 : i32
    %multiple_of3A_120 = tpu.assume_multiple %add3A_119, 8 : i32
    %dma_start3A_121 = arith.constant 5 : i32
    %dma_start3A_122 = arith.constant 0 : i32
    %dma_start3A_123 = tpu.memref_slice %arg5[%dma_start3A_121, %dma_start3A_122] : memref<8x80xi32, #tpu.memory_space<vmem>> -> memref<1x80xi32, #tpu.memory_space<vmem>>
    %dma_start3A_124 = tpu.memref_squeeze %dma_start3A_123 : memref<1x80xi32, #tpu.memory_space<vmem>> -> memref<80xi32, #tpu.memory_space<vmem>>
    %dma_start3A_125 = tpu.memref_slice %arg3[%multiple_of3A_120] : memref<640000xi32, #tpu.memory_space<hbm>> -> memref<80xi32, #tpu.memory_space<hbm>>
    %dma_start3A_126 = arith.constant 0 : i32
    %dma_start3A_127 = tpu.memref_slice %arg5[%dma_start3A_121, %dma_start3A_126] : memref<8x80xi32, #tpu.memory_space<vmem>> -> memref<1x80xi32, #tpu.memory_space<vmem>>
    %dma_start3A_128 = tpu.memref_squeeze %dma_start3A_127 : memref<1x80xi32, #tpu.memory_space<vmem>> -> memref<80xi32, #tpu.memory_space<vmem>>
    %dma_start3A_129 = tpu.memref_slice %arg3[%multiple_of3A_120] : memref<640000xi32, #tpu.memory_space<hbm>> -> memref<80xi32, #tpu.memory_space<hbm>>
    tpu.enqueue_dma source(%dma_start3A_129 : memref<80xi32, #tpu.memory_space<hbm>>) target(%dma_start3A_128 : memref<80xi32, #tpu.memory_space<vmem>>) target_semaphore(%arg25 : memref<!tpu.dma_semaphore, #tpu.memory_space<semaphore_mem>>)
    %add3A_130 = arith.constant 320000 : i32
    %add3A_131 = arith.addi %add3A_130, %multiple_of3A_120 : i32
    %dma_start3A_132 = arith.constant 5 : i32
    %dma_start3A_133 = arith.constant 0 : i32
    %dma_start3A_134 = tpu.memref_slice %arg6[%dma_start3A_132, %dma_start3A_133] : memref<8x80xi32, #tpu.memory_space<vmem>> -> memref<1x80xi32, #tpu.memory_space<vmem>>
    %dma_start3A_135 = tpu.memref_squeeze %dma_start3A_134 : memref<1x80xi32, #tpu.memory_space<vmem>> -> memref<80xi32, #tpu.memory_space<vmem>>
    %dma_start3A_136 = tpu.memref_slice %arg3[%add3A_131] : memref<640000xi32, #tpu.memory_space<hbm>> -> memref<80xi32, #tpu.memory_space<hbm>>
    %dma_start3A_137 = arith.constant 0 : i32
    %dma_start3A_138 = tpu.memref_slice %arg6[%dma_start3A_132, %dma_start3A_137] : memref<8x80xi32, #tpu.memory_space<vmem>> -> memref<1x80xi32, #tpu.memory_space<vmem>>
    %dma_start3A_139 = tpu.memref_squeeze %dma_start3A_138 : memref<1x80xi32, #tpu.memory_space<vmem>> -> memref<80xi32, #tpu.memory_space<vmem>>
    %dma_start3A_140 = tpu.memref_slice %arg3[%add3A_131] : memref<640000xi32, #tpu.memory_space<hbm>> -> memref<80xi32, #tpu.memory_space<hbm>>
    tpu.enqueue_dma source(%dma_start3A_140 : memref<80xi32, #tpu.memory_space<hbm>>) target(%dma_start3A_139 : memref<80xi32, #tpu.memory_space<vmem>>) target_semaphore(%arg25 : memref<!tpu.dma_semaphore, #tpu.memory_space<semaphore_mem>>)
    %dma_wait3A = arith.constant 0 : i32
    %dma_wait3A_141 = arith.constant 0 : i32
    %dma_wait3A_142 = tpu.memref_slice %arg5[%dma_wait3A, %dma_wait3A_141] : memref<8x80xi32, #tpu.memory_space<vmem>> -> memref<1x80xi32, #tpu.memory_space<vmem>>
    %dma_wait3A_143 = tpu.memref_squeeze %dma_wait3A_142 : memref<1x80xi32, #tpu.memory_space<vmem>> -> memref<80xi32, #tpu.memory_space<vmem>>
    %dma_wait3A_144 = arith.constant 0 : i32
    %dma_wait3A_145 = tpu.memref_slice %arg3[%dma_wait3A_144] : memref<640000xi32, #tpu.memory_space<hbm>> -> memref<80xi32, #tpu.memory_space<hbm>>
    %dma_wait3A_146 = arith.constant 0 : i32
    %dma_wait3A_147 = tpu.memref_slice %arg5[%dma_wait3A, %dma_wait3A_146] : memref<8x80xi32, #tpu.memory_space<vmem>> -> memref<1x80xi32, #tpu.memory_space<vmem>>
    %dma_wait3A_148 = tpu.memref_squeeze %dma_wait3A_147 : memref<1x80xi32, #tpu.memory_space<vmem>> -> memref<80xi32, #tpu.memory_space<vmem>>
    %dma_wait3A_149 = arith.constant 0 : i32
    %dma_wait3A_150 = tpu.memref_slice %arg3[%dma_wait3A_149] : memref<640000xi32, #tpu.memory_space<hbm>> -> memref<80xi32, #tpu.memory_space<hbm>>
    tpu.wait_dma2 semaphore(%arg20 : memref<!tpu.dma_semaphore, #tpu.memory_space<semaphore_mem>>) src(%dma_wait3A_150 : memref<80xi32, #tpu.memory_space<hbm>>) dst(%dma_wait3A_148 : memref<80xi32, #tpu.memory_space<vmem>>)
    %dma_wait3A_151 = arith.constant 0 : i32
    %dma_wait3A_152 = arith.constant 0 : i32
    %dma_wait3A_153 = tpu.memref_slice %arg6[%dma_wait3A_151, %dma_wait3A_152] : memref<8x80xi32, #tpu.memory_space<vmem>> -> memref<1x80xi32, #tpu.memory_space<vmem>>
    %dma_wait3A_154 = tpu.memref_squeeze %dma_wait3A_153 : memref<1x80xi32, #tpu.memory_space<vmem>> -> memref<80xi32, #tpu.memory_space<vmem>>
    %dma_wait3A_155 = arith.constant 0 : i32
    %dma_wait3A_156 = tpu.memref_slice %arg3[%dma_wait3A_155] : memref<640000xi32, #tpu.memory_space<hbm>> -> memref<80xi32, #tpu.memory_space<hbm>>
    %dma_wait3A_157 = arith.constant 0 : i32
    %dma_wait3A_158 = tpu.memref_slice %arg6[%dma_wait3A_151, %dma_wait3A_157] : memref<8x80xi32, #tpu.memory_space<vmem>> -> memref<1x80xi32, #tpu.memory_space<vmem>>
    %dma_wait3A_159 = tpu.memref_squeeze %dma_wait3A_158 : memref<1x80xi32, #tpu.memory_space<vmem>> -> memref<80xi32, #tpu.memory_space<vmem>>
    %dma_wait3A_160 = arith.constant 0 : i32
    %dma_wait3A_161 = tpu.memref_slice %arg3[%dma_wait3A_160] : memref<640000xi32, #tpu.memory_space<hbm>> -> memref<80xi32, #tpu.memory_space<hbm>>
    tpu.wait_dma2 semaphore(%arg20 : memref<!tpu.dma_semaphore, #tpu.memory_space<semaphore_mem>>) src(%dma_wait3A_161 : memref<80xi32, #tpu.memory_space<hbm>>) dst(%dma_wait3A_159 : memref<80xi32, #tpu.memory_space<vmem>>)
    %dma_start3A_162 = arith.constant 0 : i32
    %dma_start3A_163 = arith.constant 0 : i32
    %dma_start3A_164 = tpu.memref_slice %arg5[%dma_start3A_162, %dma_start3A_163] : memref<8x80xi32, #tpu.memory_space<vmem>> -> memref<1x80xi32, #tpu.memory_space<vmem>>
    %dma_start3A_165 = tpu.memref_squeeze %dma_start3A_164 : memref<1x80xi32, #tpu.memory_space<vmem>> -> memref<80xi32, #tpu.memory_space<vmem>>
    %dma_start3A_166 = arith.constant 0 : i32
    %dma_start3A_167 = arith.constant 0 : i32
    %dma_start3A_168 = tpu.memref_slice %arg2[%dma_start3A_166, %dma_start3A_167] : memref<10000x128xf32, #tpu.memory_space<hbm>> -> memref<10000x128xf32, #tpu.memory_space<hbm>>
    tpu.enqueue_indirect_dma source(%dma_start3A_168 : memref<10000x128xf32, #tpu.memory_space<hbm>>) target(%arg7 : memref<80x128xf32, #tpu.memory_space<vmem>>) offsets(%dma_start3A_165 : memref<80xi32, #tpu.memory_space<vmem>>) semaphore(%arg12 : memref<!tpu.dma_semaphore, #tpu.memory_space<semaphore_mem>>)
    %dma_wait3A_169 = arith.constant 1 : i32
    %dma_wait3A_170 = arith.constant 0 : i32
    %dma_wait3A_171 = tpu.memref_slice %arg5[%dma_wait3A_169, %dma_wait3A_170] : memref<8x80xi32, #tpu.memory_space<vmem>> -> memref<1x80xi32, #tpu.memory_space<vmem>>
    %dma_wait3A_172 = tpu.memref_squeeze %dma_wait3A_171 : memref<1x80xi32, #tpu.memory_space<vmem>> -> memref<80xi32, #tpu.memory_space<vmem>>
    %dma_wait3A_173 = arith.constant 0 : i32
    %dma_wait3A_174 = tpu.memref_slice %arg3[%dma_wait3A_173] : memref<640000xi32, #tpu.memory_space<hbm>> -> memref<80xi32, #tpu.memory_space<hbm>>
    %dma_wait3A_175 = arith.constant 0 : i32
    %dma_wait3A_176 = tpu.memref_slice %arg5[%dma_wait3A_169, %dma_wait3A_175] : memref<8x80xi32, #tpu.memory_space<vmem>> -> memref<1x80xi32, #tpu.memory_space<vmem>>
    %dma_wait3A_177 = tpu.memref_squeeze %dma_wait3A_176 : memref<1x80xi32, #tpu.memory_space<vmem>> -> memref<80xi32, #tpu.memory_space<vmem>>
    %dma_wait3A_178 = arith.constant 0 : i32
    %dma_wait3A_179 = tpu.memref_slice %arg3[%dma_wait3A_178] : memref<640000xi32, #tpu.memory_space<hbm>> -> memref<80xi32, #tpu.memory_space<hbm>>
    tpu.wait_dma2 semaphore(%arg21 : memref<!tpu.dma_semaphore, #tpu.memory_space<semaphore_mem>>) src(%dma_wait3A_179 : memref<80xi32, #tpu.memory_space<hbm>>) dst(%dma_wait3A_177 : memref<80xi32, #tpu.memory_space<vmem>>)
    %dma_wait3A_180 = arith.constant 1 : i32
    %dma_wait3A_181 = arith.constant 0 : i32
    %dma_wait3A_182 = tpu.memref_slice %arg6[%dma_wait3A_180, %dma_wait3A_181] : memref<8x80xi32, #tpu.memory_space<vmem>> -> memref<1x80xi32, #tpu.memory_space<vmem>>
    %dma_wait3A_183 = tpu.memref_squeeze %dma_wait3A_182 : memref<1x80xi32, #tpu.memory_space<vmem>> -> memref<80xi32, #tpu.memory_space<vmem>>
    %dma_wait3A_184 = arith.constant 0 : i32
    %dma_wait3A_185 = tpu.memref_slice %arg3[%dma_wait3A_184] : memref<640000xi32, #tpu.memory_space<hbm>> -> memref<80xi32, #tpu.memory_space<hbm>>
    %dma_wait3A_186 = arith.constant 0 : i32
    %dma_wait3A_187 = tpu.memref_slice %arg6[%dma_wait3A_180, %dma_wait3A_186] : memref<8x80xi32, #tpu.memory_space<vmem>> -> memref<1x80xi32, #tpu.memory_space<vmem>>
    %dma_wait3A_188 = tpu.memref_squeeze %dma_wait3A_187 : memref<1x80xi32, #tpu.memory_space<vmem>> -> memref<80xi32, #tpu.memory_space<vmem>>
    %dma_wait3A_189 = arith.constant 0 : i32
    %dma_wait3A_190 = tpu.memref_slice %arg3[%dma_wait3A_189] : memref<640000xi32, #tpu.memory_space<hbm>> -> memref<80xi32, #tpu.memory_space<hbm>>
    tpu.wait_dma2 semaphore(%arg21 : memref<!tpu.dma_semaphore, #tpu.memory_space<semaphore_mem>>) src(%dma_wait3A_190 : memref<80xi32, #tpu.memory_space<hbm>>) dst(%dma_wait3A_188 : memref<80xi32, #tpu.memory_space<vmem>>)
    %dma_start3A_191 = arith.constant 1 : i32
    %dma_start3A_192 = arith.constant 0 : i32
    %dma_start3A_193 = tpu.memref_slice %arg5[%dma_start3A_191, %dma_start3A_192] : memref<8x80xi32, #tpu.memory_space<vmem>> -> memref<1x80xi32, #tpu.memory_space<vmem>>
    %dma_start3A_194 = tpu.memref_squeeze %dma_start3A_193 : memref<1x80xi32, #tpu.memory_space<vmem>> -> memref<80xi32, #tpu.memory_space<vmem>>
    %dma_start3A_195 = arith.constant 0 : i32
    %dma_start3A_196 = arith.constant 0 : i32
    %dma_start3A_197 = tpu.memref_slice %arg2[%dma_start3A_195, %dma_start3A_196] : memref<10000x128xf32, #tpu.memory_space<hbm>> -> memref<10000x128xf32, #tpu.memory_space<hbm>>
    tpu.enqueue_indirect_dma source(%dma_start3A_197 : memref<10000x128xf32, #tpu.memory_space<hbm>>) target(%arg8 : memref<80x128xf32, #tpu.memory_space<vmem>>) offsets(%dma_start3A_194 : memref<80xi32, #tpu.memory_space<vmem>>) semaphore(%arg13 : memref<!tpu.dma_semaphore, #tpu.memory_space<semaphore_mem>>)
    %dma_wait3A_198 = arith.constant 2 : i32
    %dma_wait3A_199 = arith.constant 0 : i32
    %dma_wait3A_200 = tpu.memref_slice %arg5[%dma_wait3A_198, %dma_wait3A_199] : memref<8x80xi32, #tpu.memory_space<vmem>> -> memref<1x80xi32, #tpu.memory_space<vmem>>
    %dma_wait3A_201 = tpu.memref_squeeze %dma_wait3A_200 : memref<1x80xi32, #tpu.memory_space<vmem>> -> memref<80xi32, #tpu.memory_space<vmem>>
    %dma_wait3A_202 = arith.constant 0 : i32
    %dma_wait3A_203 = tpu.memref_slice %arg3[%dma_wait3A_202] : memref<640000xi32, #tpu.memory_space<hbm>> -> memref<80xi32, #tpu.memory_space<hbm>>
    %dma_wait3A_204 = arith.constant 0 : i32
    %dma_wait3A_205 = tpu.memref_slice %arg5[%dma_wait3A_198, %dma_wait3A_204] : memref<8x80xi32, #tpu.memory_space<vmem>> -> memref<1x80xi32, #tpu.memory_space<vmem>>
    %dma_wait3A_206 = tpu.memref_squeeze %dma_wait3A_205 : memref<1x80xi32, #tpu.memory_space<vmem>> -> memref<80xi32, #tpu.memory_space<vmem>>
    %dma_wait3A_207 = arith.constant 0 : i32
    %dma_wait3A_208 = tpu.memref_slice %arg3[%dma_wait3A_207] : memref<640000xi32, #tpu.memory_space<hbm>> -> memref<80xi32, #tpu.memory_space<hbm>>
    tpu.wait_dma2 semaphore(%arg22 : memref<!tpu.dma_semaphore, #tpu.memory_space<semaphore_mem>>) src(%dma_wait3A_208 : memref<80xi32, #tpu.memory_space<hbm>>) dst(%dma_wait3A_206 : memref<80xi32, #tpu.memory_space<vmem>>)
    %dma_wait3A_209 = arith.constant 2 : i32
    %dma_wait3A_210 = arith.constant 0 : i32
    %dma_wait3A_211 = tpu.memref_slice %arg6[%dma_wait3A_209, %dma_wait3A_210] : memref<8x80xi32, #tpu.memory_space<vmem>> -> memref<1x80xi32, #tpu.memory_space<vmem>>
    %dma_wait3A_212 = tpu.memref_squeeze %dma_wait3A_211 : memref<1x80xi32, #tpu.memory_space<vmem>> -> memref<80xi32, #tpu.memory_space<vmem>>
    %dma_wait3A_213 = arith.constant 0 : i32
    %dma_wait3A_214 = tpu.memref_slice %arg3[%dma_wait3A_213] : memref<640000xi32, #tpu.memory_space<hbm>> -> memref<80xi32, #tpu.memory_space<hbm>>
    %dma_wait3A_215 = arith.constant 0 : i32
    %dma_wait3A_216 = tpu.memref_slice %arg6[%dma_wait3A_209, %dma_wait3A_215] : memref<8x80xi32, #tpu.memory_space<vmem>> -> memref<1x80xi32, #tpu.memory_space<vmem>>
    %dma_wait3A_217 = tpu.memref_squeeze %dma_wait3A_216 : memref<1x80xi32, #tpu.memory_space<vmem>> -> memref<80xi32, #tpu.memory_space<vmem>>
    %dma_wait3A_218 = arith.constant 0 : i32
    %dma_wait3A_219 = tpu.memref_slice %arg3[%dma_wait3A_218] : memref<640000xi32, #tpu.memory_space<hbm>> -> memref<80xi32, #tpu.memory_space<hbm>>
    tpu.wait_dma2 semaphore(%arg22 : memref<!tpu.dma_semaphore, #tpu.memory_space<semaphore_mem>>) src(%dma_wait3A_219 : memref<80xi32, #tpu.memory_space<hbm>>) dst(%dma_wait3A_217 : memref<80xi32, #tpu.memory_space<vmem>>)
    %dma_start3A_220 = arith.constant 2 : i32
    %dma_start3A_221 = arith.constant 0 : i32
    %dma_start3A_222 = tpu.memref_slice %arg5[%dma_start3A_220, %dma_start3A_221] : memref<8x80xi32, #tpu.memory_space<vmem>> -> memref<1x80xi32, #tpu.memory_space<vmem>>
    %dma_start3A_223 = tpu.memref_squeeze %dma_start3A_222 : memref<1x80xi32, #tpu.memory_space<vmem>> -> memref<80xi32, #tpu.memory_space<vmem>>
    %dma_start3A_224 = arith.constant 0 : i32
    %dma_start3A_225 = arith.constant 0 : i32
    %dma_start3A_226 = tpu.memref_slice %arg2[%dma_start3A_224, %dma_start3A_225] : memref<10000x128xf32, #tpu.memory_space<hbm>> -> memref<10000x128xf32, #tpu.memory_space<hbm>>
    tpu.enqueue_indirect_dma source(%dma_start3A_226 : memref<10000x128xf32, #tpu.memory_space<hbm>>) target(%arg9 : memref<80x128xf32, #tpu.memory_space<vmem>>) offsets(%dma_start3A_223 : memref<80xi32, #tpu.memory_space<vmem>>) semaphore(%arg14 : memref<!tpu.dma_semaphore, #tpu.memory_space<semaphore_mem>>)
    %eq3A = arith.constant 0 : i32
    %eq3A_227 = arith.cmpi eq, %arg0, %eq3A : i32
    %convert_element_type3A = arith.extui %eq3A_227 : i1 to i32
    %cond3A = arith.constant 0 : i32
    %cond3A_228 = arith.cmpi ne, %convert_element_type3A, %cond3A : i32
    scf.if %cond3A_228 {
      "tpu.region"() ({
        %run_scoped3A = tpu.sem_alloc : memref<!tpu.dma_semaphore, #tpu.memory_space<semaphore_mem>>
        %dma_start3A_277 = arith.constant 0 : i32
        %dma_start3A_278 = tpu.memref_slice %arg11[%mul3A_4, %dma_start3A_277] : memref<10000x128xf32, #tpu.memory_space<vmem_shared>> -> memref<624x128xf32, #tpu.memory_space<vmem_shared>>
        %dma_start3A_279 = arith.constant 0 : i32
        %dma_start3A_280 = tpu.memref_slice %arg2[%mul3A_4, %dma_start3A_279] : memref<10000x128xf32, #tpu.memory_space<hbm>> -> memref<624x128xf32, #tpu.memory_space<hbm>>
        tpu.enqueue_dma source(%dma_start3A_280 : memref<624x128xf32, #tpu.memory_space<hbm>>) target(%dma_start3A_278 : memref<624x128xf32, #tpu.memory_space<vmem_shared>>) target_semaphore(%run_scoped3A : memref<!tpu.dma_semaphore, #tpu.memory_space<semaphore_mem>>)
        %dma_wait3A_281 = arith.constant 0 : i32
        %dma_wait3A_282 = tpu.memref_slice %arg11[%mul3A_4, %dma_wait3A_281] : memref<10000x128xf32, #tpu.memory_space<vmem_shared>> -> memref<624x128xf32, #tpu.memory_space<vmem_shared>>
        %dma_wait3A_283 = arith.constant 0 : i32
        %dma_wait3A_284 = tpu.memref_slice %arg2[%mul3A_4, %dma_wait3A_283] : memref<10000x128xf32, #tpu.memory_space<hbm>> -> memref<624x128xf32, #tpu.memory_space<hbm>>
        tpu.wait_dma2 semaphore(%run_scoped3A : memref<!tpu.dma_semaphore, #tpu.memory_space<semaphore_mem>>) src(%dma_wait3A_284 : memref<624x128xf32, #tpu.memory_space<hbm>>) dst(%dma_wait3A_282 : memref<624x128xf32, #tpu.memory_space<vmem_shared>>)
        tpu.yield
      }) : () -> ()
      %eq3A_272 = arith.constant 15 : i32
      %eq3A_273 = arith.cmpi eq, %arg1, %eq3A_272 : i32
      %convert_element_type3A_274 = arith.extui %eq3A_273 : i1 to i32
      %cond3A_275 = arith.constant 0 : i32
      %cond3A_276 = arith.cmpi ne, %convert_element_type3A_274, %cond3A_275 : i32
      scf.if %cond3A_276 {
        "tpu.region"() ({
          %run_scoped3A = tpu.sem_alloc : memref<!tpu.dma_semaphore, #tpu.memory_space<semaphore_mem>>
          %dma_start3A_277 = arith.constant 9984 : i32
          %dma_start3A_278 = arith.constant 0 : i32
          %dma_start3A_279 = tpu.memref_slice %arg11[%dma_start3A_277, %dma_start3A_278] : memref<10000x128xf32, #tpu.memory_space<vmem_shared>> -> memref<16x128xf32, #tpu.memory_space<vmem_shared>>
          %dma_start3A_280 = arith.constant 9984 : i32
          %dma_start3A_281 = arith.constant 0 : i32
          %dma_start3A_282 = tpu.memref_slice %arg2[%dma_start3A_280, %dma_start3A_281] : memref<10000x128xf32, #tpu.memory_space<hbm>> -> memref<16x128xf32, #tpu.memory_space<hbm>>
          tpu.enqueue_dma source(%dma_start3A_282 : memref<16x128xf32, #tpu.memory_space<hbm>>) target(%dma_start3A_279 : memref<16x128xf32, #tpu.memory_space<vmem_shared>>) target_semaphore(%run_scoped3A : memref<!tpu.dma_semaphore, #tpu.memory_space<semaphore_mem>>)
          %dma_wait3A_283 = arith.constant 9984 : i32
          %dma_wait3A_284 = arith.constant 0 : i32
          %dma_wait3A_285 = tpu.memref_slice %arg11[%dma_wait3A_283, %dma_wait3A_284] : memref<10000x128xf32, #tpu.memory_space<vmem_shared>> -> memref<16x128xf32, #tpu.memory_space<vmem_shared>>
          %dma_wait3A_286 = arith.constant 9984 : i32
          %dma_wait3A_287 = arith.constant 0 : i32
          %dma_wait3A_288 = tpu.memref_slice %arg2[%dma_wait3A_286, %dma_wait3A_287] : memref<10000x128xf32, #tpu.memory_space<hbm>> -> memref<16x128xf32, #tpu.memory_space<hbm>>
          tpu.wait_dma2 semaphore(%run_scoped3A : memref<!tpu.dma_semaphore, #tpu.memory_space<semaphore_mem>>) src(%dma_wait3A_288 : memref<16x128xf32, #tpu.memory_space<hbm>>) dst(%dma_wait3A_285 : memref<16x128xf32, #tpu.memory_space<vmem_shared>>)
          tpu.yield
        }) : () -> ()
      } else {
      }
    } else {
    }
    %ne3A = arith.constant 0 : i32
    %ne3A_229 = arith.cmpi ne, %arg0, %ne3A : i32
    %convert_element_type3A_230 = arith.extui %ne3A_229 : i1 to i32
    %cond3A_231 = arith.constant 0 : i32
    %cond3A_232 = arith.cmpi ne, %convert_element_type3A_230, %cond3A_231 : i32
    scf.if %cond3A_232 {
      %scan3A_272 = arith.constant 0 : i32
      %scan3A_273 = arith.constant 0 : i32
      %scan3A_274 = arith.constant 80 : i32
      %scan3A_275 = arith.addi %scan3A_273, %scan3A_274 : i32
      %scan3A_276 = arith.constant 1 : i32
      scf.for %scan3A_300 = %scan3A_273 to %scan3A_275 step %scan3A_276  : i32 {
        %broadcast_in_dim3A = arith.constant 0.000000e+00 : f32
        %broadcast_in_dim3A_301 = vector.broadcast %broadcast_in_dim3A : f32 to vector<16xf32>
        %swap3A = arith.index_cast %scan3A_300 : i32 to index
        %swap3A_302 = arith.constant 0 : index
        %swap3A_303 = tpu.vector_load %arg10[%swap3A, %swap3A_302] {strides = array<i32>} : memref<80x128xf32, #tpu.memory_space<vmem>>, vector<1x16xf32>,
        %swap3A_304 = vector.shape_cast %swap3A_303 : vector<1x16xf32> to vector<16xf32>
        %swap3A_305 = vector.shape_cast %broadcast_in_dim3A_301 : vector<16xf32> to vector<1x16xf32>
        tpu.vector_store %arg10[%swap3A, %swap3A_302], %swap3A_305 {strides = array<i32>} : memref<80x128xf32, #tpu.memory_space<vmem>>, vector<1x16xf32>,
        %broadcast_in_dim3A_306 = arith.constant 0.000000e+00 : f32
        %broadcast_in_dim3A_307 = vector.broadcast %broadcast_in_dim3A_306 : f32 to vector<16xf32>
        %swap3A_308 = arith.index_cast %scan3A_300 : i32 to index
        %swap3A_309 = arith.constant 16 : index
        %swap3A_310 = tpu.vector_load %arg10[%swap3A_308, %swap3A_309] {strides = array<i32>} : memref<80x128xf32, #tpu.memory_space<vmem>>, vector<1x16xf32>,
        %swap3A_311 = vector.shape_cast %swap3A_310 : vector<1x16xf32> to vector<16xf32>
        %swap3A_312 = vector.shape_cast %broadcast_in_dim3A_307 : vector<16xf32> to vector<1x16xf32>
        tpu.vector_store %arg10[%swap3A_308, %swap3A_309], %swap3A_312 {strides = array<i32>} : memref<80x128xf32, #tpu.memory_space<vmem>>, vector<1x16xf32>,
        %broadcast_in_dim3A_313 = arith.constant 0.000000e+00 : f32
        %broadcast_in_dim3A_314 = vector.broadcast %broadcast_in_dim3A_313 : f32 to vector<16xf32>
        %swap3A_315 = arith.index_cast %scan3A_300 : i32 to index
        %swap3A_316 = arith.constant 32 : index
        %swap3A_317 = tpu.vector_load %arg10[%swap3A_315, %swap3A_316] {strides = array<i32>} : memref<80x128xf32, #tpu.memory_space<vmem>>, vector<1x16xf32>,
        %swap3A_318 = vector.shape_cast %swap3A_317 : vector<1x16xf32> to vector<16xf32>
        %swap3A_319 = vector.shape_cast %broadcast_in_dim3A_314 : vector<16xf32> to vector<1x16xf32>
        tpu.vector_store %arg10[%swap3A_315, %swap3A_316], %swap3A_319 {strides = array<i32>} : memref<80x128xf32, #tpu.memory_space<vmem>>, vector<1x16xf32>,
        %broadcast_in_dim3A_320 = arith.constant 0.000000e+00 : f32
        %broadcast_in_dim3A_321 = vector.broadcast %broadcast_in_dim3A_320 : f32 to vector<16xf32>
        %swap3A_322 = arith.index_cast %scan3A_300 : i32 to index
        %swap3A_323 = arith.constant 48 : index
        %swap3A_324 = tpu.vector_load %arg10[%swap3A_322, %swap3A_323] {strides = array<i32>} : memref<80x128xf32, #tpu.memory_space<vmem>>, vector<1x16xf32>,
        %swap3A_325 = vector.shape_cast %swap3A_324 : vector<1x16xf32> to vector<16xf32>
        %swap3A_326 = vector.shape_cast %broadcast_in_dim3A_321 : vector<16xf32> to vector<1x16xf32>
        tpu.vector_store %arg10[%swap3A_322, %swap3A_323], %swap3A_326 {strides = array<i32>} : memref<80x128xf32, #tpu.memory_space<vmem>>, vector<1x16xf32>,
        %broadcast_in_dim3A_327 = arith.constant 0.000000e+00 : f32
        %broadcast_in_dim3A_328 = vector.broadcast %broadcast_in_dim3A_327 : f32 to vector<16xf32>
        %swap3A_329 = arith.index_cast %scan3A_300 : i32 to index
        %swap3A_330 = arith.constant 64 : index
        %swap3A_331 = tpu.vector_load %arg10[%swap3A_329, %swap3A_330] {strides = array<i32>} : memref<80x128xf32, #tpu.memory_space<vmem>>, vector<1x16xf32>,
        %swap3A_332 = vector.shape_cast %swap3A_331 : vector<1x16xf32> to vector<16xf32>
        %swap3A_333 = vector.shape_cast %broadcast_in_dim3A_328 : vector<16xf32> to vector<1x16xf32>
        tpu.vector_store %arg10[%swap3A_329, %swap3A_330], %swap3A_333 {strides = array<i32>} : memref<80x128xf32, #tpu.memory_space<vmem>>, vector<1x16xf32>,
        %broadcast_in_dim3A_334 = arith.constant 0.000000e+00 : f32
        %broadcast_in_dim3A_335 = vector.broadcast %broadcast_in_dim3A_334 : f32 to vector<16xf32>
        %swap3A_336 = arith.index_cast %scan3A_300 : i32 to index
        %swap3A_337 = arith.constant 80 : index
        %swap3A_338 = tpu.vector_load %arg10[%swap3A_336, %swap3A_337] {strides = array<i32>} : memref<80x128xf32, #tpu.memory_space<vmem>>, vector<1x16xf32>,
        %swap3A_339 = vector.shape_cast %swap3A_338 : vector<1x16xf32> to vector<16xf32>
        %swap3A_340 = vector.shape_cast %broadcast_in_dim3A_335 : vector<16xf32> to vector<1x16xf32>
        tpu.vector_store %arg10[%swap3A_336, %swap3A_337], %swap3A_340 {strides = array<i32>} : memref<80x128xf32, #tpu.memory_space<vmem>>, vector<1x16xf32>,
        %broadcast_in_dim3A_341 = arith.constant 0.000000e+00 : f32
        %broadcast_in_dim3A_342 = vector.broadcast %broadcast_in_dim3A_341 : f32 to vector<16xf32>
        %swap3A_343 = arith.index_cast %scan3A_300 : i32 to index
        %swap3A_344 = arith.constant 96 : index
        %swap3A_345 = tpu.vector_load %arg10[%swap3A_343, %swap3A_344] {strides = array<i32>} : memref<80x128xf32, #tpu.memory_space<vmem>>, vector<1x16xf32>,
        %swap3A_346 = vector.shape_cast %swap3A_345 : vector<1x16xf32> to vector<16xf32>
        %swap3A_347 = vector.shape_cast %broadcast_in_dim3A_342 : vector<16xf32> to vector<1x16xf32>
        tpu.vector_store %arg10[%swap3A_343, %swap3A_344], %swap3A_347 {strides = array<i32>} : memref<80x128xf32, #tpu.memory_space<vmem>>, vector<1x16xf32>,
        %broadcast_in_dim3A_348 = arith.constant 0.000000e+00 : f32
        %broadcast_in_dim3A_349 = vector.broadcast %broadcast_in_dim3A_348 : f32 to vector<16xf32>
        %swap3A_350 = arith.index_cast %scan3A_300 : i32 to index
        %swap3A_351 = arith.constant 112 : index
        %swap3A_352 = tpu.vector_load %arg10[%swap3A_350, %swap3A_351] {strides = array<i32>} : memref<80x128xf32, #tpu.memory_space<vmem>>, vector<1x16xf32>,
        %swap3A_353 = vector.shape_cast %swap3A_352 : vector<1x16xf32> to vector<16xf32>
        %swap3A_354 = vector.shape_cast %broadcast_in_dim3A_349 : vector<16xf32> to vector<1x16xf32>
        tpu.vector_store %arg10[%swap3A_350, %swap3A_351], %swap3A_354 {strides = array<i32>} : memref<80x128xf32, #tpu.memory_space<vmem>>, vector<1x16xf32>,
      }
      %scan3A_277 = arith.constant 80 : i32
      %add3A_278 = arith.constant 0 : i32
      %add3A_279 = arith.addi %mul3A_4, %add3A_278 : i32
      "tpu.region"() ({
        %run_scoped3A = tpu.sem_alloc : memref<!tpu.dma_semaphore, #tpu.memory_space<semaphore_mem>>
        %dma_start3A_300 = arith.constant 0 : i32
        %dma_start3A_301 = tpu.memref_slice %arg11[%add3A_279, %dma_start3A_300] : memref<10000x128xf32, #tpu.memory_space<vmem_shared>> -> memref<80x128xf32, #tpu.memory_space<vmem_shared>>
        %dma_start3A_302 = arith.constant 0 : i32
        %dma_start3A_303 = tpu.memref_slice %arg11[%add3A_279, %dma_start3A_302] : memref<10000x128xf32, #tpu.memory_space<vmem_shared>> -> memref<80x128xf32, #tpu.memory_space<vmem_shared>>
        tpu.enqueue_dma source(%arg10 : memref<80x128xf32, #tpu.memory_space<vmem>>) target(%dma_start3A_303 : memref<80x128xf32, #tpu.memory_space<vmem_shared>>) target_semaphore(%run_scoped3A : memref<!tpu.dma_semaphore, #tpu.memory_space<semaphore_mem>>)
        %dma_wait3A_304 = arith.constant 0 : i32
        %dma_wait3A_305 = tpu.memref_slice %arg11[%add3A_279, %dma_wait3A_304] : memref<10000x128xf32, #tpu.memory_space<vmem_shared>> -> memref<80x128xf32, #tpu.memory_space<vmem_shared>>
        %dma_wait3A_306 = arith.constant 0 : i32
        %dma_wait3A_307 = tpu.memref_slice %arg11[%add3A_279, %dma_wait3A_306] : memref<10000x128xf32, #tpu.memory_space<vmem_shared>> -> memref<80x128xf32, #tpu.memory_space<vmem_shared>>
        tpu.wait_dma2 semaphore(%run_scoped3A : memref<!tpu.dma_semaphore, #tpu.memory_space<semaphore_mem>>) src(%arg10 : memref<80x128xf32, #tpu.memory_space<vmem>>) dst(%dma_wait3A_307 : memref<80x128xf32, #tpu.memory_space<vmem_shared>>)
        tpu.yield
      }) : () -> ()
      %add3A_280 = arith.constant 80 : i32
      %add3A_281 = arith.addi %mul3A_4, %add3A_280 : i32
      "tpu.region"() ({
        %run_scoped3A = tpu.sem_alloc : memref<!tpu.dma_semaphore, #tpu.memory_space<semaphore_mem>>
        %dma_start3A_300 = arith.constant 0 : i32
        %dma_start3A_301 = tpu.memref_slice %arg11[%add3A_281, %dma_start3A_300] : memref<10000x128xf32, #tpu.memory_space<vmem_shared>> -> memref<80x128xf32, #tpu.memory_space<vmem_shared>>
        %dma_start3A_302 = arith.constant 0 : i32
        %dma_start3A_303 = tpu.memref_slice %arg11[%add3A_281, %dma_start3A_302] : memref<10000x128xf32, #tpu.memory_space<vmem_shared>> -> memref<80x128xf32, #tpu.memory_space<vmem_shared>>
        tpu.enqueue_dma source(%arg10 : memref<80x128xf32, #tpu.memory_space<vmem>>) target(%dma_start3A_303 : memref<80x128xf32, #tpu.memory_space<vmem_shared>>) target_semaphore(%run_scoped3A : memref<!tpu.dma_semaphore, #tpu.memory_space<semaphore_mem>>)
        %dma_wait3A_304 = arith.constant 0 : i32
        %dma_wait3A_305 = tpu.memref_slice %arg11[%add3A_281, %dma_wait3A_304] : memref<10000x128xf32, #tpu.memory_space<vmem_shared>> -> memref<80x128xf32, #tpu.memory_space<vmem_shared>>
        %dma_wait3A_306 = arith.constant 0 : i32
        %dma_wait3A_307 = tpu.memref_slice %arg11[%add3A_281, %dma_wait3A_306] : memref<10000x128xf32, #tpu.memory_space<vmem_shared>> -> memref<80x128xf32, #tpu.memory_space<vmem_shared>>
        tpu.wait_dma2 semaphore(%run_scoped3A : memref<!tpu.dma_semaphore, #tpu.memory_space<semaphore_mem>>) src(%arg10 : memref<80x128xf32, #tpu.memory_space<vmem>>) dst(%dma_wait3A_307 : memref<80x128xf32, #tpu.memory_space<vmem_shared>>)
        tpu.yield
      }) : () -> ()
      %add3A_282 = arith.constant 160 : i32
      %add3A_283 = arith.addi %mul3A_4, %add3A_282 : i32
      "tpu.region"() ({
        %run_scoped3A = tpu.sem_alloc : memref<!tpu.dma_semaphore, #tpu.memory_space<semaphore_mem>>
        %dma_start3A_300 = arith.constant 0 : i32
        %dma_start3A_301 = tpu.memref_slice %arg11[%add3A_283, %dma_start3A_300] : memref<10000x128xf32, #tpu.memory_space<vmem_shared>> -> memref<80x128xf32, #tpu.memory_space<vmem_shared>>
        %dma_start3A_302 = arith.constant 0 : i32
        %dma_start3A_303 = tpu.memref_slice %arg11[%add3A_283, %dma_start3A_302] : memref<10000x128xf32, #tpu.memory_space<vmem_shared>> -> memref<80x128xf32, #tpu.memory_space<vmem_shared>>
        tpu.enqueue_dma source(%arg10 : memref<80x128xf32, #tpu.memory_space<vmem>>) target(%dma_start3A_303 : memref<80x128xf32, #tpu.memory_space<vmem_shared>>) target_semaphore(%run_scoped3A : memref<!tpu.dma_semaphore, #tpu.memory_space<semaphore_mem>>)
        %dma_wait3A_304 = arith.constant 0 : i32
        %dma_wait3A_305 = tpu.memref_slice %arg11[%add3A_283, %dma_wait3A_304] : memref<10000x128xf32, #tpu.memory_space<vmem_shared>> -> memref<80x128xf32, #tpu.memory_space<vmem_shared>>
        %dma_wait3A_306 = arith.constant 0 : i32
        %dma_wait3A_307 = tpu.memref_slice %arg11[%add3A_283, %dma_wait3A_306] : memref<10000x128xf32, #tpu.memory_space<vmem_shared>> -> memref<80x128xf32, #tpu.memory_space<vmem_shared>>
        tpu.wait_dma2 semaphore(%run_scoped3A : memref<!tpu.dma_semaphore, #tpu.memory_space<semaphore_mem>>) src(%arg10 : memref<80x128xf32, #tpu.memory_space<vmem>>) dst(%dma_wait3A_307 : memref<80x128xf32, #tpu.memory_space<vmem_shared>>)
        tpu.yield
      }) : () -> ()
      %add3A_284 = arith.constant 240 : i32
      %add3A_285 = arith.addi %mul3A_4, %add3A_284 : i32
      "tpu.region"() ({
        %run_scoped3A = tpu.sem_alloc : memref<!tpu.dma_semaphore, #tpu.memory_space<semaphore_mem>>
        %dma_start3A_300 = arith.constant 0 : i32
        %dma_start3A_301 = tpu.memref_slice %arg11[%add3A_285, %dma_start3A_300] : memref<10000x128xf32, #tpu.memory_space<vmem_shared>> -> memref<80x128xf32, #tpu.memory_space<vmem_shared>>
        %dma_start3A_302 = arith.constant 0 : i32
        %dma_start3A_303 = tpu.memref_slice %arg11[%add3A_285, %dma_start3A_302] : memref<10000x128xf32, #tpu.memory_space<vmem_shared>> -> memref<80x128xf32, #tpu.memory_space<vmem_shared>>
        tpu.enqueue_dma source(%arg10 : memref<80x128xf32, #tpu.memory_space<vmem>>) target(%dma_start3A_303 : memref<80x128xf32, #tpu.memory_space<vmem_shared>>) target_semaphore(%run_scoped3A : memref<!tpu.dma_semaphore, #tpu.memory_space<semaphore_mem>>)
        %dma_wait3A_304 = arith.constant 0 : i32
        %dma_wait3A_305 = tpu.memref_slice %arg11[%add3A_285, %dma_wait3A_304] : memref<10000x128xf32, #tpu.memory_space<vmem_shared>> -> memref<80x128xf32, #tpu.memory_space<vmem_shared>>
        %dma_wait3A_306 = arith.constant 0 : i32
        %dma_wait3A_307 = tpu.memref_slice %arg11[%add3A_285, %dma_wait3A_306] : memref<10000x128xf32, #tpu.memory_space<vmem_shared>> -> memref<80x128xf32, #tpu.memory_space<vmem_shared>>
        tpu.wait_dma2 semaphore(%run_scoped3A : memref<!tpu.dma_semaphore, #tpu.memory_space<semaphore_mem>>) src(%arg10 : memref<80x128xf32, #tpu.memory_space<vmem>>) dst(%dma_wait3A_307 : memref<80x128xf32, #tpu.memory_space<vmem_shared>>)
        tpu.yield
      }) : () -> ()
      %add3A_286 = arith.constant 320 : i32
      %add3A_287 = arith.addi %mul3A_4, %add3A_286 : i32
      "tpu.region"() ({
        %run_scoped3A = tpu.sem_alloc : memref<!tpu.dma_semaphore, #tpu.memory_space<semaphore_mem>>
        %dma_start3A_300 = arith.constant 0 : i32
        %dma_start3A_301 = tpu.memref_slice %arg11[%add3A_287, %dma_start3A_300] : memref<10000x128xf32, #tpu.memory_space<vmem_shared>> -> memref<80x128xf32, #tpu.memory_space<vmem_shared>>
        %dma_start3A_302 = arith.constant 0 : i32
        %dma_start3A_303 = tpu.memref_slice %arg11[%add3A_287, %dma_start3A_302] : memref<10000x128xf32, #tpu.memory_space<vmem_shared>> -> memref<80x128xf32, #tpu.memory_space<vmem_shared>>
        tpu.enqueue_dma source(%arg10 : memref<80x128xf32, #tpu.memory_space<vmem>>) target(%dma_start3A_303 : memref<80x128xf32, #tpu.memory_space<vmem_shared>>) target_semaphore(%run_scoped3A : memref<!tpu.dma_semaphore, #tpu.memory_space<semaphore_mem>>)
        %dma_wait3A_304 = arith.constant 0 : i32
        %dma_wait3A_305 = tpu.memref_slice %arg11[%add3A_287, %dma_wait3A_304] : memref<10000x128xf32, #tpu.memory_space<vmem_shared>> -> memref<80x128xf32, #tpu.memory_space<vmem_shared>>
        %dma_wait3A_306 = arith.constant 0 : i32
        %dma_wait3A_307 = tpu.memref_slice %arg11[%add3A_287, %dma_wait3A_306] : memref<10000x128xf32, #tpu.memory_space<vmem_shared>> -> memref<80x128xf32, #tpu.memory_space<vmem_shared>>
        tpu.wait_dma2 semaphore(%run_scoped3A : memref<!tpu.dma_semaphore, #tpu.memory_space<semaphore_mem>>) src(%arg10 : memref<80x128xf32, #tpu.memory_space<vmem>>) dst(%dma_wait3A_307 : memref<80x128xf32, #tpu.memory_space<vmem_shared>>)
        tpu.yield
      }) : () -> ()
      %add3A_288 = arith.constant 400 : i32
      %add3A_289 = arith.addi %mul3A_4, %add3A_288 : i32
      "tpu.region"() ({
        %run_scoped3A = tpu.sem_alloc : memref<!tpu.dma_semaphore, #tpu.memory_space<semaphore_mem>>
        %dma_start3A_300 = arith.constant 0 : i32
        %dma_start3A_301 = tpu.memref_slice %arg11[%add3A_289, %dma_start3A_300] : memref<10000x128xf32, #tpu.memory_space<vmem_shared>> -> memref<80x128xf32, #tpu.memory_space<vmem_shared>>
        %dma_start3A_302 = arith.constant 0 : i32
        %dma_start3A_303 = tpu.memref_slice %arg11[%add3A_289, %dma_start3A_302] : memref<10000x128xf32, #tpu.memory_space<vmem_shared>> -> memref<80x128xf32, #tpu.memory_space<vmem_shared>>
        tpu.enqueue_dma source(%arg10 : memref<80x128xf32, #tpu.memory_space<vmem>>) target(%dma_start3A_303 : memref<80x128xf32, #tpu.memory_space<vmem_shared>>) target_semaphore(%run_scoped3A : memref<!tpu.dma_semaphore, #tpu.memory_space<semaphore_mem>>)
        %dma_wait3A_304 = arith.constant 0 : i32
        %dma_wait3A_305 = tpu.memref_slice %arg11[%add3A_289, %dma_wait3A_304] : memref<10000x128xf32, #tpu.memory_space<vmem_shared>> -> memref<80x128xf32, #tpu.memory_space<vmem_shared>>
        %dma_wait3A_306 = arith.constant 0 : i32
        %dma_wait3A_307 = tpu.memref_slice %arg11[%add3A_289, %dma_wait3A_306] : memref<10000x128xf32, #tpu.memory_space<vmem_shared>> -> memref<80x128xf32, #tpu.memory_space<vmem_shared>>
        tpu.wait_dma2 semaphore(%run_scoped3A : memref<!tpu.dma_semaphore, #tpu.memory_space<semaphore_mem>>) src(%arg10 : memref<80x128xf32, #tpu.memory_space<vmem>>) dst(%dma_wait3A_307 : memref<80x128xf32, #tpu.memory_space<vmem_shared>>)
        tpu.yield
      }) : () -> ()
      %add3A_290 = arith.constant 480 : i32
      %add3A_291 = arith.addi %mul3A_4, %add3A_290 : i32
      "tpu.region"() ({
        %run_scoped3A = tpu.sem_alloc : memref<!tpu.dma_semaphore, #tpu.memory_space<semaphore_mem>>
        %dma_start3A_300 = arith.constant 0 : i32
        %dma_start3A_301 = tpu.memref_slice %arg11[%add3A_291, %dma_start3A_300] : memref<10000x128xf32, #tpu.memory_space<vmem_shared>> -> memref<80x128xf32, #tpu.memory_space<vmem_shared>>
        %dma_start3A_302 = arith.constant 0 : i32
        %dma_start3A_303 = tpu.memref_slice %arg11[%add3A_291, %dma_start3A_302] : memref<10000x128xf32, #tpu.memory_space<vmem_shared>> -> memref<80x128xf32, #tpu.memory_space<vmem_shared>>
        tpu.enqueue_dma source(%arg10 : memref<80x128xf32, #tpu.memory_space<vmem>>) target(%dma_start3A_303 : memref<80x128xf32, #tpu.memory_space<vmem_shared>>) target_semaphore(%run_scoped3A : memref<!tpu.dma_semaphore, #tpu.memory_space<semaphore_mem>>)
        %dma_wait3A_304 = arith.constant 0 : i32
        %dma_wait3A_305 = tpu.memref_slice %arg11[%add3A_291, %dma_wait3A_304] : memref<10000x128xf32, #tpu.memory_space<vmem_shared>> -> memref<80x128xf32, #tpu.memory_space<vmem_shared>>
        %dma_wait3A_306 = arith.constant 0 : i32
        %dma_wait3A_307 = tpu.memref_slice %arg11[%add3A_291, %dma_wait3A_306] : memref<10000x128xf32, #tpu.memory_space<vmem_shared>> -> memref<80x128xf32, #tpu.memory_space<vmem_shared>>
        tpu.wait_dma2 semaphore(%run_scoped3A : memref<!tpu.dma_semaphore, #tpu.memory_space<semaphore_mem>>) src(%arg10 : memref<80x128xf32, #tpu.memory_space<vmem>>) dst(%dma_wait3A_307 : memref<80x128xf32, #tpu.memory_space<vmem_shared>>)
        tpu.yield
      }) : () -> ()
      %add3A_292 = arith.constant 624 : i32
      %add3A_293 = arith.addi %mul3A_4, %add3A_292 : i32
      %sub3A = arith.constant 64 : i32
      %sub3A_294 = arith.subi %add3A_293, %sub3A : i32
      "tpu.region"() ({
        %run_scoped3A = tpu.sem_alloc : memref<!tpu.dma_semaphore, #tpu.memory_space<semaphore_mem>>
        %dma_start3A_300 = arith.constant 0 : i32
        %dma_start3A_301 = arith.constant 0 : i32
        %dma_start3A_302 = tpu.memref_slice %arg10[%dma_start3A_300, %dma_start3A_301] : memref<80x128xf32, #tpu.memory_space<vmem>> -> memref<64x128xf32, #tpu.memory_space<vmem>>
        %dma_start3A_303 = arith.constant 0 : i32
        %dma_start3A_304 = tpu.memref_slice %arg11[%sub3A_294, %dma_start3A_303] : memref<10000x128xf32, #tpu.memory_space<vmem_shared>> -> memref<64x128xf32, #tpu.memory_space<vmem_shared>>
        %dma_start3A_305 = arith.constant 0 : i32
        %dma_start3A_306 = tpu.memref_slice %arg11[%sub3A_294, %dma_start3A_305] : memref<10000x128xf32, #tpu.memory_space<vmem_shared>> -> memref<64x128xf32, #tpu.memory_space<vmem_shared>>
        %dma_start3A_307 = arith.constant 0 : i32
        %dma_start3A_308 = arith.constant 0 : i32
        %dma_start3A_309 = tpu.memref_slice %arg10[%dma_start3A_307, %dma_start3A_308] : memref<80x128xf32, #tpu.memory_space<vmem>> -> memref<64x128xf32, #tpu.memory_space<vmem>>
        tpu.enqueue_dma source(%dma_start3A_309 : memref<64x128xf32, #tpu.memory_space<vmem>>) target(%dma_start3A_306 : memref<64x128xf32, #tpu.memory_space<vmem_shared>>) target_semaphore(%run_scoped3A : memref<!tpu.dma_semaphore, #tpu.memory_space<semaphore_mem>>)
        %dma_wait3A_310 = arith.constant 0 : i32
        %dma_wait3A_311 = arith.constant 0 : i32
        %dma_wait3A_312 = tpu.memref_slice %arg10[%dma_wait3A_310, %dma_wait3A_311] : memref<80x128xf32, #tpu.memory_space<vmem>> -> memref<64x128xf32, #tpu.memory_space<vmem>>
        %dma_wait3A_313 = arith.constant 0 : i32
        %dma_wait3A_314 = tpu.memref_slice %arg11[%sub3A_294, %dma_wait3A_313] : memref<10000x128xf32, #tpu.memory_space<vmem_shared>> -> memref<64x128xf32, #tpu.memory_space<vmem_shared>>
        %dma_wait3A_315 = arith.constant 0 : i32
        %dma_wait3A_316 = tpu.memref_slice %arg11[%sub3A_294, %dma_wait3A_315] : memref<10000x128xf32, #tpu.memory_space<vmem_shared>> -> memref<64x128xf32, #tpu.memory_space<vmem_shared>>
        %dma_wait3A_317 = arith.constant 0 : i32
        %dma_wait3A_318 = arith.constant 0 : i32
        %dma_wait3A_319 = tpu.memref_slice %arg10[%dma_wait3A_317, %dma_wait3A_318] : memref<80x128xf32, #tpu.memory_space<vmem>> -> memref<64x128xf32, #tpu.memory_space<vmem>>
        tpu.wait_dma2 semaphore(%run_scoped3A : memref<!tpu.dma_semaphore, #tpu.memory_space<semaphore_mem>>) src(%dma_wait3A_319 : memref<64x128xf32, #tpu.memory_space<vmem>>) dst(%dma_wait3A_316 : memref<64x128xf32, #tpu.memory_space<vmem_shared>>)
        tpu.yield
      }) : () -> ()
      %eq3A_295 = arith.constant 15 : i32
      %eq3A_296 = arith.cmpi eq, %arg1, %eq3A_295 : i32
      %convert_element_type3A_297 = arith.extui %eq3A_296 : i1 to i32
      %cond3A_298 = arith.constant 0 : i32
      %cond3A_299 = arith.cmpi ne, %convert_element_type3A_297, %cond3A_298 : i32
      scf.if %cond3A_299 {
        "tpu.region"() ({
          %run_scoped3A = tpu.sem_alloc : memref<!tpu.dma_semaphore, #tpu.memory_space<semaphore_mem>>
          %dma_start3A_300 = arith.constant 0 : i32
          %dma_start3A_301 = arith.constant 0 : i32
          %dma_start3A_302 = tpu.memref_slice %arg10[%dma_start3A_300, %dma_start3A_301] : memref<80x128xf32, #tpu.memory_space<vmem>> -> memref<16x128xf32, #tpu.memory_space<vmem>>
          %dma_start3A_303 = arith.constant 9984 : i32
          %dma_start3A_304 = arith.constant 0 : i32
          %dma_start3A_305 = tpu.memref_slice %arg11[%dma_start3A_303, %dma_start3A_304] : memref<10000x128xf32, #tpu.memory_space<vmem_shared>> -> memref<16x128xf32, #tpu.memory_space<vmem_shared>>
          %dma_start3A_306 = arith.constant 9984 : i32
          %dma_start3A_307 = arith.constant 0 : i32
          %dma_start3A_308 = tpu.memref_slice %arg11[%dma_start3A_306, %dma_start3A_307] : memref<10000x128xf32, #tpu.memory_space<vmem_shared>> -> memref<16x128xf32, #tpu.memory_space<vmem_shared>>
          %dma_start3A_309 = arith.constant 0 : i32
          %dma_start3A_310 = arith.constant 0 : i32
          %dma_start3A_311 = tpu.memref_slice %arg10[%dma_start3A_309, %dma_start3A_310] : memref<80x128xf32, #tpu.memory_space<vmem>> -> memref<16x128xf32, #tpu.memory_space<vmem>>
          tpu.enqueue_dma source(%dma_start3A_311 : memref<16x128xf32, #tpu.memory_space<vmem>>) target(%dma_start3A_308 : memref<16x128xf32, #tpu.memory_space<vmem_shared>>) target_semaphore(%run_scoped3A : memref<!tpu.dma_semaphore, #tpu.memory_space<semaphore_mem>>)
          %dma_wait3A_312 = arith.constant 0 : i32
          %dma_wait3A_313 = arith.constant 0 : i32
          %dma_wait3A_314 = tpu.memref_slice %arg10[%dma_wait3A_312, %dma_wait3A_313] : memref<80x128xf32, #tpu.memory_space<vmem>> -> memref<16x128xf32, #tpu.memory_space<vmem>>
          %dma_wait3A_315 = arith.constant 9984 : i32
          %dma_wait3A_316 = arith.constant 0 : i32
          %dma_wait3A_317 = tpu.memref_slice %arg11[%dma_wait3A_315, %dma_wait3A_316] : memref<10000x128xf32, #tpu.memory_space<vmem_shared>> -> memref<16x128xf32, #tpu.memory_space<vmem_shared>>
          %dma_wait3A_318 = arith.constant 9984 : i32
          %dma_wait3A_319 = arith.constant 0 : i32
          %dma_wait3A_320 = tpu.memref_slice %arg11[%dma_wait3A_318, %dma_wait3A_319] : memref<10000x128xf32, #tpu.memory_space<vmem_shared>> -> memref<16x128xf32, #tpu.memory_space<vmem_shared>>
          %dma_wait3A_321 = arith.constant 0 : i32
          %dma_wait3A_322 = arith.constant 0 : i32
          %dma_wait3A_323 = tpu.memref_slice %arg10[%dma_wait3A_321, %dma_wait3A_322] : memref<80x128xf32, #tpu.memory_space<vmem>> -> memref<16x128xf32, #tpu.memory_space<vmem>>
          tpu.wait_dma2 semaphore(%run_scoped3A : memref<!tpu.dma_semaphore, #tpu.memory_space<semaphore_mem>>) src(%dma_wait3A_323 : memref<16x128xf32, #tpu.memory_space<vmem>>) dst(%dma_wait3A_320 : memref<16x128xf32, #tpu.memory_space<vmem_shared>>)
          tpu.yield
        }) : () -> ()
      } else {
      }
    } else {
    }
    %barrier3A = arith.constant 0 : index
    tpu.barrier barrier_id(%barrier3A)
    %scan3A = arith.constant 0 : i32
    %scan3A_233 = arith.constant 0 : i32
    %scan3A_234 = arith.constant 16 : i32
    %scan3A_235 = arith.addi %scan3A_233, %scan3A_234 : i32
    %scan3A_236 = arith.constant 1 : i32
    scf.for %scan3A_272 = %scan3A_233 to %scan3A_235 step %scan3A_236  : i32 {
      %mul3A_273 = arith.constant 8 : i32
      %mul3A_274 = arith.muli %scan3A_272, %mul3A_273 : i32
      %add3A_275 = arith.constant 0 : i32
      %add3A_276 = arith.addi %mul3A_274, %add3A_275 : i32
      %add3A_277 = arith.constant 3 : i32
      %add3A_278 = arith.addi %add3A_276, %add3A_277 : i32
      %add3A_279 = arith.constant 6 : i32
      %add3A_280 = arith.addi %add3A_276, %add3A_279 : i32
      %ge3A = arith.constant 4 : i32
      %ge3A_281 = arith.cmpi sge, %add3A_278, %ge3A : i32
      %lt3A = arith.constant 125 : i32
      %lt3A_282 = arith.cmpi slt, %add3A_278, %lt3A : i32
      %and3A = arith.andi %ge3A_281, %lt3A_282 : i1
      %convert_element_type3A_283 = arith.extui %and3A : i1 to i32
      %cond3A_284 = arith.constant 0 : i32
      %cond3A_285 = arith.cmpi ne, %convert_element_type3A_283, %cond3A_284 : i32
      scf.if %cond3A_285 {
        %dma_wait3A_518 = arith.constant 0 : i32
        %dma_wait3A_519 = arith.constant 0 : i32
        %dma_wait3A_520 = tpu.memref_slice %arg6[%dma_wait3A_518, %dma_wait3A_519] : memref<8x80xi32, #tpu.memory_space<vmem>> -> memref<1x80xi32, #tpu.memory_space<vmem>>
        %dma_wait3A_521 = tpu.memref_squeeze %dma_wait3A_520 : memref<1x80xi32, #tpu.memory_space<vmem>> -> memref<80xi32, #tpu.memory_space<vmem>>
        %dma_wait3A_522 = arith.constant 0 : i32
        %dma_wait3A_523 = arith.constant 0 : i32
        %dma_wait3A_524 = tpu.memref_slice %arg11[%dma_wait3A_522, %dma_wait3A_523] : memref<10000x128xf32, #tpu.memory_space<vmem_shared>> -> memref<10000x128xf32, #tpu.memory_space<vmem_shared>>
        tpu.wait_indirect_dma semaphore(%arg19 : memref<!tpu.dma_semaphore, #tpu.memory_space<semaphore_mem>>) src(%arg10 : memref<80x128xf32, #tpu.memory_space<vmem>>) dst(%dma_wait3A_524 : memref<10000x128xf32, #tpu.memory_space<vmem_shared>>)
      } else {
      }
      %lt3A_286 = arith.constant 125 : i32
      %lt3A_287 = arith.cmpi slt, %add3A_280, %lt3A_286 : i32
      %convert_element_type3A_288 = arith.extui %lt3A_287 : i1 to i32
      %cond3A_289 = arith.constant 0 : i32
      %cond3A_290 = arith.cmpi ne, %convert_element_type3A_288, %cond3A_289 : i32
      scf.if %cond3A_290 {
        %mul3A_518 = arith.constant 80 : i32
        %mul3A_519 = arith.muli %add3A_280, %mul3A_518 : i32
        %add3A_520 = arith.addi %mul3A_2, %mul3A_519 : i32
        %multiple_of3A_521 = tpu.assume_multiple %add3A_520, 8 : i32
        %dma_start3A_522 = arith.constant 6 : i32
        %dma_start3A_523 = arith.constant 0 : i32
        %dma_start3A_524 = tpu.memref_slice %arg5[%dma_start3A_522, %dma_start3A_523] : memref<8x80xi32, #tpu.memory_space<vmem>> -> memref<1x80xi32, #tpu.memory_space<vmem>>
        %dma_start3A_525 = tpu.memref_squeeze %dma_start3A_524 : memref<1x80xi32, #tpu.memory_space<vmem>> -> memref<80xi32, #tpu.memory_space<vmem>>
        %dma_start3A_526 = tpu.memref_slice %arg3[%multiple_of3A_521] : memref<640000xi32, #tpu.memory_space<hbm>> -> memref<80xi32, #tpu.memory_space<hbm>>
        %dma_start3A_527 = arith.constant 0 : i32
        %dma_start3A_528 = tpu.memref_slice %arg5[%dma_start3A_522, %dma_start3A_527] : memref<8x80xi32, #tpu.memory_space<vmem>> -> memref<1x80xi32, #tpu.memory_space<vmem>>
        %dma_start3A_529 = tpu.memref_squeeze %dma_start3A_528 : memref<1x80xi32, #tpu.memory_space<vmem>> -> memref<80xi32, #tpu.memory_space<vmem>>
        %dma_start3A_530 = tpu.memref_slice %arg3[%multiple_of3A_521] : memref<640000xi32, #tpu.memory_space<hbm>> -> memref<80xi32, #tpu.memory_space<hbm>>
        tpu.enqueue_dma source(%dma_start3A_530 : memref<80xi32, #tpu.memory_space<hbm>>) target(%dma_start3A_529 : memref<80xi32, #tpu.memory_space<vmem>>) target_semaphore(%arg26 : memref<!tpu.dma_semaphore, #tpu.memory_space<semaphore_mem>>)
        %add3A_531 = arith.constant 320000 : i32
        %add3A_532 = arith.addi %add3A_531, %multiple_of3A_521 : i32
        %dma_start3A_533 = arith.constant 6 : i32
        %dma_start3A_534 = arith.constant 0 : i32
        %dma_start3A_535 = tpu.memref_slice %arg6[%dma_start3A_533, %dma_start3A_534] : memref<8x80xi32, #tpu.memory_space<vmem>> -> memref<1x80xi32, #tpu.memory_space<vmem>>
        %dma_start3A_536 = tpu.memref_squeeze %dma_start3A_535 : memref<1x80xi32, #tpu.memory_space<vmem>> -> memref<80xi32, #tpu.memory_space<vmem>>
        %dma_start3A_537 = tpu.memref_slice %arg3[%add3A_532] : memref<640000xi32, #tpu.memory_space<hbm>> -> memref<80xi32, #tpu.memory_space<hbm>>
        %dma_start3A_538 = arith.constant 0 : i32
        %dma_start3A_539 = tpu.memref_slice %arg6[%dma_start3A_533, %dma_start3A_538] : memref<8x80xi32, #tpu.memory_space<vmem>> -> memref<1x80xi32, #tpu.memory_space<vmem>>
        %dma_start3A_540 = tpu.memref_squeeze %dma_start3A_539 : memref<1x80xi32, #tpu.memory_space<vmem>> -> memref<80xi32, #tpu.memory_space<vmem>>
        %dma_start3A_541 = tpu.memref_slice %arg3[%add3A_532] : memref<640000xi32, #tpu.memory_space<hbm>> -> memref<80xi32, #tpu.memory_space<hbm>>
        tpu.enqueue_dma source(%dma_start3A_541 : memref<80xi32, #tpu.memory_space<hbm>>) target(%dma_start3A_540 : memref<80xi32, #tpu.memory_space<vmem>>) target_semaphore(%arg26 : memref<!tpu.dma_semaphore, #tpu.memory_space<semaphore_mem>>)
      } else {
      }
      %lt3A_291 = arith.constant 125 : i32
      %lt3A_292 = arith.cmpi slt, %add3A_278, %lt3A_291 : i32
      %convert_element_type3A_293 = arith.extui %lt3A_292 : i1 to i32
      %cond3A_294 = arith.constant 0 : i32
      %cond3A_295 = arith.cmpi ne, %convert_element_type3A_293, %cond3A_294 : i32
      scf.if %cond3A_295 {
        %dma_wait3A_518 = arith.constant 3 : i32
        %dma_wait3A_519 = arith.constant 0 : i32
        %dma_wait3A_520 = tpu.memref_slice %arg5[%dma_wait3A_518, %dma_wait3A_519] : memref<8x80xi32, #tpu.memory_space<vmem>> -> memref<1x80xi32, #tpu.memory_space<vmem>>
        %dma_wait3A_521 = tpu.memref_squeeze %dma_wait3A_520 : memref<1x80xi32, #tpu.memory_space<vmem>> -> memref<80xi32, #tpu.memory_space<vmem>>
        %dma_wait3A_522 = arith.constant 0 : i32
        %dma_wait3A_523 = tpu.memref_slice %arg3[%dma_wait3A_522] : memref<640000xi32, #tpu.memory_space<hbm>> -> memref<80xi32, #tpu.memory_space<hbm>>
        %dma_wait3A_524 = arith.constant 0 : i32
        %dma_wait3A_525 = tpu.memref_slice %arg5[%dma_wait3A_518, %dma_wait3A_524] : memref<8x80xi32, #tpu.memory_space<vmem>> -> memref<1x80xi32, #tpu.memory_space<vmem>>
        %dma_wait3A_526 = tpu.memref_squeeze %dma_wait3A_525 : memref<1x80xi32, #tpu.memory_space<vmem>> -> memref<80xi32, #tpu.memory_space<vmem>>
        %dma_wait3A_527 = arith.constant 0 : i32
        %dma_wait3A_528 = tpu.memref_slice %arg3[%dma_wait3A_527] : memref<640000xi32, #tpu.memory_space<hbm>> -> memref<80xi32, #tpu.memory_space<hbm>>
        tpu.wait_dma2 semaphore(%arg23 : memref<!tpu.dma_semaphore, #tpu.memory_space<semaphore_mem>>) src(%dma_wait3A_528 : memref<80xi32, #tpu.memory_space<hbm>>) dst(%dma_wait3A_526 : memref<80xi32, #tpu.memory_space<vmem>>)
        %dma_wait3A_529 = arith.constant 3 : i32
        %dma_wait3A_530 = arith.constant 0 : i32
        %dma_wait3A_531 = tpu.memref_slice %arg6[%dma_wait3A_529, %dma_wait3A_530] : memref<8x80xi32, #tpu.memory_space<vmem>> -> memref<1x80xi32, #tpu.memory_space<vmem>>
        %dma_wait3A_532 = tpu.memref_squeeze %dma_wait3A_531 : memref<1x80xi32, #tpu.memory_space<vmem>> -> memref<80xi32, #tpu.memory_space<vmem>>
        %dma_wait3A_533 = arith.constant 0 : i32
        %dma_wait3A_534 = tpu.memref_slice %arg3[%dma_wait3A_533] : memref<640000xi32, #tpu.memory_space<hbm>> -> memref<80xi32, #tpu.memory_space<hbm>>
        %dma_wait3A_535 = arith.constant 0 : i32
        %dma_wait3A_536 = tpu.memref_slice %arg6[%dma_wait3A_529, %dma_wait3A_535] : memref<8x80xi32, #tpu.memory_space<vmem>> -> memref<1x80xi32, #tpu.memory_space<vmem>>
        %dma_wait3A_537 = tpu.memref_squeeze %dma_wait3A_536 : memref<1x80xi32, #tpu.memory_space<vmem>> -> memref<80xi32, #tpu.memory_space<vmem>>
        %dma_wait3A_538 = arith.constant 0 : i32
        %dma_wait3A_539 = tpu.memref_slice %arg3[%dma_wait3A_538] : memref<640000xi32, #tpu.memory_space<hbm>> -> memref<80xi32, #tpu.memory_space<hbm>>
        tpu.wait_dma2 semaphore(%arg23 : memref<!tpu.dma_semaphore, #tpu.memory_space<semaphore_mem>>) src(%dma_wait3A_539 : memref<80xi32, #tpu.memory_space<hbm>>) dst(%dma_wait3A_537 : memref<80xi32, #tpu.memory_space<vmem>>)
        %dma_start3A_540 = arith.constant 3 : i32
        %dma_start3A_541 = arith.constant 0 : i32
        %dma_start3A_542 = tpu.memref_slice %arg5[%dma_start3A_540, %dma_start3A_541] : memref<8x80xi32, #tpu.memory_space<vmem>> -> memref<1x80xi32, #tpu.memory_space<vmem>>
        %dma_start3A_543 = tpu.memref_squeeze %dma_start3A_542 : memref<1x80xi32, #tpu.memory_space<vmem>> -> memref<80xi32, #tpu.memory_space<vmem>>
        %dma_start3A_544 = arith.constant 0 : i32
        %dma_start3A_545 = arith.constant 0 : i32
        %dma_start3A_546 = tpu.memref_slice %arg2[%dma_start3A_544, %dma_start3A_545] : memref<10000x128xf32, #tpu.memory_space<hbm>> -> memref<10000x128xf32, #tpu.memory_space<hbm>>
        tpu.enqueue_indirect_dma source(%dma_start3A_546 : memref<10000x128xf32, #tpu.memory_space<hbm>>) target(%arg10 : memref<80x128xf32, #tpu.memory_space<vmem>>) offsets(%dma_start3A_543 : memref<80xi32, #tpu.memory_space<vmem>>) semaphore(%arg15 : memref<!tpu.dma_semaphore, #tpu.memory_space<semaphore_mem>>)
      } else {
      }
      %lt3A_296 = arith.constant 125 : i32
      %lt3A_297 = arith.cmpi slt, %add3A_276, %lt3A_296 : i32
      %convert_element_type3A_298 = arith.extui %lt3A_297 : i1 to i32
      %cond3A_299 = arith.constant 0 : i32
      %cond3A_300 = arith.cmpi ne, %convert_element_type3A_298, %cond3A_299 : i32
      scf.if %cond3A_300 {
        %dma_wait3A_518 = arith.constant 0 : i32
        %dma_wait3A_519 = arith.constant 0 : i32
        %dma_wait3A_520 = tpu.memref_slice %arg5[%dma_wait3A_518, %dma_wait3A_519] : memref<8x80xi32, #tpu.memory_space<vmem>> -> memref<1x80xi32, #tpu.memory_space<vmem>>
        %dma_wait3A_521 = tpu.memref_squeeze %dma_wait3A_520 : memref<1x80xi32, #tpu.memory_space<vmem>> -> memref<80xi32, #tpu.memory_space<vmem>>
        %dma_wait3A_522 = arith.constant 0 : i32
        %dma_wait3A_523 = arith.constant 0 : i32
        %dma_wait3A_524 = tpu.memref_slice %arg2[%dma_wait3A_522, %dma_wait3A_523] : memref<10000x128xf32, #tpu.memory_space<hbm>> -> memref<10000x128xf32, #tpu.memory_space<hbm>>
        tpu.wait_indirect_dma semaphore(%arg12 : memref<!tpu.dma_semaphore, #tpu.memory_space<semaphore_mem>>) src(%dma_wait3A_524 : memref<10000x128xf32, #tpu.memory_space<hbm>>) dst(%arg7 : memref<80x128xf32, #tpu.memory_space<vmem>>)
        %dma_start3A_525 = arith.constant 0 : i32
        %dma_start3A_526 = arith.constant 0 : i32
        %dma_start3A_527 = tpu.memref_slice %arg6[%dma_start3A_525, %dma_start3A_526] : memref<8x80xi32, #tpu.memory_space<vmem>> -> memref<1x80xi32, #tpu.memory_space<vmem>>
        %dma_start3A_528 = tpu.memref_squeeze %dma_start3A_527 : memref<1x80xi32, #tpu.memory_space<vmem>> -> memref<80xi32, #tpu.memory_space<vmem>>
        %dma_start3A_529 = arith.constant 0 : i32
        %dma_start3A_530 = arith.constant 0 : i32
        %dma_start3A_531 = tpu.memref_slice %arg11[%dma_start3A_529, %dma_start3A_530] : memref<10000x128xf32, #tpu.memory_space<vmem_shared>> -> memref<10000x128xf32, #tpu.memory_space<vmem_shared>>
        tpu.enqueue_indirect_dma source(%arg7 : memref<80x128xf32, #tpu.memory_space<vmem>>) target(%dma_start3A_531 : memref<10000x128xf32, #tpu.memory_space<vmem_shared>>) offsets(%dma_start3A_528 : memref<80xi32, #tpu.memory_space<vmem>>) semaphore(%arg16 : memref<!tpu.dma_semaphore, #tpu.memory_space<semaphore_mem>>) {add = true}
      } else {
      }
      %mul3A_301 = arith.constant 8 : i32
      %mul3A_302 = arith.muli %scan3A_272, %mul3A_301 : i32
      %add3A_303 = arith.constant 1 : i32
      %add3A_304 = arith.addi %mul3A_302, %add3A_303 : i32
      %add3A_305 = arith.constant 3 : i32
      %add3A_306 = arith.addi %add3A_304, %add3A_305 : i32
      %add3A_307 = arith.constant 6 : i32
      %add3A_308 = arith.addi %add3A_304, %add3A_307 : i32
      %ge3A_309 = arith.constant 4 : i32
      %ge3A_310 = arith.cmpi sge, %add3A_306, %ge3A_309 : i32
      %lt3A_311 = arith.constant 125 : i32
      %lt3A_312 = arith.cmpi slt, %add3A_306, %lt3A_311 : i32
      %and3A_313 = arith.andi %ge3A_310, %lt3A_312 : i1
      %convert_element_type3A_314 = arith.extui %and3A_313 : i1 to i32
      %cond3A_315 = arith.constant 0 : i32
      %cond3A_316 = arith.cmpi ne, %convert_element_type3A_314, %cond3A_315 : i32
      scf.if %cond3A_316 {
        %dma_wait3A_518 = arith.constant 0 : i32
        %dma_wait3A_519 = arith.constant 0 : i32
        %dma_wait3A_520 = tpu.memref_slice %arg6[%dma_wait3A_518, %dma_wait3A_519] : memref<8x80xi32, #tpu.memory_space<vmem>> -> memref<1x80xi32, #tpu.memory_space<vmem>>
        %dma_wait3A_521 = tpu.memref_squeeze %dma_wait3A_520 : memref<1x80xi32, #tpu.memory_space<vmem>> -> memref<80xi32, #tpu.memory_space<vmem>>
        %dma_wait3A_522 = arith.constant 0 : i32
        %dma_wait3A_523 = arith.constant 0 : i32
        %dma_wait3A_524 = tpu.memref_slice %arg11[%dma_wait3A_522, %dma_wait3A_523] : memref<10000x128xf32, #tpu.memory_space<vmem_shared>> -> memref<10000x128xf32, #tpu.memory_space<vmem_shared>>
        tpu.wait_indirect_dma semaphore(%arg16 : memref<!tpu.dma_semaphore, #tpu.memory_space<semaphore_mem>>) src(%arg7 : memref<80x128xf32, #tpu.memory_space<vmem>>) dst(%dma_wait3A_524 : memref<10000x128xf32, #tpu.memory_space<vmem_shared>>)
      } else {
      }
      %lt3A_317 = arith.constant 125 : i32
      %lt3A_318 = arith.cmpi slt, %add3A_308, %lt3A_317 : i32
      %convert_element_type3A_319 = arith.extui %lt3A_318 : i1 to i32
      %cond3A_320 = arith.constant 0 : i32
      %cond3A_321 = arith.cmpi ne, %convert_element_type3A_319, %cond3A_320 : i32
      scf.if %cond3A_321 {
        %mul3A_518 = arith.constant 80 : i32
        %mul3A_519 = arith.muli %add3A_308, %mul3A_518 : i32
        %add3A_520 = arith.addi %mul3A_2, %mul3A_519 : i32
        %multiple_of3A_521 = tpu.assume_multiple %add3A_520, 8 : i32
        %dma_start3A_522 = arith.constant 7 : i32
        %dma_start3A_523 = arith.constant 0 : i32
        %dma_start3A_524 = tpu.memref_slice %arg5[%dma_start3A_522, %dma_start3A_523] : memref<8x80xi32, #tpu.memory_space<vmem>> -> memref<1x80xi32, #tpu.memory_space<vmem>>
        %dma_start3A_525 = tpu.memref_squeeze %dma_start3A_524 : memref<1x80xi32, #tpu.memory_space<vmem>> -> memref<80xi32, #tpu.memory_space<vmem>>
        %dma_start3A_526 = tpu.memref_slice %arg3[%multiple_of3A_521] : memref<640000xi32, #tpu.memory_space<hbm>> -> memref<80xi32, #tpu.memory_space<hbm>>
        %dma_start3A_527 = arith.constant 0 : i32
        %dma_start3A_528 = tpu.memref_slice %arg5[%dma_start3A_522, %dma_start3A_527] : memref<8x80xi32, #tpu.memory_space<vmem>> -> memref<1x80xi32, #tpu.memory_space<vmem>>
        %dma_start3A_529 = tpu.memref_squeeze %dma_start3A_528 : memref<1x80xi32, #tpu.memory_space<vmem>> -> memref<80xi32, #tpu.memory_space<vmem>>
        %dma_start3A_530 = tpu.memref_slice %arg3[%multiple_of3A_521] : memref<640000xi32, #tpu.memory_space<hbm>> -> memref<80xi32, #tpu.memory_space<hbm>>
        tpu.enqueue_dma source(%dma_start3A_530 : memref<80xi32, #tpu.memory_space<hbm>>) target(%dma_start3A_529 : memref<80xi32, #tpu.memory_space<vmem>>) target_semaphore(%arg27 : memref<!tpu.dma_semaphore, #tpu.memory_space<semaphore_mem>>)
        %add3A_531 = arith.constant 320000 : i32
        %add3A_532 = arith.addi %add3A_531, %multiple_of3A_521 : i32
        %dma_start3A_533 = arith.constant 7 : i32
        %dma_start3A_534 = arith.constant 0 : i32
        %dma_start3A_535 = tpu.memref_slice %arg6[%dma_start3A_533, %dma_start3A_534] : memref<8x80xi32, #tpu.memory_space<vmem>> -> memref<1x80xi32, #tpu.memory_space<vmem>>
        %dma_start3A_536 = tpu.memref_squeeze %dma_start3A_535 : memref<1x80xi32, #tpu.memory_space<vmem>> -> memref<80xi32, #tpu.memory_space<vmem>>
        %dma_start3A_537 = tpu.memref_slice %arg3[%add3A_532] : memref<640000xi32, #tpu.memory_space<hbm>> -> memref<80xi32, #tpu.memory_space<hbm>>
        %dma_start3A_538 = arith.constant 0 : i32
        %dma_start3A_539 = tpu.memref_slice %arg6[%dma_start3A_533, %dma_start3A_538] : memref<8x80xi32, #tpu.memory_space<vmem>> -> memref<1x80xi32, #tpu.memory_space<vmem>>
        %dma_start3A_540 = tpu.memref_squeeze %dma_start3A_539 : memref<1x80xi32, #tpu.memory_space<vmem>> -> memref<80xi32, #tpu.memory_space<vmem>>
        %dma_start3A_541 = tpu.memref_slice %arg3[%add3A_532] : memref<640000xi32, #tpu.memory_space<hbm>> -> memref<80xi32, #tpu.memory_space<hbm>>
        tpu.enqueue_dma source(%dma_start3A_541 : memref<80xi32, #tpu.memory_space<hbm>>) target(%dma_start3A_540 : memref<80xi32, #tpu.memory_space<vmem>>) target_semaphore(%arg27 : memref<!tpu.dma_semaphore, #tpu.memory_space<semaphore_mem>>)
      } else {
      }
      %lt3A_322 = arith.constant 125 : i32
      %lt3A_323 = arith.cmpi slt, %add3A_306, %lt3A_322 : i32
      %convert_element_type3A_324 = arith.extui %lt3A_323 : i1 to i32
      %cond3A_325 = arith.constant 0 : i32
      %cond3A_326 = arith.cmpi ne, %convert_element_type3A_324, %cond3A_325 : i32
      scf.if %cond3A_326 {
        %dma_wait3A_518 = arith.constant 4 : i32
        %dma_wait3A_519 = arith.constant 0 : i32
        %dma_wait3A_520 = tpu.memref_slice %arg5[%dma_wait3A_518, %dma_wait3A_519] : memref<8x80xi32, #tpu.memory_space<vmem>> -> memref<1x80xi32, #tpu.memory_space<vmem>>
        %dma_wait3A_521 = tpu.memref_squeeze %dma_wait3A_520 : memref<1x80xi32, #tpu.memory_space<vmem>> -> memref<80xi32, #tpu.memory_space<vmem>>
        %dma_wait3A_522 = arith.constant 0 : i32
        %dma_wait3A_523 = tpu.memref_slice %arg3[%dma_wait3A_522] : memref<640000xi32, #tpu.memory_space<hbm>> -> memref<80xi32, #tpu.memory_space<hbm>>
        %dma_wait3A_524 = arith.constant 0 : i32
        %dma_wait3A_525 = tpu.memref_slice %arg5[%dma_wait3A_518, %dma_wait3A_524] : memref<8x80xi32, #tpu.memory_space<vmem>> -> memref<1x80xi32, #tpu.memory_space<vmem>>
        %dma_wait3A_526 = tpu.memref_squeeze %dma_wait3A_525 : memref<1x80xi32, #tpu.memory_space<vmem>> -> memref<80xi32, #tpu.memory_space<vmem>>
        %dma_wait3A_527 = arith.constant 0 : i32
        %dma_wait3A_528 = tpu.memref_slice %arg3[%dma_wait3A_527] : memref<640000xi32, #tpu.memory_space<hbm>> -> memref<80xi32, #tpu.memory_space<hbm>>
        tpu.wait_dma2 semaphore(%arg24 : memref<!tpu.dma_semaphore, #tpu.memory_space<semaphore_mem>>) src(%dma_wait3A_528 : memref<80xi32, #tpu.memory_space<hbm>>) dst(%dma_wait3A_526 : memref<80xi32, #tpu.memory_space<vmem>>)
        %dma_wait3A_529 = arith.constant 4 : i32
        %dma_wait3A_530 = arith.constant 0 : i32
        %dma_wait3A_531 = tpu.memref_slice %arg6[%dma_wait3A_529, %dma_wait3A_530] : memref<8x80xi32, #tpu.memory_space<vmem>> -> memref<1x80xi32, #tpu.memory_space<vmem>>
        %dma_wait3A_532 = tpu.memref_squeeze %dma_wait3A_531 : memref<1x80xi32, #tpu.memory_space<vmem>> -> memref<80xi32, #tpu.memory_space<vmem>>
        %dma_wait3A_533 = arith.constant 0 : i32
        %dma_wait3A_534 = tpu.memref_slice %arg3[%dma_wait3A_533] : memref<640000xi32, #tpu.memory_space<hbm>> -> memref<80xi32, #tpu.memory_space<hbm>>
        %dma_wait3A_535 = arith.constant 0 : i32
        %dma_wait3A_536 = tpu.memref_slice %arg6[%dma_wait3A_529, %dma_wait3A_535] : memref<8x80xi32, #tpu.memory_space<vmem>> -> memref<1x80xi32, #tpu.memory_space<vmem>>
        %dma_wait3A_537 = tpu.memref_squeeze %dma_wait3A_536 : memref<1x80xi32, #tpu.memory_space<vmem>> -> memref<80xi32, #tpu.memory_space<vmem>>
        %dma_wait3A_538 = arith.constant 0 : i32
        %dma_wait3A_539 = tpu.memref_slice %arg3[%dma_wait3A_538] : memref<640000xi32, #tpu.memory_space<hbm>> -> memref<80xi32, #tpu.memory_space<hbm>>
        tpu.wait_dma2 semaphore(%arg24 : memref<!tpu.dma_semaphore, #tpu.memory_space<semaphore_mem>>) src(%dma_wait3A_539 : memref<80xi32, #tpu.memory_space<hbm>>) dst(%dma_wait3A_537 : memref<80xi32, #tpu.memory_space<vmem>>)
        %dma_start3A_540 = arith.constant 4 : i32
        %dma_start3A_541 = arith.constant 0 : i32
        %dma_start3A_542 = tpu.memref_slice %arg5[%dma_start3A_540, %dma_start3A_541] : memref<8x80xi32, #tpu.memory_space<vmem>> -> memref<1x80xi32, #tpu.memory_space<vmem>>
        %dma_start3A_543 = tpu.memref_squeeze %dma_start3A_542 : memref<1x80xi32, #tpu.memory_space<vmem>> -> memref<80xi32, #tpu.memory_space<vmem>>
        %dma_start3A_544 = arith.constant 0 : i32
        %dma_start3A_545 = arith.constant 0 : i32
        %dma_start3A_546 = tpu.memref_slice %arg2[%dma_start3A_544, %dma_start3A_545] : memref<10000x128xf32, #tpu.memory_space<hbm>> -> memref<10000x128xf32, #tpu.memory_space<hbm>>
        tpu.enqueue_indirect_dma source(%dma_start3A_546 : memref<10000x128xf32, #tpu.memory_space<hbm>>) target(%arg7 : memref<80x128xf32, #tpu.memory_space<vmem>>) offsets(%dma_start3A_543 : memref<80xi32, #tpu.memory_space<vmem>>) semaphore(%arg12 : memref<!tpu.dma_semaphore, #tpu.memory_space<semaphore_mem>>)
      } else {
      }
      %lt3A_327 = arith.constant 125 : i32
      %lt3A_328 = arith.cmpi slt, %add3A_304, %lt3A_327 : i32
      %convert_element_type3A_329 = arith.extui %lt3A_328 : i1 to i32
      %cond3A_330 = arith.constant 0 : i32
      %cond3A_331 = arith.cmpi ne, %convert_element_type3A_329, %cond3A_330 : i32
      scf.if %cond3A_331 {
        %dma_wait3A_518 = arith.constant 0 : i32
        %dma_wait3A_519 = arith.constant 0 : i32
        %dma_wait3A_520 = tpu.memref_slice %arg5[%dma_wait3A_518, %dma_wait3A_519] : memref<8x80xi32, #tpu.memory_space<vmem>> -> memref<1x80xi32, #tpu.memory_space<vmem>>
        %dma_wait3A_521 = tpu.memref_squeeze %dma_wait3A_520 : memref<1x80xi32, #tpu.memory_space<vmem>> -> memref<80xi32, #tpu.memory_space<vmem>>
        %dma_wait3A_522 = arith.constant 0 : i32
        %dma_wait3A_523 = arith.constant 0 : i32
        %dma_wait3A_524 = tpu.memref_slice %arg2[%dma_wait3A_522, %dma_wait3A_523] : memref<10000x128xf32, #tpu.memory_space<hbm>> -> memref<10000x128xf32, #tpu.memory_space<hbm>>
        tpu.wait_indirect_dma semaphore(%arg13 : memref<!tpu.dma_semaphore, #tpu.memory_space<semaphore_mem>>) src(%dma_wait3A_524 : memref<10000x128xf32, #tpu.memory_space<hbm>>) dst(%arg8 : memref<80x128xf32, #tpu.memory_space<vmem>>)
        %dma_start3A_525 = arith.constant 1 : i32
        %dma_start3A_526 = arith.constant 0 : i32
        %dma_start3A_527 = tpu.memref_slice %arg6[%dma_start3A_525, %dma_start3A_526] : memref<8x80xi32, #tpu.memory_space<vmem>> -> memref<1x80xi32, #tpu.memory_space<vmem>>
        %dma_start3A_528 = tpu.memref_squeeze %dma_start3A_527 : memref<1x80xi32, #tpu.memory_space<vmem>> -> memref<80xi32, #tpu.memory_space<vmem>>
        %dma_start3A_529 = arith.constant 0 : i32
        %dma_start3A_530 = arith.constant 0 : i32
        %dma_start3A_531 = tpu.memref_slice %arg11[%dma_start3A_529, %dma_start3A_530] : memref<10000x128xf32, #tpu.memory_space<vmem_shared>> -> memref<10000x128xf32, #tpu.memory_space<vmem_shared>>
        tpu.enqueue_indirect_dma source(%arg8 : memref<80x128xf32, #tpu.memory_space<vmem>>) target(%dma_start3A_531 : memref<10000x128xf32, #tpu.memory_space<vmem_shared>>) offsets(%dma_start3A_528 : memref<80xi32, #tpu.memory_space<vmem>>) semaphore(%arg17 : memref<!tpu.dma_semaphore, #tpu.memory_space<semaphore_mem>>) {add = true}
      } else {
      }
      %mul3A_332 = arith.constant 8 : i32
      %mul3A_333 = arith.muli %scan3A_272, %mul3A_332 : i32
      %add3A_334 = arith.constant 2 : i32
      %add3A_335 = arith.addi %mul3A_333, %add3A_334 : i32
      %add3A_336 = arith.constant 3 : i32
      %add3A_337 = arith.addi %add3A_335, %add3A_336 : i32
      %add3A_338 = arith.constant 6 : i32
      %add3A_339 = arith.addi %add3A_335, %add3A_338 : i32
      %ge3A_340 = arith.constant 4 : i32
      %ge3A_341 = arith.cmpi sge, %add3A_337, %ge3A_340 : i32
      %lt3A_342 = arith.constant 125 : i32
      %lt3A_343 = arith.cmpi slt, %add3A_337, %lt3A_342 : i32
      %and3A_344 = arith.andi %ge3A_341, %lt3A_343 : i1
      %convert_element_type3A_345 = arith.extui %and3A_344 : i1 to i32
      %cond3A_346 = arith.constant 0 : i32
      %cond3A_347 = arith.cmpi ne, %convert_element_type3A_345, %cond3A_346 : i32
      scf.if %cond3A_347 {
        %dma_wait3A_518 = arith.constant 0 : i32
        %dma_wait3A_519 = arith.constant 0 : i32
        %dma_wait3A_520 = tpu.memref_slice %arg6[%dma_wait3A_518, %dma_wait3A_519] : memref<8x80xi32, #tpu.memory_space<vmem>> -> memref<1x80xi32, #tpu.memory_space<vmem>>
        %dma_wait3A_521 = tpu.memref_squeeze %dma_wait3A_520 : memref<1x80xi32, #tpu.memory_space<vmem>> -> memref<80xi32, #tpu.memory_space<vmem>>
        %dma_wait3A_522 = arith.constant 0 : i32
        %dma_wait3A_523 = arith.constant 0 : i32
        %dma_wait3A_524 = tpu.memref_slice %arg11[%dma_wait3A_522, %dma_wait3A_523] : memref<10000x128xf32, #tpu.memory_space<vmem_shared>> -> memref<10000x128xf32, #tpu.memory_space<vmem_shared>>
        tpu.wait_indirect_dma semaphore(%arg17 : memref<!tpu.dma_semaphore, #tpu.memory_space<semaphore_mem>>) src(%arg8 : memref<80x128xf32, #tpu.memory_space<vmem>>) dst(%dma_wait3A_524 : memref<10000x128xf32, #tpu.memory_space<vmem_shared>>)
      } else {
      }
      %lt3A_348 = arith.constant 125 : i32
      %lt3A_349 = arith.cmpi slt, %add3A_339, %lt3A_348 : i32
      %convert_element_type3A_350 = arith.extui %lt3A_349 : i1 to i32
      %cond3A_351 = arith.constant 0 : i32
      %cond3A_352 = arith.cmpi ne, %convert_element_type3A_350, %cond3A_351 : i32
      scf.if %cond3A_352 {
        %mul3A_518 = arith.constant 80 : i32
        %mul3A_519 = arith.muli %add3A_339, %mul3A_518 : i32
        %add3A_520 = arith.addi %mul3A_2, %mul3A_519 : i32
        %multiple_of3A_521 = tpu.assume_multiple %add3A_520, 8 : i32
        %dma_start3A_522 = arith.constant 0 : i32
        %dma_start3A_523 = arith.constant 0 : i32
        %dma_start3A_524 = tpu.memref_slice %arg5[%dma_start3A_522, %dma_start3A_523] : memref<8x80xi32, #tpu.memory_space<vmem>> -> memref<1x80xi32, #tpu.memory_space<vmem>>
        %dma_start3A_525 = tpu.memref_squeeze %dma_start3A_524 : memref<1x80xi32, #tpu.memory_space<vmem>> -> memref<80xi32, #tpu.memory_space<vmem>>
        %dma_start3A_526 = tpu.memref_slice %arg3[%multiple_of3A_521] : memref<640000xi32, #tpu.memory_space<hbm>> -> memref<80xi32, #tpu.memory_space<hbm>>
        %dma_start3A_527 = arith.constant 0 : i32
        %dma_start3A_528 = tpu.memref_slice %arg5[%dma_start3A_522, %dma_start3A_527] : memref<8x80xi32, #tpu.memory_space<vmem>> -> memref<1x80xi32, #tpu.memory_space<vmem>>
        %dma_start3A_529 = tpu.memref_squeeze %dma_start3A_528 : memref<1x80xi32, #tpu.memory_space<vmem>> -> memref<80xi32, #tpu.memory_space<vmem>>
        %dma_start3A_530 = tpu.memref_slice %arg3[%multiple_of3A_521] : memref<640000xi32, #tpu.memory_space<hbm>> -> memref<80xi32, #tpu.memory_space<hbm>>
        tpu.enqueue_dma source(%dma_start3A_530 : memref<80xi32, #tpu.memory_space<hbm>>) target(%dma_start3A_529 : memref<80xi32, #tpu.memory_space<vmem>>) target_semaphore(%arg20 : memref<!tpu.dma_semaphore, #tpu.memory_space<semaphore_mem>>)
        %add3A_531 = arith.constant 320000 : i32
        %add3A_532 = arith.addi %add3A_531, %multiple_of3A_521 : i32
        %dma_start3A_533 = arith.constant 0 : i32
        %dma_start3A_534 = arith.constant 0 : i32
        %dma_start3A_535 = tpu.memref_slice %arg6[%dma_start3A_533, %dma_start3A_534] : memref<8x80xi32, #tpu.memory_space<vmem>> -> memref<1x80xi32, #tpu.memory_space<vmem>>
        %dma_start3A_536 = tpu.memref_squeeze %dma_start3A_535 : memref<1x80xi32, #tpu.memory_space<vmem>> -> memref<80xi32, #tpu.memory_space<vmem>>
        %dma_start3A_537 = tpu.memref_slice %arg3[%add3A_532] : memref<640000xi32, #tpu.memory_space<hbm>> -> memref<80xi32, #tpu.memory_space<hbm>>
        %dma_start3A_538 = arith.constant 0 : i32
        %dma_start3A_539 = tpu.memref_slice %arg6[%dma_start3A_533, %dma_start3A_538] : memref<8x80xi32, #tpu.memory_space<vmem>> -> memref<1x80xi32, #tpu.memory_space<vmem>>
        %dma_start3A_540 = tpu.memref_squeeze %dma_start3A_539 : memref<1x80xi32, #tpu.memory_space<vmem>> -> memref<80xi32, #tpu.memory_space<vmem>>
        %dma_start3A_541 = tpu.memref_slice %arg3[%add3A_532] : memref<640000xi32, #tpu.memory_space<hbm>> -> memref<80xi32, #tpu.memory_space<hbm>>
        tpu.enqueue_dma source(%dma_start3A_541 : memref<80xi32, #tpu.memory_space<hbm>>) target(%dma_start3A_540 : memref<80xi32, #tpu.memory_space<vmem>>) target_semaphore(%arg20 : memref<!tpu.dma_semaphore, #tpu.memory_space<semaphore_mem>>)
      } else {
      }
      %lt3A_353 = arith.constant 125 : i32
      %lt3A_354 = arith.cmpi slt, %add3A_337, %lt3A_353 : i32
      %convert_element_type3A_355 = arith.extui %lt3A_354 : i1 to i32
      %cond3A_356 = arith.constant 0 : i32
      %cond3A_357 = arith.cmpi ne, %convert_element_type3A_355, %cond3A_356 : i32
      scf.if %cond3A_357 {
        %dma_wait3A_518 = arith.constant 5 : i32
        %dma_wait3A_519 = arith.constant 0 : i32
        %dma_wait3A_520 = tpu.memref_slice %arg5[%dma_wait3A_518, %dma_wait3A_519] : memref<8x80xi32, #tpu.memory_space<vmem>> -> memref<1x80xi32, #tpu.memory_space<vmem>>
        %dma_wait3A_521 = tpu.memref_squeeze %dma_wait3A_520 : memref<1x80xi32, #tpu.memory_space<vmem>> -> memref<80xi32, #tpu.memory_space<vmem>>
        %dma_wait3A_522 = arith.constant 0 : i32
        %dma_wait3A_523 = tpu.memref_slice %arg3[%dma_wait3A_522] : memref<640000xi32, #tpu.memory_space<hbm>> -> memref<80xi32, #tpu.memory_space<hbm>>
        %dma_wait3A_524 = arith.constant 0 : i32
        %dma_wait3A_525 = tpu.memref_slice %arg5[%dma_wait3A_518, %dma_wait3A_524] : memref<8x80xi32, #tpu.memory_space<vmem>> -> memref<1x80xi32, #tpu.memory_space<vmem>>
        %dma_wait3A_526 = tpu.memref_squeeze %dma_wait3A_525 : memref<1x80xi32, #tpu.memory_space<vmem>> -> memref<80xi32, #tpu.memory_space<vmem>>
        %dma_wait3A_527 = arith.constant 0 : i32
        %dma_wait3A_528 = tpu.memref_slice %arg3[%dma_wait3A_527] : memref<640000xi32, #tpu.memory_space<hbm>> -> memref<80xi32, #tpu.memory_space<hbm>>
        tpu.wait_dma2 semaphore(%arg25 : memref<!tpu.dma_semaphore, #tpu.memory_space<semaphore_mem>>) src(%dma_wait3A_528 : memref<80xi32, #tpu.memory_space<hbm>>) dst(%dma_wait3A_526 : memref<80xi32, #tpu.memory_space<vmem>>)
        %dma_wait3A_529 = arith.constant 5 : i32
        %dma_wait3A_530 = arith.constant 0 : i32
        %dma_wait3A_531 = tpu.memref_slice %arg6[%dma_wait3A_529, %dma_wait3A_530] : memref<8x80xi32, #tpu.memory_space<vmem>> -> memref<1x80xi32, #tpu.memory_space<vmem>>
        %dma_wait3A_532 = tpu.memref_squeeze %dma_wait3A_531 : memref<1x80xi32, #tpu.memory_space<vmem>> -> memref<80xi32, #tpu.memory_space<vmem>>
        %dma_wait3A_533 = arith.constant 0 : i32
        %dma_wait3A_534 = tpu.memref_slice %arg3[%dma_wait3A_533] : memref<640000xi32, #tpu.memory_space<hbm>> -> memref<80xi32, #tpu.memory_space<hbm>>
        %dma_wait3A_535 = arith.constant 0 : i32
        %dma_wait3A_536 = tpu.memref_slice %arg6[%dma_wait3A_529, %dma_wait3A_535] : memref<8x80xi32, #tpu.memory_space<vmem>> -> memref<1x80xi32, #tpu.memory_space<vmem>>
        %dma_wait3A_537 = tpu.memref_squeeze %dma_wait3A_536 : memref<1x80xi32, #tpu.memory_space<vmem>> -> memref<80xi32, #tpu.memory_space<vmem>>
        %dma_wait3A_538 = arith.constant 0 : i32
        %dma_wait3A_539 = tpu.memref_slice %arg3[%dma_wait3A_538] : memref<640000xi32, #tpu.memory_space<hbm>> -> memref<80xi32, #tpu.memory_space<hbm>>
        tpu.wait_dma2 semaphore(%arg25 : memref<!tpu.dma_semaphore, #tpu.memory_space<semaphore_mem>>) src(%dma_wait3A_539 : memref<80xi32, #tpu.memory_space<hbm>>) dst(%dma_wait3A_537 : memref<80xi32, #tpu.memory_space<vmem>>)
        %dma_start3A_540 = arith.constant 5 : i32
        %dma_start3A_541 = arith.constant 0 : i32
        %dma_start3A_542 = tpu.memref_slice %arg5[%dma_start3A_540, %dma_start3A_541] : memref<8x80xi32, #tpu.memory_space<vmem>> -> memref<1x80xi32, #tpu.memory_space<vmem>>
        %dma_start3A_543 = tpu.memref_squeeze %dma_start3A_542 : memref<1x80xi32, #tpu.memory_space<vmem>> -> memref<80xi32, #tpu.memory_space<vmem>>
        %dma_start3A_544 = arith.constant 0 : i32
        %dma_start3A_545 = arith.constant 0 : i32
        %dma_start3A_546 = tpu.memref_slice %arg2[%dma_start3A_544, %dma_start3A_545] : memref<10000x128xf32, #tpu.memory_space<hbm>> -> memref<10000x128xf32, #tpu.memory_space<hbm>>
        tpu.enqueue_indirect_dma source(%dma_start3A_546 : memref<10000x128xf32, #tpu.memory_space<hbm>>) target(%arg8 : memref<80x128xf32, #tpu.memory_space<vmem>>) offsets(%dma_start3A_543 : memref<80xi32, #tpu.memory_space<vmem>>) semaphore(%arg13 : memref<!tpu.dma_semaphore, #tpu.memory_space<semaphore_mem>>)
      } else {
      }
      %lt3A_358 = arith.constant 125 : i32
      %lt3A_359 = arith.cmpi slt, %add3A_335, %lt3A_358 : i32
      %convert_element_type3A_360 = arith.extui %lt3A_359 : i1 to i32
      %cond3A_361 = arith.constant 0 : i32
      %cond3A_362 = arith.cmpi ne, %convert_element_type3A_360, %cond3A_361 : i32
      scf.if %cond3A_362 {
        %dma_wait3A_518 = arith.constant 0 : i32
        %dma_wait3A_519 = arith.constant 0 : i32
        %dma_wait3A_520 = tpu.memref_slice %arg5[%dma_wait3A_518, %dma_wait3A_519] : memref<8x80xi32, #tpu.memory_space<vmem>> -> memref<1x80xi32, #tpu.memory_space<vmem>>
        %dma_wait3A_521 = tpu.memref_squeeze %dma_wait3A_520 : memref<1x80xi32, #tpu.memory_space<vmem>> -> memref<80xi32, #tpu.memory_space<vmem>>
        %dma_wait3A_522 = arith.constant 0 : i32
        %dma_wait3A_523 = arith.constant 0 : i32
        %dma_wait3A_524 = tpu.memref_slice %arg2[%dma_wait3A_522, %dma_wait3A_523] : memref<10000x128xf32, #tpu.memory_space<hbm>> -> memref<10000x128xf32, #tpu.memory_space<hbm>>
        tpu.wait_indirect_dma semaphore(%arg14 : memref<!tpu.dma_semaphore, #tpu.memory_space<semaphore_mem>>) src(%dma_wait3A_524 : memref<10000x128xf32, #tpu.memory_space<hbm>>) dst(%arg9 : memref<80x128xf32, #tpu.memory_space<vmem>>)
        %dma_start3A_525 = arith.constant 2 : i32
        %dma_start3A_526 = arith.constant 0 : i32
        %dma_start3A_527 = tpu.memref_slice %arg6[%dma_start3A_525, %dma_start3A_526] : memref<8x80xi32, #tpu.memory_space<vmem>> -> memref<1x80xi32, #tpu.memory_space<vmem>>
        %dma_start3A_528 = tpu.memref_squeeze %dma_start3A_527 : memref<1x80xi32, #tpu.memory_space<vmem>> -> memref<80xi32, #tpu.memory_space<vmem>>
        %dma_start3A_529 = arith.constant 0 : i32
        %dma_start3A_530 = arith.constant 0 : i32
        %dma_start3A_531 = tpu.memref_slice %arg11[%dma_start3A_529, %dma_start3A_530] : memref<10000x128xf32, #tpu.memory_space<vmem_shared>> -> memref<10000x128xf32, #tpu.memory_space<vmem_shared>>
        tpu.enqueue_indirect_dma source(%arg9 : memref<80x128xf32, #tpu.memory_space<vmem>>) target(%dma_start3A_531 : memref<10000x128xf32, #tpu.memory_space<vmem_shared>>) offsets(%dma_start3A_528 : memref<80xi32, #tpu.memory_space<vmem>>) semaphore(%arg18 : memref<!tpu.dma_semaphore, #tpu.memory_space<semaphore_mem>>) {add = true}
      } else {
      }
      %mul3A_363 = arith.constant 8 : i32
      %mul3A_364 = arith.muli %scan3A_272, %mul3A_363 : i32
      %add3A_365 = arith.constant 3 : i32
      %add3A_366 = arith.addi %mul3A_364, %add3A_365 : i32
      %add3A_367 = arith.constant 3 : i32
      %add3A_368 = arith.addi %add3A_366, %add3A_367 : i32
      %add3A_369 = arith.constant 6 : i32
      %add3A_370 = arith.addi %add3A_366, %add3A_369 : i32
      %ge3A_371 = arith.constant 4 : i32
      %ge3A_372 = arith.cmpi sge, %add3A_368, %ge3A_371 : i32
      %lt3A_373 = arith.constant 125 : i32
      %lt3A_374 = arith.cmpi slt, %add3A_368, %lt3A_373 : i32
      %and3A_375 = arith.andi %ge3A_372, %lt3A_374 : i1
      %convert_element_type3A_376 = arith.extui %and3A_375 : i1 to i32
      %cond3A_377 = arith.constant 0 : i32
      %cond3A_378 = arith.cmpi ne, %convert_element_type3A_376, %cond3A_377 : i32
      scf.if %cond3A_378 {
        %dma_wait3A_518 = arith.constant 0 : i32
        %dma_wait3A_519 = arith.constant 0 : i32
        %dma_wait3A_520 = tpu.memref_slice %arg6[%dma_wait3A_518, %dma_wait3A_519] : memref<8x80xi32, #tpu.memory_space<vmem>> -> memref<1x80xi32, #tpu.memory_space<vmem>>
        %dma_wait3A_521 = tpu.memref_squeeze %dma_wait3A_520 : memref<1x80xi32, #tpu.memory_space<vmem>> -> memref<80xi32, #tpu.memory_space<vmem>>
        %dma_wait3A_522 = arith.constant 0 : i32
        %dma_wait3A_523 = arith.constant 0 : i32
        %dma_wait3A_524 = tpu.memref_slice %arg11[%dma_wait3A_522, %dma_wait3A_523] : memref<10000x128xf32, #tpu.memory_space<vmem_shared>> -> memref<10000x128xf32, #tpu.memory_space<vmem_shared>>
        tpu.wait_indirect_dma semaphore(%arg18 : memref<!tpu.dma_semaphore, #tpu.memory_space<semaphore_mem>>) src(%arg9 : memref<80x128xf32, #tpu.memory_space<vmem>>) dst(%dma_wait3A_524 : memref<10000x128xf32, #tpu.memory_space<vmem_shared>>)
      } else {
      }
      %lt3A_379 = arith.constant 125 : i32
      %lt3A_380 = arith.cmpi slt, %add3A_370, %lt3A_379 : i32
      %convert_element_type3A_381 = arith.extui %lt3A_380 : i1 to i32
      %cond3A_382 = arith.constant 0 : i32
      %cond3A_383 = arith.cmpi ne, %convert_element_type3A_381, %cond3A_382 : i32
      scf.if %cond3A_383 {
        %mul3A_518 = arith.constant 80 : i32
        %mul3A_519 = arith.muli %add3A_370, %mul3A_518 : i32
        %add3A_520 = arith.addi %mul3A_2, %mul3A_519 : i32
        %multiple_of3A_521 = tpu.assume_multiple %add3A_520, 8 : i32
        %dma_start3A_522 = arith.constant 1 : i32
        %dma_start3A_523 = arith.constant 0 : i32
        %dma_start3A_524 = tpu.memref_slice %arg5[%dma_start3A_522, %dma_start3A_523] : memref<8x80xi32, #tpu.memory_space<vmem>> -> memref<1x80xi32, #tpu.memory_space<vmem>>
        %dma_start3A_525 = tpu.memref_squeeze %dma_start3A_524 : memref<1x80xi32, #tpu.memory_space<vmem>> -> memref<80xi32, #tpu.memory_space<vmem>>
        %dma_start3A_526 = tpu.memref_slice %arg3[%multiple_of3A_521] : memref<640000xi32, #tpu.memory_space<hbm>> -> memref<80xi32, #tpu.memory_space<hbm>>
        %dma_start3A_527 = arith.constant 0 : i32
        %dma_start3A_528 = tpu.memref_slice %arg5[%dma_start3A_522, %dma_start3A_527] : memref<8x80xi32, #tpu.memory_space<vmem>> -> memref<1x80xi32, #tpu.memory_space<vmem>>
        %dma_start3A_529 = tpu.memref_squeeze %dma_start3A_528 : memref<1x80xi32, #tpu.memory_space<vmem>> -> memref<80xi32, #tpu.memory_space<vmem>>
        %dma_start3A_530 = tpu.memref_slice %arg3[%multiple_of3A_521] : memref<640000xi32, #tpu.memory_space<hbm>> -> memref<80xi32, #tpu.memory_space<hbm>>
        tpu.enqueue_dma source(%dma_start3A_530 : memref<80xi32, #tpu.memory_space<hbm>>) target(%dma_start3A_529 : memref<80xi32, #tpu.memory_space<vmem>>) target_semaphore(%arg21 : memref<!tpu.dma_semaphore, #tpu.memory_space<semaphore_mem>>)
        %add3A_531 = arith.constant 320000 : i32
        %add3A_532 = arith.addi %add3A_531, %multiple_of3A_521 : i32
        %dma_start3A_533 = arith.constant 1 : i32
        %dma_start3A_534 = arith.constant 0 : i32
        %dma_start3A_535 = tpu.memref_slice %arg6[%dma_start3A_533, %dma_start3A_534] : memref<8x80xi32, #tpu.memory_space<vmem>> -> memref<1x80xi32, #tpu.memory_space<vmem>>
        %dma_start3A_536 = tpu.memref_squeeze %dma_start3A_535 : memref<1x80xi32, #tpu.memory_space<vmem>> -> memref<80xi32, #tpu.memory_space<vmem>>
        %dma_start3A_537 = tpu.memref_slice %arg3[%add3A_532] : memref<640000xi32, #tpu.memory_space<hbm>> -> memref<80xi32, #tpu.memory_space<hbm>>
        %dma_start3A_538 = arith.constant 0 : i32
        %dma_start3A_539 = tpu.memref_slice %arg6[%dma_start3A_533, %dma_start3A_538] : memref<8x80xi32, #tpu.memory_space<vmem>> -> memref<1x80xi32, #tpu.memory_space<vmem>>
        %dma_start3A_540 = tpu.memref_squeeze %dma_start3A_539 : memref<1x80xi32, #tpu.memory_space<vmem>> -> memref<80xi32, #tpu.memory_space<vmem>>
        %dma_start3A_541 = tpu.memref_slice %arg3[%add3A_532] : memref<640000xi32, #tpu.memory_space<hbm>> -> memref<80xi32, #tpu.memory_space<hbm>>
        tpu.enqueue_dma source(%dma_start3A_541 : memref<80xi32, #tpu.memory_space<hbm>>) target(%dma_start3A_540 : memref<80xi32, #tpu.memory_space<vmem>>) target_semaphore(%arg21 : memref<!tpu.dma_semaphore, #tpu.memory_space<semaphore_mem>>)
      } else {
      }
      %lt3A_384 = arith.constant 125 : i32
      %lt3A_385 = arith.cmpi slt, %add3A_368, %lt3A_384 : i32
      %convert_element_type3A_386 = arith.extui %lt3A_385 : i1 to i32
      %cond3A_387 = arith.constant 0 : i32
      %cond3A_388 = arith.cmpi ne, %convert_element_type3A_386, %cond3A_387 : i32
      scf.if %cond3A_388 {
        %dma_wait3A_518 = arith.constant 6 : i32
        %dma_wait3A_519 = arith.constant 0 : i32
        %dma_wait3A_520 = tpu.memref_slice %arg5[%dma_wait3A_518, %dma_wait3A_519] : memref<8x80xi32, #tpu.memory_space<vmem>> -> memref<1x80xi32, #tpu.memory_space<vmem>>
        %dma_wait3A_521 = tpu.memref_squeeze %dma_wait3A_520 : memref<1x80xi32, #tpu.memory_space<vmem>> -> memref<80xi32, #tpu.memory_space<vmem>>
        %dma_wait3A_522 = arith.constant 0 : i32
        %dma_wait3A_523 = tpu.memref_slice %arg3[%dma_wait3A_522] : memref<640000xi32, #tpu.memory_space<hbm>> -> memref<80xi32, #tpu.memory_space<hbm>>
        %dma_wait3A_524 = arith.constant 0 : i32
        %dma_wait3A_525 = tpu.memref_slice %arg5[%dma_wait3A_518, %dma_wait3A_524] : memref<8x80xi32, #tpu.memory_space<vmem>> -> memref<1x80xi32, #tpu.memory_space<vmem>>
        %dma_wait3A_526 = tpu.memref_squeeze %dma_wait3A_525 : memref<1x80xi32, #tpu.memory_space<vmem>> -> memref<80xi32, #tpu.memory_space<vmem>>
        %dma_wait3A_527 = arith.constant 0 : i32
        %dma_wait3A_528 = tpu.memref_slice %arg3[%dma_wait3A_527] : memref<640000xi32, #tpu.memory_space<hbm>> -> memref<80xi32, #tpu.memory_space<hbm>>
        tpu.wait_dma2 semaphore(%arg26 : memref<!tpu.dma_semaphore, #tpu.memory_space<semaphore_mem>>) src(%dma_wait3A_528 : memref<80xi32, #tpu.memory_space<hbm>>) dst(%dma_wait3A_526 : memref<80xi32, #tpu.memory_space<vmem>>)
        %dma_wait3A_529 = arith.constant 6 : i32
        %dma_wait3A_530 = arith.constant 0 : i32
        %dma_wait3A_531 = tpu.memref_slice %arg6[%dma_wait3A_529, %dma_wait3A_530] : memref<8x80xi32, #tpu.memory_space<vmem>> -> memref<1x80xi32, #tpu.memory_space<vmem>>
        %dma_wait3A_532 = tpu.memref_squeeze %dma_wait3A_531 : memref<1x80xi32, #tpu.memory_space<vmem>> -> memref<80xi32, #tpu.memory_space<vmem>>
        %dma_wait3A_533 = arith.constant 0 : i32
        %dma_wait3A_534 = tpu.memref_slice %arg3[%dma_wait3A_533] : memref<640000xi32, #tpu.memory_space<hbm>> -> memref<80xi32, #tpu.memory_space<hbm>>
        %dma_wait3A_535 = arith.constant 0 : i32
        %dma_wait3A_536 = tpu.memref_slice %arg6[%dma_wait3A_529, %dma_wait3A_535] : memref<8x80xi32, #tpu.memory_space<vmem>> -> memref<1x80xi32, #tpu.memory_space<vmem>>
        %dma_wait3A_537 = tpu.memref_squeeze %dma_wait3A_536 : memref<1x80xi32, #tpu.memory_space<vmem>> -> memref<80xi32, #tpu.memory_space<vmem>>
        %dma_wait3A_538 = arith.constant 0 : i32
        %dma_wait3A_539 = tpu.memref_slice %arg3[%dma_wait3A_538] : memref<640000xi32, #tpu.memory_space<hbm>> -> memref<80xi32, #tpu.memory_space<hbm>>
        tpu.wait_dma2 semaphore(%arg26 : memref<!tpu.dma_semaphore, #tpu.memory_space<semaphore_mem>>) src(%dma_wait3A_539 : memref<80xi32, #tpu.memory_space<hbm>>) dst(%dma_wait3A_537 : memref<80xi32, #tpu.memory_space<vmem>>)
        %dma_start3A_540 = arith.constant 6 : i32
        %dma_start3A_541 = arith.constant 0 : i32
        %dma_start3A_542 = tpu.memref_slice %arg5[%dma_start3A_540, %dma_start3A_541] : memref<8x80xi32, #tpu.memory_space<vmem>> -> memref<1x80xi32, #tpu.memory_space<vmem>>
        %dma_start3A_543 = tpu.memref_squeeze %dma_start3A_542 : memref<1x80xi32, #tpu.memory_space<vmem>> -> memref<80xi32, #tpu.memory_space<vmem>>
        %dma_start3A_544 = arith.constant 0 : i32
        %dma_start3A_545 = arith.constant 0 : i32
        %dma_start3A_546 = tpu.memref_slice %arg2[%dma_start3A_544, %dma_start3A_545] : memref<10000x128xf32, #tpu.memory_space<hbm>> -> memref<10000x128xf32, #tpu.memory_space<hbm>>
        tpu.enqueue_indirect_dma source(%dma_start3A_546 : memref<10000x128xf32, #tpu.memory_space<hbm>>) target(%arg9 : memref<80x128xf32, #tpu.memory_space<vmem>>) offsets(%dma_start3A_543 : memref<80xi32, #tpu.memory_space<vmem>>) semaphore(%arg14 : memref<!tpu.dma_semaphore, #tpu.memory_space<semaphore_mem>>)
      } else {
      }
      %lt3A_389 = arith.constant 125 : i32
      %lt3A_390 = arith.cmpi slt, %add3A_366, %lt3A_389 : i32
      %convert_element_type3A_391 = arith.extui %lt3A_390 : i1 to i32
      %cond3A_392 = arith.constant 0 : i32
      %cond3A_393 = arith.cmpi ne, %convert_element_type3A_391, %cond3A_392 : i32
      scf.if %cond3A_393 {
        %dma_wait3A_518 = arith.constant 0 : i32
        %dma_wait3A_519 = arith.constant 0 : i32
        %dma_wait3A_520 = tpu.memref_slice %arg5[%dma_wait3A_518, %dma_wait3A_519] : memref<8x80xi32, #tpu.memory_space<vmem>> -> memref<1x80xi32, #tpu.memory_space<vmem>>
        %dma_wait3A_521 = tpu.memref_squeeze %dma_wait3A_520 : memref<1x80xi32, #tpu.memory_space<vmem>> -> memref<80xi32, #tpu.memory_space<vmem>>
        %dma_wait3A_522 = arith.constant 0 : i32
        %dma_wait3A_523 = arith.constant 0 : i32
        %dma_wait3A_524 = tpu.memref_slice %arg2[%dma_wait3A_522, %dma_wait3A_523] : memref<10000x128xf32, #tpu.memory_space<hbm>> -> memref<10000x128xf32, #tpu.memory_space<hbm>>
        tpu.wait_indirect_dma semaphore(%arg15 : memref<!tpu.dma_semaphore, #tpu.memory_space<semaphore_mem>>) src(%dma_wait3A_524 : memref<10000x128xf32, #tpu.memory_space<hbm>>) dst(%arg10 : memref<80x128xf32, #tpu.memory_space<vmem>>)
        %dma_start3A_525 = arith.constant 3 : i32
        %dma_start3A_526 = arith.constant 0 : i32
        %dma_start3A_527 = tpu.memref_slice %arg6[%dma_start3A_525, %dma_start3A_526] : memref<8x80xi32, #tpu.memory_space<vmem>> -> memref<1x80xi32, #tpu.memory_space<vmem>>
        %dma_start3A_528 = tpu.memref_squeeze %dma_start3A_527 : memref<1x80xi32, #tpu.memory_space<vmem>> -> memref<80xi32, #tpu.memory_space<vmem>>
        %dma_start3A_529 = arith.constant 0 : i32
        %dma_start3A_530 = arith.constant 0 : i32
        %dma_start3A_531 = tpu.memref_slice %arg11[%dma_start3A_529, %dma_start3A_530] : memref<10000x128xf32, #tpu.memory_space<vmem_shared>> -> memref<10000x128xf32, #tpu.memory_space<vmem_shared>>
        tpu.enqueue_indirect_dma source(%arg10 : memref<80x128xf32, #tpu.memory_space<vmem>>) target(%dma_start3A_531 : memref<10000x128xf32, #tpu.memory_space<vmem_shared>>) offsets(%dma_start3A_528 : memref<80xi32, #tpu.memory_space<vmem>>) semaphore(%arg19 : memref<!tpu.dma_semaphore, #tpu.memory_space<semaphore_mem>>) {add = true}
      } else {
      }
      %mul3A_394 = arith.constant 8 : i32
      %mul3A_395 = arith.muli %scan3A_272, %mul3A_394 : i32
      %add3A_396 = arith.constant 4 : i32
      %add3A_397 = arith.addi %mul3A_395, %add3A_396 : i32
      %add3A_398 = arith.constant 3 : i32
      %add3A_399 = arith.addi %add3A_397, %add3A_398 : i32
      %add3A_400 = arith.constant 6 : i32
      %add3A_401 = arith.addi %add3A_397, %add3A_400 : i32
      %ge3A_402 = arith.constant 4 : i32
      %ge3A_403 = arith.cmpi sge, %add3A_399, %ge3A_402 : i32
      %lt3A_404 = arith.constant 125 : i32
      %lt3A_405 = arith.cmpi slt, %add3A_399, %lt3A_404 : i32
      %and3A_406 = arith.andi %ge3A_403, %lt3A_405 : i1
      %convert_element_type3A_407 = arith.extui %and3A_406 : i1 to i32
      %cond3A_408 = arith.constant 0 : i32
      %cond3A_409 = arith.cmpi ne, %convert_element_type3A_407, %cond3A_408 : i32
      scf.if %cond3A_409 {
        %dma_wait3A_518 = arith.constant 0 : i32
        %dma_wait3A_519 = arith.constant 0 : i32
        %dma_wait3A_520 = tpu.memref_slice %arg6[%dma_wait3A_518, %dma_wait3A_519] : memref<8x80xi32, #tpu.memory_space<vmem>> -> memref<1x80xi32, #tpu.memory_space<vmem>>
        %dma_wait3A_521 = tpu.memref_squeeze %dma_wait3A_520 : memref<1x80xi32, #tpu.memory_space<vmem>> -> memref<80xi32, #tpu.memory_space<vmem>>
        %dma_wait3A_522 = arith.constant 0 : i32
        %dma_wait3A_523 = arith.constant 0 : i32
        %dma_wait3A_524 = tpu.memref_slice %arg11[%dma_wait3A_522, %dma_wait3A_523] : memref<10000x128xf32, #tpu.memory_space<vmem_shared>> -> memref<10000x128xf32, #tpu.memory_space<vmem_shared>>
        tpu.wait_indirect_dma semaphore(%arg19 : memref<!tpu.dma_semaphore, #tpu.memory_space<semaphore_mem>>) src(%arg10 : memref<80x128xf32, #tpu.memory_space<vmem>>) dst(%dma_wait3A_524 : memref<10000x128xf32, #tpu.memory_space<vmem_shared>>)
      } else {
      }
      %lt3A_410 = arith.constant 125 : i32
      %lt3A_411 = arith.cmpi slt, %add3A_401, %lt3A_410 : i32
      %convert_element_type3A_412 = arith.extui %lt3A_411 : i1 to i32
      %cond3A_413 = arith.constant 0 : i32
      %cond3A_414 = arith.cmpi ne, %convert_element_type3A_412, %cond3A_413 : i32
      scf.if %cond3A_414 {
        %mul3A_518 = arith.constant 80 : i32
        %mul3A_519 = arith.muli %add3A_401, %mul3A_518 : i32
        %add3A_520 = arith.addi %mul3A_2, %mul3A_519 : i32
        %multiple_of3A_521 = tpu.assume_multiple %add3A_520, 8 : i32
        %dma_start3A_522 = arith.constant 2 : i32
        %dma_start3A_523 = arith.constant 0 : i32
        %dma_start3A_524 = tpu.memref_slice %arg5[%dma_start3A_522, %dma_start3A_523] : memref<8x80xi32, #tpu.memory_space<vmem>> -> memref<1x80xi32, #tpu.memory_space<vmem>>
        %dma_start3A_525 = tpu.memref_squeeze %dma_start3A_524 : memref<1x80xi32, #tpu.memory_space<vmem>> -> memref<80xi32, #tpu.memory_space<vmem>>
        %dma_start3A_526 = tpu.memref_slice %arg3[%multiple_of3A_521] : memref<640000xi32, #tpu.memory_space<hbm>> -> memref<80xi32, #tpu.memory_space<hbm>>
        %dma_start3A_527 = arith.constant 0 : i32
        %dma_start3A_528 = tpu.memref_slice %arg5[%dma_start3A_522, %dma_start3A_527] : memref<8x80xi32, #tpu.memory_space<vmem>> -> memref<1x80xi32, #tpu.memory_space<vmem>>
        %dma_start3A_529 = tpu.memref_squeeze %dma_start3A_528 : memref<1x80xi32, #tpu.memory_space<vmem>> -> memref<80xi32, #tpu.memory_space<vmem>>
        %dma_start3A_530 = tpu.memref_slice %arg3[%multiple_of3A_521] : memref<640000xi32, #tpu.memory_space<hbm>> -> memref<80xi32, #tpu.memory_space<hbm>>
        tpu.enqueue_dma source(%dma_start3A_530 : memref<80xi32, #tpu.memory_space<hbm>>) target(%dma_start3A_529 : memref<80xi32, #tpu.memory_space<vmem>>) target_semaphore(%arg22 : memref<!tpu.dma_semaphore, #tpu.memory_space<semaphore_mem>>)
        %add3A_531 = arith.constant 320000 : i32
        %add3A_532 = arith.addi %add3A_531, %multiple_of3A_521 : i32
        %dma_start3A_533 = arith.constant 2 : i32
        %dma_start3A_534 = arith.constant 0 : i32
        %dma_start3A_535 = tpu.memref_slice %arg6[%dma_start3A_533, %dma_start3A_534] : memref<8x80xi32, #tpu.memory_space<vmem>> -> memref<1x80xi32, #tpu.memory_space<vmem>>
        %dma_start3A_536 = tpu.memref_squeeze %dma_start3A_535 : memref<1x80xi32, #tpu.memory_space<vmem>> -> memref<80xi32, #tpu.memory_space<vmem>>
        %dma_start3A_537 = tpu.memref_slice %arg3[%add3A_532] : memref<640000xi32, #tpu.memory_space<hbm>> -> memref<80xi32, #tpu.memory_space<hbm>>
        %dma_start3A_538 = arith.constant 0 : i32
        %dma_start3A_539 = tpu.memref_slice %arg6[%dma_start3A_533, %dma_start3A_538] : memref<8x80xi32, #tpu.memory_space<vmem>> -> memref<1x80xi32, #tpu.memory_space<vmem>>
        %dma_start3A_540 = tpu.memref_squeeze %dma_start3A_539 : memref<1x80xi32, #tpu.memory_space<vmem>> -> memref<80xi32, #tpu.memory_space<vmem>>
        %dma_start3A_541 = tpu.memref_slice %arg3[%add3A_532] : memref<640000xi32, #tpu.memory_space<hbm>> -> memref<80xi32, #tpu.memory_space<hbm>>
        tpu.enqueue_dma source(%dma_start3A_541 : memref<80xi32, #tpu.memory_space<hbm>>) target(%dma_start3A_540 : memref<80xi32, #tpu.memory_space<vmem>>) target_semaphore(%arg22 : memref<!tpu.dma_semaphore, #tpu.memory_space<semaphore_mem>>)
      } else {
      }
      %lt3A_415 = arith.constant 125 : i32
      %lt3A_416 = arith.cmpi slt, %add3A_399, %lt3A_415 : i32
      %convert_element_type3A_417 = arith.extui %lt3A_416 : i1 to i32
      %cond3A_418 = arith.constant 0 : i32
      %cond3A_419 = arith.cmpi ne, %convert_element_type3A_417, %cond3A_418 : i32
      scf.if %cond3A_419 {
        %dma_wait3A_518 = arith.constant 7 : i32
        %dma_wait3A_519 = arith.constant 0 : i32
        %dma_wait3A_520 = tpu.memref_slice %arg5[%dma_wait3A_518, %dma_wait3A_519] : memref<8x80xi32, #tpu.memory_space<vmem>> -> memref<1x80xi32, #tpu.memory_space<vmem>>
        %dma_wait3A_521 = tpu.memref_squeeze %dma_wait3A_520 : memref<1x80xi32, #tpu.memory_space<vmem>> -> memref<80xi32, #tpu.memory_space<vmem>>
        %dma_wait3A_522 = arith.constant 0 : i32
        %dma_wait3A_523 = tpu.memref_slice %arg3[%dma_wait3A_522] : memref<640000xi32, #tpu.memory_space<hbm>> -> memref<80xi32, #tpu.memory_space<hbm>>
        %dma_wait3A_524 = arith.constant 0 : i32
        %dma_wait3A_525 = tpu.memref_slice %arg5[%dma_wait3A_518, %dma_wait3A_524] : memref<8x80xi32, #tpu.memory_space<vmem>> -> memref<1x80xi32, #tpu.memory_space<vmem>>
        %dma_wait3A_526 = tpu.memref_squeeze %dma_wait3A_525 : memref<1x80xi32, #tpu.memory_space<vmem>> -> memref<80xi32, #tpu.memory_space<vmem>>
        %dma_wait3A_527 = arith.constant 0 : i32
        %dma_wait3A_528 = tpu.memref_slice %arg3[%dma_wait3A_527] : memref<640000xi32, #tpu.memory_space<hbm>> -> memref<80xi32, #tpu.memory_space<hbm>>
        tpu.wait_dma2 semaphore(%arg27 : memref<!tpu.dma_semaphore, #tpu.memory_space<semaphore_mem>>) src(%dma_wait3A_528 : memref<80xi32, #tpu.memory_space<hbm>>) dst(%dma_wait3A_526 : memref<80xi32, #tpu.memory_space<vmem>>)
        %dma_wait3A_529 = arith.constant 7 : i32
        %dma_wait3A_530 = arith.constant 0 : i32
        %dma_wait3A_531 = tpu.memref_slice %arg6[%dma_wait3A_529, %dma_wait3A_530] : memref<8x80xi32, #tpu.memory_space<vmem>> -> memref<1x80xi32, #tpu.memory_space<vmem>>
        %dma_wait3A_532 = tpu.memref_squeeze %dma_wait3A_531 : memref<1x80xi32, #tpu.memory_space<vmem>> -> memref<80xi32, #tpu.memory_space<vmem>>
        %dma_wait3A_533 = arith.constant 0 : i32
        %dma_wait3A_534 = tpu.memref_slice %arg3[%dma_wait3A_533] : memref<640000xi32, #tpu.memory_space<hbm>> -> memref<80xi32, #tpu.memory_space<hbm>>
        %dma_wait3A_535 = arith.constant 0 : i32
        %dma_wait3A_536 = tpu.memref_slice %arg6[%dma_wait3A_529, %dma_wait3A_535] : memref<8x80xi32, #tpu.memory_space<vmem>> -> memref<1x80xi32, #tpu.memory_space<vmem>>
        %dma_wait3A_537 = tpu.memref_squeeze %dma_wait3A_536 : memref<1x80xi32, #tpu.memory_space<vmem>> -> memref<80xi32, #tpu.memory_space<vmem>>
        %dma_wait3A_538 = arith.constant 0 : i32
        %dma_wait3A_539 = tpu.memref_slice %arg3[%dma_wait3A_538] : memref<640000xi32, #tpu.memory_space<hbm>> -> memref<80xi32, #tpu.memory_space<hbm>>
        tpu.wait_dma2 semaphore(%arg27 : memref<!tpu.dma_semaphore, #tpu.memory_space<semaphore_mem>>) src(%dma_wait3A_539 : memref<80xi32, #tpu.memory_space<hbm>>) dst(%dma_wait3A_537 : memref<80xi32, #tpu.memory_space<vmem>>)
        %dma_start3A_540 = arith.constant 7 : i32
        %dma_start3A_541 = arith.constant 0 : i32
        %dma_start3A_542 = tpu.memref_slice %arg5[%dma_start3A_540, %dma_start3A_541] : memref<8x80xi32, #tpu.memory_space<vmem>> -> memref<1x80xi32, #tpu.memory_space<vmem>>
        %dma_start3A_543 = tpu.memref_squeeze %dma_start3A_542 : memref<1x80xi32, #tpu.memory_space<vmem>> -> memref<80xi32, #tpu.memory_space<vmem>>
        %dma_start3A_544 = arith.constant 0 : i32
        %dma_start3A_545 = arith.constant 0 : i32
        %dma_start3A_546 = tpu.memref_slice %arg2[%dma_start3A_544, %dma_start3A_545] : memref<10000x128xf32, #tpu.memory_space<hbm>> -> memref<10000x128xf32, #tpu.memory_space<hbm>>
        tpu.enqueue_indirect_dma source(%dma_start3A_546 : memref<10000x128xf32, #tpu.memory_space<hbm>>) target(%arg10 : memref<80x128xf32, #tpu.memory_space<vmem>>) offsets(%dma_start3A_543 : memref<80xi32, #tpu.memory_space<vmem>>) semaphore(%arg15 : memref<!tpu.dma_semaphore, #tpu.memory_space<semaphore_mem>>)
      } else {
      }
      %lt3A_420 = arith.constant 125 : i32
      %lt3A_421 = arith.cmpi slt, %add3A_397, %lt3A_420 : i32
      %convert_element_type3A_422 = arith.extui %lt3A_421 : i1 to i32
      %cond3A_423 = arith.constant 0 : i32
      %cond3A_424 = arith.cmpi ne, %convert_element_type3A_422, %cond3A_423 : i32
      scf.if %cond3A_424 {
        %dma_wait3A_518 = arith.constant 0 : i32
        %dma_wait3A_519 = arith.constant 0 : i32
        %dma_wait3A_520 = tpu.memref_slice %arg5[%dma_wait3A_518, %dma_wait3A_519] : memref<8x80xi32, #tpu.memory_space<vmem>> -> memref<1x80xi32, #tpu.memory_space<vmem>>
        %dma_wait3A_521 = tpu.memref_squeeze %dma_wait3A_520 : memref<1x80xi32, #tpu.memory_space<vmem>> -> memref<80xi32, #tpu.memory_space<vmem>>
        %dma_wait3A_522 = arith.constant 0 : i32
        %dma_wait3A_523 = arith.constant 0 : i32
        %dma_wait3A_524 = tpu.memref_slice %arg2[%dma_wait3A_522, %dma_wait3A_523] : memref<10000x128xf32, #tpu.memory_space<hbm>> -> memref<10000x128xf32, #tpu.memory_space<hbm>>
        tpu.wait_indirect_dma semaphore(%arg12 : memref<!tpu.dma_semaphore, #tpu.memory_space<semaphore_mem>>) src(%dma_wait3A_524 : memref<10000x128xf32, #tpu.memory_space<hbm>>) dst(%arg7 : memref<80x128xf32, #tpu.memory_space<vmem>>)
        %dma_start3A_525 = arith.constant 4 : i32
        %dma_start3A_526 = arith.constant 0 : i32
        %dma_start3A_527 = tpu.memref_slice %arg6[%dma_start3A_525, %dma_start3A_526] : memref<8x80xi32, #tpu.memory_space<vmem>> -> memref<1x80xi32, #tpu.memory_space<vmem>>
        %dma_start3A_528 = tpu.memref_squeeze %dma_start3A_527 : memref<1x80xi32, #tpu.memory_space<vmem>> -> memref<80xi32, #tpu.memory_space<vmem>>
        %dma_start3A_529 = arith.constant 0 : i32
        %dma_start3A_530 = arith.constant 0 : i32
        %dma_start3A_531 = tpu.memref_slice %arg11[%dma_start3A_529, %dma_start3A_530] : memref<10000x128xf32, #tpu.memory_space<vmem_shared>> -> memref<10000x128xf32, #tpu.memory_space<vmem_shared>>
        tpu.enqueue_indirect_dma source(%arg7 : memref<80x128xf32, #tpu.memory_space<vmem>>) target(%dma_start3A_531 : memref<10000x128xf32, #tpu.memory_space<vmem_shared>>) offsets(%dma_start3A_528 : memref<80xi32, #tpu.memory_space<vmem>>) semaphore(%arg16 : memref<!tpu.dma_semaphore, #tpu.memory_space<semaphore_mem>>) {add = true}
      } else {
      }
      %mul3A_425 = arith.constant 8 : i32
      %mul3A_426 = arith.muli %scan3A_272, %mul3A_425 : i32
      %add3A_427 = arith.constant 5 : i32
      %add3A_428 = arith.addi %mul3A_426, %add3A_427 : i32
      %add3A_429 = arith.constant 3 : i32
      %add3A_430 = arith.addi %add3A_428, %add3A_429 : i32
      %add3A_431 = arith.constant 6 : i32
      %add3A_432 = arith.addi %add3A_428, %add3A_431 : i32
      %ge3A_433 = arith.constant 4 : i32
      %ge3A_434 = arith.cmpi sge, %add3A_430, %ge3A_433 : i32
      %lt3A_435 = arith.constant 125 : i32
      %lt3A_436 = arith.cmpi slt, %add3A_430, %lt3A_435 : i32
      %and3A_437 = arith.andi %ge3A_434, %lt3A_436 : i1
      %convert_element_type3A_438 = arith.extui %and3A_437 : i1 to i32
      %cond3A_439 = arith.constant 0 : i32
      %cond3A_440 = arith.cmpi ne, %convert_element_type3A_438, %cond3A_439 : i32
      scf.if %cond3A_440 {
        %dma_wait3A_518 = arith.constant 0 : i32
        %dma_wait3A_519 = arith.constant 0 : i32
        %dma_wait3A_520 = tpu.memref_slice %arg6[%dma_wait3A_518, %dma_wait3A_519] : memref<8x80xi32, #tpu.memory_space<vmem>> -> memref<1x80xi32, #tpu.memory_space<vmem>>
        %dma_wait3A_521 = tpu.memref_squeeze %dma_wait3A_520 : memref<1x80xi32, #tpu.memory_space<vmem>> -> memref<80xi32, #tpu.memory_space<vmem>>
        %dma_wait3A_522 = arith.constant 0 : i32
        %dma_wait3A_523 = arith.constant 0 : i32
        %dma_wait3A_524 = tpu.memref_slice %arg11[%dma_wait3A_522, %dma_wait3A_523] : memref<10000x128xf32, #tpu.memory_space<vmem_shared>> -> memref<10000x128xf32, #tpu.memory_space<vmem_shared>>
        tpu.wait_indirect_dma semaphore(%arg16 : memref<!tpu.dma_semaphore, #tpu.memory_space<semaphore_mem>>) src(%arg7 : memref<80x128xf32, #tpu.memory_space<vmem>>) dst(%dma_wait3A_524 : memref<10000x128xf32, #tpu.memory_space<vmem_shared>>)
      } else {
      }
      %lt3A_441 = arith.constant 125 : i32
      %lt3A_442 = arith.cmpi slt, %add3A_432, %lt3A_441 : i32
      %convert_element_type3A_443 = arith.extui %lt3A_442 : i1 to i32
      %cond3A_444 = arith.constant 0 : i32
      %cond3A_445 = arith.cmpi ne, %convert_element_type3A_443, %cond3A_444 : i32
      scf.if %cond3A_445 {
        %mul3A_518 = arith.constant 80 : i32
        %mul3A_519 = arith.muli %add3A_432, %mul3A_518 : i32
        %add3A_520 = arith.addi %mul3A_2, %mul3A_519 : i32
        %multiple_of3A_521 = tpu.assume_multiple %add3A_520, 8 : i32
        %dma_start3A_522 = arith.constant 3 : i32
        %dma_start3A_523 = arith.constant 0 : i32
        %dma_start3A_524 = tpu.memref_slice %arg5[%dma_start3A_522, %dma_start3A_523] : memref<8x80xi32, #tpu.memory_space<vmem>> -> memref<1x80xi32, #tpu.memory_space<vmem>>
        %dma_start3A_525 = tpu.memref_squeeze %dma_start3A_524 : memref<1x80xi32, #tpu.memory_space<vmem>> -> memref<80xi32, #tpu.memory_space<vmem>>
        %dma_start3A_526 = tpu.memref_slice %arg3[%multiple_of3A_521] : memref<640000xi32, #tpu.memory_space<hbm>> -> memref<80xi32, #tpu.memory_space<hbm>>
        %dma_start3A_527 = arith.constant 0 : i32
        %dma_start3A_528 = tpu.memref_slice %arg5[%dma_start3A_522, %dma_start3A_527] : memref<8x80xi32, #tpu.memory_space<vmem>> -> memref<1x80xi32, #tpu.memory_space<vmem>>
        %dma_start3A_529 = tpu.memref_squeeze %dma_start3A_528 : memref<1x80xi32, #tpu.memory_space<vmem>> -> memref<80xi32, #tpu.memory_space<vmem>>
        %dma_start3A_530 = tpu.memref_slice %arg3[%multiple_of3A_521] : memref<640000xi32, #tpu.memory_space<hbm>> -> memref<80xi32, #tpu.memory_space<hbm>>
        tpu.enqueue_dma source(%dma_start3A_530 : memref<80xi32, #tpu.memory_space<hbm>>) target(%dma_start3A_529 : memref<80xi32, #tpu.memory_space<vmem>>) target_semaphore(%arg23 : memref<!tpu.dma_semaphore, #tpu.memory_space<semaphore_mem>>)
        %add3A_531 = arith.constant 320000 : i32
        %add3A_532 = arith.addi %add3A_531, %multiple_of3A_521 : i32
        %dma_start3A_533 = arith.constant 3 : i32
        %dma_start3A_534 = arith.constant 0 : i32
        %dma_start3A_535 = tpu.memref_slice %arg6[%dma_start3A_533, %dma_start3A_534] : memref<8x80xi32, #tpu.memory_space<vmem>> -> memref<1x80xi32, #tpu.memory_space<vmem>>
        %dma_start3A_536 = tpu.memref_squeeze %dma_start3A_535 : memref<1x80xi32, #tpu.memory_space<vmem>> -> memref<80xi32, #tpu.memory_space<vmem>>
        %dma_start3A_537 = tpu.memref_slice %arg3[%add3A_532] : memref<640000xi32, #tpu.memory_space<hbm>> -> memref<80xi32, #tpu.memory_space<hbm>>
        %dma_start3A_538 = arith.constant 0 : i32
        %dma_start3A_539 = tpu.memref_slice %arg6[%dma_start3A_533, %dma_start3A_538] : memref<8x80xi32, #tpu.memory_space<vmem>> -> memref<1x80xi32, #tpu.memory_space<vmem>>
        %dma_start3A_540 = tpu.memref_squeeze %dma_start3A_539 : memref<1x80xi32, #tpu.memory_space<vmem>> -> memref<80xi32, #tpu.memory_space<vmem>>
        %dma_start3A_541 = tpu.memref_slice %arg3[%add3A_532] : memref<640000xi32, #tpu.memory_space<hbm>> -> memref<80xi32, #tpu.memory_space<hbm>>
        tpu.enqueue_dma source(%dma_start3A_541 : memref<80xi32, #tpu.memory_space<hbm>>) target(%dma_start3A_540 : memref<80xi32, #tpu.memory_space<vmem>>) target_semaphore(%arg23 : memref<!tpu.dma_semaphore, #tpu.memory_space<semaphore_mem>>)
      } else {
      }
      %lt3A_446 = arith.constant 125 : i32
      %lt3A_447 = arith.cmpi slt, %add3A_430, %lt3A_446 : i32
      %convert_element_type3A_448 = arith.extui %lt3A_447 : i1 to i32
      %cond3A_449 = arith.constant 0 : i32
      %cond3A_450 = arith.cmpi ne, %convert_element_type3A_448, %cond3A_449 : i32
      scf.if %cond3A_450 {
        %dma_wait3A_518 = arith.constant 0 : i32
        %dma_wait3A_519 = arith.constant 0 : i32
        %dma_wait3A_520 = tpu.memref_slice %arg5[%dma_wait3A_518, %dma_wait3A_519] : memref<8x80xi32, #tpu.memory_space<vmem>> -> memref<1x80xi32, #tpu.memory_space<vmem>>
        %dma_wait3A_521 = tpu.memref_squeeze %dma_wait3A_520 : memref<1x80xi32, #tpu.memory_space<vmem>> -> memref<80xi32, #tpu.memory_space<vmem>>
        %dma_wait3A_522 = arith.constant 0 : i32
        %dma_wait3A_523 = tpu.memref_slice %arg3[%dma_wait3A_522] : memref<640000xi32, #tpu.memory_space<hbm>> -> memref<80xi32, #tpu.memory_space<hbm>>
        %dma_wait3A_524 = arith.constant 0 : i32
        %dma_wait3A_525 = tpu.memref_slice %arg5[%dma_wait3A_518, %dma_wait3A_524] : memref<8x80xi32, #tpu.memory_space<vmem>> -> memref<1x80xi32, #tpu.memory_space<vmem>>
        %dma_wait3A_526 = tpu.memref_squeeze %dma_wait3A_525 : memref<1x80xi32, #tpu.memory_space<vmem>> -> memref<80xi32, #tpu.memory_space<vmem>>
        %dma_wait3A_527 = arith.constant 0 : i32
        %dma_wait3A_528 = tpu.memref_slice %arg3[%dma_wait3A_527] : memref<640000xi32, #tpu.memory_space<hbm>> -> memref<80xi32, #tpu.memory_space<hbm>>
        tpu.wait_dma2 semaphore(%arg20 : memref<!tpu.dma_semaphore, #tpu.memory_space<semaphore_mem>>) src(%dma_wait3A_528 : memref<80xi32, #tpu.memory_space<hbm>>) dst(%dma_wait3A_526 : memref<80xi32, #tpu.memory_space<vmem>>)
        %dma_wait3A_529 = arith.constant 0 : i32
        %dma_wait3A_530 = arith.constant 0 : i32
        %dma_wait3A_531 = tpu.memref_slice %arg6[%dma_wait3A_529, %dma_wait3A_530] : memref<8x80xi32, #tpu.memory_space<vmem>> -> memref<1x80xi32, #tpu.memory_space<vmem>>
        %dma_wait3A_532 = tpu.memref_squeeze %dma_wait3A_531 : memref<1x80xi32, #tpu.memory_space<vmem>> -> memref<80xi32, #tpu.memory_space<vmem>>
        %dma_wait3A_533 = arith.constant 0 : i32
        %dma_wait3A_534 = tpu.memref_slice %arg3[%dma_wait3A_533] : memref<640000xi32, #tpu.memory_space<hbm>> -> memref<80xi32, #tpu.memory_space<hbm>>
        %dma_wait3A_535 = arith.constant 0 : i32
        %dma_wait3A_536 = tpu.memref_slice %arg6[%dma_wait3A_529, %dma_wait3A_535] : memref<8x80xi32, #tpu.memory_space<vmem>> -> memref<1x80xi32, #tpu.memory_space<vmem>>
        %dma_wait3A_537 = tpu.memref_squeeze %dma_wait3A_536 : memref<1x80xi32, #tpu.memory_space<vmem>> -> memref<80xi32, #tpu.memory_space<vmem>>
        %dma_wait3A_538 = arith.constant 0 : i32
        %dma_wait3A_539 = tpu.memref_slice %arg3[%dma_wait3A_538] : memref<640000xi32, #tpu.memory_space<hbm>> -> memref<80xi32, #tpu.memory_space<hbm>>
        tpu.wait_dma2 semaphore(%arg20 : memref<!tpu.dma_semaphore, #tpu.memory_space<semaphore_mem>>) src(%dma_wait3A_539 : memref<80xi32, #tpu.memory_space<hbm>>) dst(%dma_wait3A_537 : memref<80xi32, #tpu.memory_space<vmem>>)
        %dma_start3A_540 = arith.constant 0 : i32
        %dma_start3A_541 = arith.constant 0 : i32
        %dma_start3A_542 = tpu.memref_slice %arg5[%dma_start3A_540, %dma_start3A_541] : memref<8x80xi32, #tpu.memory_space<vmem>> -> memref<1x80xi32, #tpu.memory_space<vmem>>
        %dma_start3A_543 = tpu.memref_squeeze %dma_start3A_542 : memref<1x80xi32, #tpu.memory_space<vmem>> -> memref<80xi32, #tpu.memory_space<vmem>>
        %dma_start3A_544 = arith.constant 0 : i32
        %dma_start3A_545 = arith.constant 0 : i32
        %dma_start3A_546 = tpu.memref_slice %arg2[%dma_start3A_544, %dma_start3A_545] : memref<10000x128xf32, #tpu.memory_space<hbm>> -> memref<10000x128xf32, #tpu.memory_space<hbm>>
        tpu.enqueue_indirect_dma source(%dma_start3A_546 : memref<10000x128xf32, #tpu.memory_space<hbm>>) target(%arg7 : memref<80x128xf32, #tpu.memory_space<vmem>>) offsets(%dma_start3A_543 : memref<80xi32, #tpu.memory_space<vmem>>) semaphore(%arg12 : memref<!tpu.dma_semaphore, #tpu.memory_space<semaphore_mem>>)
      } else {
      }
      %lt3A_451 = arith.constant 125 : i32
      %lt3A_452 = arith.cmpi slt, %add3A_428, %lt3A_451 : i32
      %convert_element_type3A_453 = arith.extui %lt3A_452 : i1 to i32
      %cond3A_454 = arith.constant 0 : i32
      %cond3A_455 = arith.cmpi ne, %convert_element_type3A_453, %cond3A_454 : i32
      scf.if %cond3A_455 {
        %dma_wait3A_518 = arith.constant 0 : i32
        %dma_wait3A_519 = arith.constant 0 : i32
        %dma_wait3A_520 = tpu.memref_slice %arg5[%dma_wait3A_518, %dma_wait3A_519] : memref<8x80xi32, #tpu.memory_space<vmem>> -> memref<1x80xi32, #tpu.memory_space<vmem>>
        %dma_wait3A_521 = tpu.memref_squeeze %dma_wait3A_520 : memref<1x80xi32, #tpu.memory_space<vmem>> -> memref<80xi32, #tpu.memory_space<vmem>>
        %dma_wait3A_522 = arith.constant 0 : i32
        %dma_wait3A_523 = arith.constant 0 : i32
        %dma_wait3A_524 = tpu.memref_slice %arg2[%dma_wait3A_522, %dma_wait3A_523] : memref<10000x128xf32, #tpu.memory_space<hbm>> -> memref<10000x128xf32, #tpu.memory_space<hbm>>
        tpu.wait_indirect_dma semaphore(%arg13 : memref<!tpu.dma_semaphore, #tpu.memory_space<semaphore_mem>>) src(%dma_wait3A_524 : memref<10000x128xf32, #tpu.memory_space<hbm>>) dst(%arg8 : memref<80x128xf32, #tpu.memory_space<vmem>>)
        %dma_start3A_525 = arith.constant 5 : i32
        %dma_start3A_526 = arith.constant 0 : i32
        %dma_start3A_527 = tpu.memref_slice %arg6[%dma_start3A_525, %dma_start3A_526] : memref<8x80xi32, #tpu.memory_space<vmem>> -> memref<1x80xi32, #tpu.memory_space<vmem>>
        %dma_start3A_528 = tpu.memref_squeeze %dma_start3A_527 : memref<1x80xi32, #tpu.memory_space<vmem>> -> memref<80xi32, #tpu.memory_space<vmem>>
        %dma_start3A_529 = arith.constant 0 : i32
        %dma_start3A_530 = arith.constant 0 : i32
        %dma_start3A_531 = tpu.memref_slice %arg11[%dma_start3A_529, %dma_start3A_530] : memref<10000x128xf32, #tpu.memory_space<vmem_shared>> -> memref<10000x128xf32, #tpu.memory_space<vmem_shared>>
        tpu.enqueue_indirect_dma source(%arg8 : memref<80x128xf32, #tpu.memory_space<vmem>>) target(%dma_start3A_531 : memref<10000x128xf32, #tpu.memory_space<vmem_shared>>) offsets(%dma_start3A_528 : memref<80xi32, #tpu.memory_space<vmem>>) semaphore(%arg17 : memref<!tpu.dma_semaphore, #tpu.memory_space<semaphore_mem>>) {add = true}
      } else {
      }
      %mul3A_456 = arith.constant 8 : i32
      %mul3A_457 = arith.muli %scan3A_272, %mul3A_456 : i32
      %add3A_458 = arith.constant 6 : i32
      %add3A_459 = arith.addi %mul3A_457, %add3A_458 : i32
      %add3A_460 = arith.constant 3 : i32
      %add3A_461 = arith.addi %add3A_459, %add3A_460 : i32
      %add3A_462 = arith.constant 6 : i32
      %add3A_463 = arith.addi %add3A_459, %add3A_462 : i32
      %ge3A_464 = arith.constant 4 : i32
      %ge3A_465 = arith.cmpi sge, %add3A_461, %ge3A_464 : i32
      %lt3A_466 = arith.constant 125 : i32
      %lt3A_467 = arith.cmpi slt, %add3A_461, %lt3A_466 : i32
      %and3A_468 = arith.andi %ge3A_465, %lt3A_467 : i1
      %convert_element_type3A_469 = arith.extui %and3A_468 : i1 to i32
      %cond3A_470 = arith.constant 0 : i32
      %cond3A_471 = arith.cmpi ne, %convert_element_type3A_469, %cond3A_470 : i32
      scf.if %cond3A_471 {
        %dma_wait3A_518 = arith.constant 0 : i32
        %dma_wait3A_519 = arith.constant 0 : i32
        %dma_wait3A_520 = tpu.memref_slice %arg6[%dma_wait3A_518, %dma_wait3A_519] : memref<8x80xi32, #tpu.memory_space<vmem>> -> memref<1x80xi32, #tpu.memory_space<vmem>>
        %dma_wait3A_521 = tpu.memref_squeeze %dma_wait3A_520 : memref<1x80xi32, #tpu.memory_space<vmem>> -> memref<80xi32, #tpu.memory_space<vmem>>
        %dma_wait3A_522 = arith.constant 0 : i32
        %dma_wait3A_523 = arith.constant 0 : i32
        %dma_wait3A_524 = tpu.memref_slice %arg11[%dma_wait3A_522, %dma_wait3A_523] : memref<10000x128xf32, #tpu.memory_space<vmem_shared>> -> memref<10000x128xf32, #tpu.memory_space<vmem_shared>>
        tpu.wait_indirect_dma semaphore(%arg17 : memref<!tpu.dma_semaphore, #tpu.memory_space<semaphore_mem>>) src(%arg8 : memref<80x128xf32, #tpu.memory_space<vmem>>) dst(%dma_wait3A_524 : memref<10000x128xf32, #tpu.memory_space<vmem_shared>>)
      } else {
      }
      %lt3A_472 = arith.constant 125 : i32
      %lt3A_473 = arith.cmpi slt, %add3A_463, %lt3A_472 : i32
      %convert_element_type3A_474 = arith.extui %lt3A_473 : i1 to i32
      %cond3A_475 = arith.constant 0 : i32
      %cond3A_476 = arith.cmpi ne, %convert_element_type3A_474, %cond3A_475 : i32
      scf.if %cond3A_476 {
        %mul3A_518 = arith.constant 80 : i32
        %mul3A_519 = arith.muli %add3A_463, %mul3A_518 : i32
        %add3A_520 = arith.addi %mul3A_2, %mul3A_519 : i32
        %multiple_of3A_521 = tpu.assume_multiple %add3A_520, 8 : i32
        %dma_start3A_522 = arith.constant 4 : i32
        %dma_start3A_523 = arith.constant 0 : i32
        %dma_start3A_524 = tpu.memref_slice %arg5[%dma_start3A_522, %dma_start3A_523] : memref<8x80xi32, #tpu.memory_space<vmem>> -> memref<1x80xi32, #tpu.memory_space<vmem>>
        %dma_start3A_525 = tpu.memref_squeeze %dma_start3A_524 : memref<1x80xi32, #tpu.memory_space<vmem>> -> memref<80xi32, #tpu.memory_space<vmem>>
        %dma_start3A_526 = tpu.memref_slice %arg3[%multiple_of3A_521] : memref<640000xi32, #tpu.memory_space<hbm>> -> memref<80xi32, #tpu.memory_space<hbm>>
        %dma_start3A_527 = arith.constant 0 : i32
        %dma_start3A_528 = tpu.memref_slice %arg5[%dma_start3A_522, %dma_start3A_527] : memref<8x80xi32, #tpu.memory_space<vmem>> -> memref<1x80xi32, #tpu.memory_space<vmem>>
        %dma_start3A_529 = tpu.memref_squeeze %dma_start3A_528 : memref<1x80xi32, #tpu.memory_space<vmem>> -> memref<80xi32, #tpu.memory_space<vmem>>
        %dma_start3A_530 = tpu.memref_slice %arg3[%multiple_of3A_521] : memref<640000xi32, #tpu.memory_space<hbm>> -> memref<80xi32, #tpu.memory_space<hbm>>
        tpu.enqueue_dma source(%dma_start3A_530 : memref<80xi32, #tpu.memory_space<hbm>>) target(%dma_start3A_529 : memref<80xi32, #tpu.memory_space<vmem>>) target_semaphore(%arg24 : memref<!tpu.dma_semaphore, #tpu.memory_space<semaphore_mem>>)
        %add3A_531 = arith.constant 320000 : i32
        %add3A_532 = arith.addi %add3A_531, %multiple_of3A_521 : i32
        %dma_start3A_533 = arith.constant 4 : i32
        %dma_start3A_534 = arith.constant 0 : i32
        %dma_start3A_535 = tpu.memref_slice %arg6[%dma_start3A_533, %dma_start3A_534] : memref<8x80xi32, #tpu.memory_space<vmem>> -> memref<1x80xi32, #tpu.memory_space<vmem>>
        %dma_start3A_536 = tpu.memref_squeeze %dma_start3A_535 : memref<1x80xi32, #tpu.memory_space<vmem>> -> memref<80xi32, #tpu.memory_space<vmem>>
        %dma_start3A_537 = tpu.memref_slice %arg3[%add3A_532] : memref<640000xi32, #tpu.memory_space<hbm>> -> memref<80xi32, #tpu.memory_space<hbm>>
        %dma_start3A_538 = arith.constant 0 : i32
        %dma_start3A_539 = tpu.memref_slice %arg6[%dma_start3A_533, %dma_start3A_538] : memref<8x80xi32, #tpu.memory_space<vmem>> -> memref<1x80xi32, #tpu.memory_space<vmem>>
        %dma_start3A_540 = tpu.memref_squeeze %dma_start3A_539 : memref<1x80xi32, #tpu.memory_space<vmem>> -> memref<80xi32, #tpu.memory_space<vmem>>
        %dma_start3A_541 = tpu.memref_slice %arg3[%add3A_532] : memref<640000xi32, #tpu.memory_space<hbm>> -> memref<80xi32, #tpu.memory_space<hbm>>
        tpu.enqueue_dma source(%dma_start3A_541 : memref<80xi32, #tpu.memory_space<hbm>>) target(%dma_start3A_540 : memref<80xi32, #tpu.memory_space<vmem>>) target_semaphore(%arg24 : memref<!tpu.dma_semaphore, #tpu.memory_space<semaphore_mem>>)
      } else {
      }
      %lt3A_477 = arith.constant 125 : i32
      %lt3A_478 = arith.cmpi slt, %add3A_461, %lt3A_477 : i32
      %convert_element_type3A_479 = arith.extui %lt3A_478 : i1 to i32
      %cond3A_480 = arith.constant 0 : i32
      %cond3A_481 = arith.cmpi ne, %convert_element_type3A_479, %cond3A_480 : i32
      scf.if %cond3A_481 {
        %dma_wait3A_518 = arith.constant 1 : i32
        %dma_wait3A_519 = arith.constant 0 : i32
        %dma_wait3A_520 = tpu.memref_slice %arg5[%dma_wait3A_518, %dma_wait3A_519] : memref<8x80xi32, #tpu.memory_space<vmem>> -> memref<1x80xi32, #tpu.memory_space<vmem>>
        %dma_wait3A_521 = tpu.memref_squeeze %dma_wait3A_520 : memref<1x80xi32, #tpu.memory_space<vmem>> -> memref<80xi32, #tpu.memory_space<vmem>>
        %dma_wait3A_522 = arith.constant 0 : i32
        %dma_wait3A_523 = tpu.memref_slice %arg3[%dma_wait3A_522] : memref<640000xi32, #tpu.memory_space<hbm>> -> memref<80xi32, #tpu.memory_space<hbm>>
        %dma_wait3A_524 = arith.constant 0 : i32
        %dma_wait3A_525 = tpu.memref_slice %arg5[%dma_wait3A_518, %dma_wait3A_524] : memref<8x80xi32, #tpu.memory_space<vmem>> -> memref<1x80xi32, #tpu.memory_space<vmem>>
        %dma_wait3A_526 = tpu.memref_squeeze %dma_wait3A_525 : memref<1x80xi32, #tpu.memory_space<vmem>> -> memref<80xi32, #tpu.memory_space<vmem>>
        %dma_wait3A_527 = arith.constant 0 : i32
        %dma_wait3A_528 = tpu.memref_slice %arg3[%dma_wait3A_527] : memref<640000xi32, #tpu.memory_space<hbm>> -> memref<80xi32, #tpu.memory_space<hbm>>
        tpu.wait_dma2 semaphore(%arg21 : memref<!tpu.dma_semaphore, #tpu.memory_space<semaphore_mem>>) src(%dma_wait3A_528 : memref<80xi32, #tpu.memory_space<hbm>>) dst(%dma_wait3A_526 : memref<80xi32, #tpu.memory_space<vmem>>)
        %dma_wait3A_529 = arith.constant 1 : i32
        %dma_wait3A_530 = arith.constant 0 : i32
        %dma_wait3A_531 = tpu.memref_slice %arg6[%dma_wait3A_529, %dma_wait3A_530] : memref<8x80xi32, #tpu.memory_space<vmem>> -> memref<1x80xi32, #tpu.memory_space<vmem>>
        %dma_wait3A_532 = tpu.memref_squeeze %dma_wait3A_531 : memref<1x80xi32, #tpu.memory_space<vmem>> -> memref<80xi32, #tpu.memory_space<vmem>>
        %dma_wait3A_533 = arith.constant 0 : i32
        %dma_wait3A_534 = tpu.memref_slice %arg3[%dma_wait3A_533] : memref<640000xi32, #tpu.memory_space<hbm>> -> memref<80xi32, #tpu.memory_space<hbm>>
        %dma_wait3A_535 = arith.constant 0 : i32
        %dma_wait3A_536 = tpu.memref_slice %arg6[%dma_wait3A_529, %dma_wait3A_535] : memref<8x80xi32, #tpu.memory_space<vmem>> -> memref<1x80xi32, #tpu.memory_space<vmem>>
        %dma_wait3A_537 = tpu.memref_squeeze %dma_wait3A_536 : memref<1x80xi32, #tpu.memory_space<vmem>> -> memref<80xi32, #tpu.memory_space<vmem>>
        %dma_wait3A_538 = arith.constant 0 : i32
        %dma_wait3A_539 = tpu.memref_slice %arg3[%dma_wait3A_538] : memref<640000xi32, #tpu.memory_space<hbm>> -> memref<80xi32, #tpu.memory_space<hbm>>
        tpu.wait_dma2 semaphore(%arg21 : memref<!tpu.dma_semaphore, #tpu.memory_space<semaphore_mem>>) src(%dma_wait3A_539 : memref<80xi32, #tpu.memory_space<hbm>>) dst(%dma_wait3A_537 : memref<80xi32, #tpu.memory_space<vmem>>)
        %dma_start3A_540 = arith.constant 1 : i32
        %dma_start3A_541 = arith.constant 0 : i32
        %dma_start3A_542 = tpu.memref_slice %arg5[%dma_start3A_540, %dma_start3A_541] : memref<8x80xi32, #tpu.memory_space<vmem>> -> memref<1x80xi32, #tpu.memory_space<vmem>>
        %dma_start3A_543 = tpu.memref_squeeze %dma_start3A_542 : memref<1x80xi32, #tpu.memory_space<vmem>> -> memref<80xi32, #tpu.memory_space<vmem>>
        %dma_start3A_544 = arith.constant 0 : i32
        %dma_start3A_545 = arith.constant 0 : i32
        %dma_start3A_546 = tpu.memref_slice %arg2[%dma_start3A_544, %dma_start3A_545] : memref<10000x128xf32, #tpu.memory_space<hbm>> -> memref<10000x128xf32, #tpu.memory_space<hbm>>
        tpu.enqueue_indirect_dma source(%dma_start3A_546 : memref<10000x128xf32, #tpu.memory_space<hbm>>) target(%arg8 : memref<80x128xf32, #tpu.memory_space<vmem>>) offsets(%dma_start3A_543 : memref<80xi32, #tpu.memory_space<vmem>>) semaphore(%arg13 : memref<!tpu.dma_semaphore, #tpu.memory_space<semaphore_mem>>)
      } else {
      }
      %lt3A_482 = arith.constant 125 : i32
      %lt3A_483 = arith.cmpi slt, %add3A_459, %lt3A_482 : i32
      %convert_element_type3A_484 = arith.extui %lt3A_483 : i1 to i32
      %cond3A_485 = arith.constant 0 : i32
      %cond3A_486 = arith.cmpi ne, %convert_element_type3A_484, %cond3A_485 : i32
      scf.if %cond3A_486 {
        %dma_wait3A_518 = arith.constant 0 : i32
        %dma_wait3A_519 = arith.constant 0 : i32
        %dma_wait3A_520 = tpu.memref_slice %arg5[%dma_wait3A_518, %dma_wait3A_519] : memref<8x80xi32, #tpu.memory_space<vmem>> -> memref<1x80xi32, #tpu.memory_space<vmem>>
        %dma_wait3A_521 = tpu.memref_squeeze %dma_wait3A_520 : memref<1x80xi32, #tpu.memory_space<vmem>> -> memref<80xi32, #tpu.memory_space<vmem>>
        %dma_wait3A_522 = arith.constant 0 : i32
        %dma_wait3A_523 = arith.constant 0 : i32
        %dma_wait3A_524 = tpu.memref_slice %arg2[%dma_wait3A_522, %dma_wait3A_523] : memref<10000x128xf32, #tpu.memory_space<hbm>> -> memref<10000x128xf32, #tpu.memory_space<hbm>>
        tpu.wait_indirect_dma semaphore(%arg14 : memref<!tpu.dma_semaphore, #tpu.memory_space<semaphore_mem>>) src(%dma_wait3A_524 : memref<10000x128xf32, #tpu.memory_space<hbm>>) dst(%arg9 : memref<80x128xf32, #tpu.memory_space<vmem>>)
        %dma_start3A_525 = arith.constant 6 : i32
        %dma_start3A_526 = arith.constant 0 : i32
        %dma_start3A_527 = tpu.memref_slice %arg6[%dma_start3A_525, %dma_start3A_526] : memref<8x80xi32, #tpu.memory_space<vmem>> -> memref<1x80xi32, #tpu.memory_space<vmem>>
        %dma_start3A_528 = tpu.memref_squeeze %dma_start3A_527 : memref<1x80xi32, #tpu.memory_space<vmem>> -> memref<80xi32, #tpu.memory_space<vmem>>
        %dma_start3A_529 = arith.constant 0 : i32
        %dma_start3A_530 = arith.constant 0 : i32
        %dma_start3A_531 = tpu.memref_slice %arg11[%dma_start3A_529, %dma_start3A_530] : memref<10000x128xf32, #tpu.memory_space<vmem_shared>> -> memref<10000x128xf32, #tpu.memory_space<vmem_shared>>
        tpu.enqueue_indirect_dma source(%arg9 : memref<80x128xf32, #tpu.memory_space<vmem>>) target(%dma_start3A_531 : memref<10000x128xf32, #tpu.memory_space<vmem_shared>>) offsets(%dma_start3A_528 : memref<80xi32, #tpu.memory_space<vmem>>) semaphore(%arg18 : memref<!tpu.dma_semaphore, #tpu.memory_space<semaphore_mem>>) {add = true}
      } else {
      }
      %mul3A_487 = arith.constant 8 : i32
      %mul3A_488 = arith.muli %scan3A_272, %mul3A_487 : i32
      %add3A_489 = arith.constant 7 : i32
      %add3A_490 = arith.addi %mul3A_488, %add3A_489 : i32
      %add3A_491 = arith.constant 3 : i32
      %add3A_492 = arith.addi %add3A_490, %add3A_491 : i32
      %add3A_493 = arith.constant 6 : i32
      %add3A_494 = arith.addi %add3A_490, %add3A_493 : i32
      %ge3A_495 = arith.constant 4 : i32
      %ge3A_496 = arith.cmpi sge, %add3A_492, %ge3A_495 : i32
      %lt3A_497 = arith.constant 125 : i32
      %lt3A_498 = arith.cmpi slt, %add3A_492, %lt3A_497 : i32
      %and3A_499 = arith.andi %ge3A_496, %lt3A_498 : i1
      %convert_element_type3A_500 = arith.extui %and3A_499 : i1 to i32
      %cond3A_501 = arith.constant 0 : i32
      %cond3A_502 = arith.cmpi ne, %convert_element_type3A_500, %cond3A_501 : i32
      scf.if %cond3A_502 {
        %dma_wait3A_518 = arith.constant 0 : i32
        %dma_wait3A_519 = arith.constant 0 : i32
        %dma_wait3A_520 = tpu.memref_slice %arg6[%dma_wait3A_518, %dma_wait3A_519] : memref<8x80xi32, #tpu.memory_space<vmem>> -> memref<1x80xi32, #tpu.memory_space<vmem>>
        %dma_wait3A_521 = tpu.memref_squeeze %dma_wait3A_520 : memref<1x80xi32, #tpu.memory_space<vmem>> -> memref<80xi32, #tpu.memory_space<vmem>>
        %dma_wait3A_522 = arith.constant 0 : i32
        %dma_wait3A_523 = arith.constant 0 : i32
        %dma_wait3A_524 = tpu.memref_slice %arg11[%dma_wait3A_522, %dma_wait3A_523] : memref<10000x128xf32, #tpu.memory_space<vmem_shared>> -> memref<10000x128xf32, #tpu.memory_space<vmem_shared>>
        tpu.wait_indirect_dma semaphore(%arg18 : memref<!tpu.dma_semaphore, #tpu.memory_space<semaphore_mem>>) src(%arg9 : memref<80x128xf32, #tpu.memory_space<vmem>>) dst(%dma_wait3A_524 : memref<10000x128xf32, #tpu.memory_space<vmem_shared>>)
      } else {
      }
      %lt3A_503 = arith.constant 125 : i32
      %lt3A_504 = arith.cmpi slt, %add3A_494, %lt3A_503 : i32
      %convert_element_type3A_505 = arith.extui %lt3A_504 : i1 to i32
      %cond3A_506 = arith.constant 0 : i32
      %cond3A_507 = arith.cmpi ne, %convert_element_type3A_505, %cond3A_506 : i32
      scf.if %cond3A_507 {
        %mul3A_518 = arith.constant 80 : i32
        %mul3A_519 = arith.muli %add3A_494, %mul3A_518 : i32
        %add3A_520 = arith.addi %mul3A_2, %mul3A_519 : i32
        %multiple_of3A_521 = tpu.assume_multiple %add3A_520, 8 : i32
        %dma_start3A_522 = arith.constant 5 : i32
        %dma_start3A_523 = arith.constant 0 : i32
        %dma_start3A_524 = tpu.memref_slice %arg5[%dma_start3A_522, %dma_start3A_523] : memref<8x80xi32, #tpu.memory_space<vmem>> -> memref<1x80xi32, #tpu.memory_space<vmem>>
        %dma_start3A_525 = tpu.memref_squeeze %dma_start3A_524 : memref<1x80xi32, #tpu.memory_space<vmem>> -> memref<80xi32, #tpu.memory_space<vmem>>
        %dma_start3A_526 = tpu.memref_slice %arg3[%multiple_of3A_521] : memref<640000xi32, #tpu.memory_space<hbm>> -> memref<80xi32, #tpu.memory_space<hbm>>
        %dma_start3A_527 = arith.constant 0 : i32
        %dma_start3A_528 = tpu.memref_slice %arg5[%dma_start3A_522, %dma_start3A_527] : memref<8x80xi32, #tpu.memory_space<vmem>> -> memref<1x80xi32, #tpu.memory_space<vmem>>
        %dma_start3A_529 = tpu.memref_squeeze %dma_start3A_528 : memref<1x80xi32, #tpu.memory_space<vmem>> -> memref<80xi32, #tpu.memory_space<vmem>>
        %dma_start3A_530 = tpu.memref_slice %arg3[%multiple_of3A_521] : memref<640000xi32, #tpu.memory_space<hbm>> -> memref<80xi32, #tpu.memory_space<hbm>>
        tpu.enqueue_dma source(%dma_start3A_530 : memref<80xi32, #tpu.memory_space<hbm>>) target(%dma_start3A_529 : memref<80xi32, #tpu.memory_space<vmem>>) target_semaphore(%arg25 : memref<!tpu.dma_semaphore, #tpu.memory_space<semaphore_mem>>)
        %add3A_531 = arith.constant 320000 : i32
        %add3A_532 = arith.addi %add3A_531, %multiple_of3A_521 : i32
        %dma_start3A_533 = arith.constant 5 : i32
        %dma_start3A_534 = arith.constant 0 : i32
        %dma_start3A_535 = tpu.memref_slice %arg6[%dma_start3A_533, %dma_start3A_534] : memref<8x80xi32, #tpu.memory_space<vmem>> -> memref<1x80xi32, #tpu.memory_space<vmem>>
        %dma_start3A_536 = tpu.memref_squeeze %dma_start3A_535 : memref<1x80xi32, #tpu.memory_space<vmem>> -> memref<80xi32, #tpu.memory_space<vmem>>
        %dma_start3A_537 = tpu.memref_slice %arg3[%add3A_532] : memref<640000xi32, #tpu.memory_space<hbm>> -> memref<80xi32, #tpu.memory_space<hbm>>
        %dma_start3A_538 = arith.constant 0 : i32
        %dma_start3A_539 = tpu.memref_slice %arg6[%dma_start3A_533, %dma_start3A_538] : memref<8x80xi32, #tpu.memory_space<vmem>> -> memref<1x80xi32, #tpu.memory_space<vmem>>
        %dma_start3A_540 = tpu.memref_squeeze %dma_start3A_539 : memref<1x80xi32, #tpu.memory_space<vmem>> -> memref<80xi32, #tpu.memory_space<vmem>>
        %dma_start3A_541 = tpu.memref_slice %arg3[%add3A_532] : memref<640000xi32, #tpu.memory_space<hbm>> -> memref<80xi32, #tpu.memory_space<hbm>>
        tpu.enqueue_dma source(%dma_start3A_541 : memref<80xi32, #tpu.memory_space<hbm>>) target(%dma_start3A_540 : memref<80xi32, #tpu.memory_space<vmem>>) target_semaphore(%arg25 : memref<!tpu.dma_semaphore, #tpu.memory_space<semaphore_mem>>)
      } else {
      }
      %lt3A_508 = arith.constant 125 : i32
      %lt3A_509 = arith.cmpi slt, %add3A_492, %lt3A_508 : i32
      %convert_element_type3A_510 = arith.extui %lt3A_509 : i1 to i32
      %cond3A_511 = arith.constant 0 : i32
      %cond3A_512 = arith.cmpi ne, %convert_element_type3A_510, %cond3A_511 : i32
      scf.if %cond3A_512 {
        %dma_wait3A_518 = arith.constant 2 : i32
        %dma_wait3A_519 = arith.constant 0 : i32
        %dma_wait3A_520 = tpu.memref_slice %arg5[%dma_wait3A_518, %dma_wait3A_519] : memref<8x80xi32, #tpu.memory_space<vmem>> -> memref<1x80xi32, #tpu.memory_space<vmem>>
        %dma_wait3A_521 = tpu.memref_squeeze %dma_wait3A_520 : memref<1x80xi32, #tpu.memory_space<vmem>> -> memref<80xi32, #tpu.memory_space<vmem>>
        %dma_wait3A_522 = arith.constant 0 : i32
        %dma_wait3A_523 = tpu.memref_slice %arg3[%dma_wait3A_522] : memref<640000xi32, #tpu.memory_space<hbm>> -> memref<80xi32, #tpu.memory_space<hbm>>
        %dma_wait3A_524 = arith.constant 0 : i32
        %dma_wait3A_525 = tpu.memref_slice %arg5[%dma_wait3A_518, %dma_wait3A_524] : memref<8x80xi32, #tpu.memory_space<vmem>> -> memref<1x80xi32, #tpu.memory_space<vmem>>
        %dma_wait3A_526 = tpu.memref_squeeze %dma_wait3A_525 : memref<1x80xi32, #tpu.memory_space<vmem>> -> memref<80xi32, #tpu.memory_space<vmem>>
        %dma_wait3A_527 = arith.constant 0 : i32
        %dma_wait3A_528 = tpu.memref_slice %arg3[%dma_wait3A_527] : memref<640000xi32, #tpu.memory_space<hbm>> -> memref<80xi32, #tpu.memory_space<hbm>>
        tpu.wait_dma2 semaphore(%arg22 : memref<!tpu.dma_semaphore, #tpu.memory_space<semaphore_mem>>) src(%dma_wait3A_528 : memref<80xi32, #tpu.memory_space<hbm>>) dst(%dma_wait3A_526 : memref<80xi32, #tpu.memory_space<vmem>>)
        %dma_wait3A_529 = arith.constant 2 : i32
        %dma_wait3A_530 = arith.constant 0 : i32
        %dma_wait3A_531 = tpu.memref_slice %arg6[%dma_wait3A_529, %dma_wait3A_530] : memref<8x80xi32, #tpu.memory_space<vmem>> -> memref<1x80xi32, #tpu.memory_space<vmem>>
        %dma_wait3A_532 = tpu.memref_squeeze %dma_wait3A_531 : memref<1x80xi32, #tpu.memory_space<vmem>> -> memref<80xi32, #tpu.memory_space<vmem>>
        %dma_wait3A_533 = arith.constant 0 : i32
        %dma_wait3A_534 = tpu.memref_slice %arg3[%dma_wait3A_533] : memref<640000xi32, #tpu.memory_space<hbm>> -> memref<80xi32, #tpu.memory_space<hbm>>
        %dma_wait3A_535 = arith.constant 0 : i32
        %dma_wait3A_536 = tpu.memref_slice %arg6[%dma_wait3A_529, %dma_wait3A_535] : memref<8x80xi32, #tpu.memory_space<vmem>> -> memref<1x80xi32, #tpu.memory_space<vmem>>
        %dma_wait3A_537 = tpu.memref_squeeze %dma_wait3A_536 : memref<1x80xi32, #tpu.memory_space<vmem>> -> memref<80xi32, #tpu.memory_space<vmem>>
        %dma_wait3A_538 = arith.constant 0 : i32
        %dma_wait3A_539 = tpu.memref_slice %arg3[%dma_wait3A_538] : memref<640000xi32, #tpu.memory_space<hbm>> -> memref<80xi32, #tpu.memory_space<hbm>>
        tpu.wait_dma2 semaphore(%arg22 : memref<!tpu.dma_semaphore, #tpu.memory_space<semaphore_mem>>) src(%dma_wait3A_539 : memref<80xi32, #tpu.memory_space<hbm>>) dst(%dma_wait3A_537 : memref<80xi32, #tpu.memory_space<vmem>>)
        %dma_start3A_540 = arith.constant 2 : i32
        %dma_start3A_541 = arith.constant 0 : i32
        %dma_start3A_542 = tpu.memref_slice %arg5[%dma_start3A_540, %dma_start3A_541] : memref<8x80xi32, #tpu.memory_space<vmem>> -> memref<1x80xi32, #tpu.memory_space<vmem>>
        %dma_start3A_543 = tpu.memref_squeeze %dma_start3A_542 : memref<1x80xi32, #tpu.memory_space<vmem>> -> memref<80xi32, #tpu.memory_space<vmem>>
        %dma_start3A_544 = arith.constant 0 : i32
        %dma_start3A_545 = arith.constant 0 : i32
        %dma_start3A_546 = tpu.memref_slice %arg2[%dma_start3A_544, %dma_start3A_545] : memref<10000x128xf32, #tpu.memory_space<hbm>> -> memref<10000x128xf32, #tpu.memory_space<hbm>>
        tpu.enqueue_indirect_dma source(%dma_start3A_546 : memref<10000x128xf32, #tpu.memory_space<hbm>>) target(%arg9 : memref<80x128xf32, #tpu.memory_space<vmem>>) offsets(%dma_start3A_543 : memref<80xi32, #tpu.memory_space<vmem>>) semaphore(%arg14 : memref<!tpu.dma_semaphore, #tpu.memory_space<semaphore_mem>>)
      } else {
      }
      %lt3A_513 = arith.constant 125 : i32
      %lt3A_514 = arith.cmpi slt, %add3A_490, %lt3A_513 : i32
      %convert_element_type3A_515 = arith.extui %lt3A_514 : i1 to i32
      %cond3A_516 = arith.constant 0 : i32
      %cond3A_517 = arith.cmpi ne, %convert_element_type3A_515, %cond3A_516 : i32
      scf.if %cond3A_517 {
        %dma_wait3A_518 = arith.constant 0 : i32
        %dma_wait3A_519 = arith.constant 0 : i32
        %dma_wait3A_520 = tpu.memref_slice %arg5[%dma_wait3A_518, %dma_wait3A_519] : memref<8x80xi32, #tpu.memory_space<vmem>> -> memref<1x80xi32, #tpu.memory_space<vmem>>
        %dma_wait3A_521 = tpu.memref_squeeze %dma_wait3A_520 : memref<1x80xi32, #tpu.memory_space<vmem>> -> memref<80xi32, #tpu.memory_space<vmem>>
        %dma_wait3A_522 = arith.constant 0 : i32
        %dma_wait3A_523 = arith.constant 0 : i32
        %dma_wait3A_524 = tpu.memref_slice %arg2[%dma_wait3A_522, %dma_wait3A_523] : memref<10000x128xf32, #tpu.memory_space<hbm>> -> memref<10000x128xf32, #tpu.memory_space<hbm>>
        tpu.wait_indirect_dma semaphore(%arg15 : memref<!tpu.dma_semaphore, #tpu.memory_space<semaphore_mem>>) src(%dma_wait3A_524 : memref<10000x128xf32, #tpu.memory_space<hbm>>) dst(%arg10 : memref<80x128xf32, #tpu.memory_space<vmem>>)
        %dma_start3A_525 = arith.constant 7 : i32
        %dma_start3A_526 = arith.constant 0 : i32
        %dma_start3A_527 = tpu.memref_slice %arg6[%dma_start3A_525, %dma_start3A_526] : memref<8x80xi32, #tpu.memory_space<vmem>> -> memref<1x80xi32, #tpu.memory_space<vmem>>
        %dma_start3A_528 = tpu.memref_squeeze %dma_start3A_527 : memref<1x80xi32, #tpu.memory_space<vmem>> -> memref<80xi32, #tpu.memory_space<vmem>>
        %dma_start3A_529 = arith.constant 0 : i32
        %dma_start3A_530 = arith.constant 0 : i32
        %dma_start3A_531 = tpu.memref_slice %arg11[%dma_start3A_529, %dma_start3A_530] : memref<10000x128xf32, #tpu.memory_space<vmem_shared>> -> memref<10000x128xf32, #tpu.memory_space<vmem_shared>>
        tpu.enqueue_indirect_dma source(%arg10 : memref<80x128xf32, #tpu.memory_space<vmem>>) target(%dma_start3A_531 : memref<10000x128xf32, #tpu.memory_space<vmem_shared>>) offsets(%dma_start3A_528 : memref<80xi32, #tpu.memory_space<vmem>>) semaphore(%arg19 : memref<!tpu.dma_semaphore, #tpu.memory_space<semaphore_mem>>) {add = true}
      } else {
      }
    }
    %scan3A_237 = arith.constant 16 : i32
    %dma_wait3A_238 = arith.constant 0 : i32
    %dma_wait3A_239 = arith.constant 0 : i32
    %dma_wait3A_240 = tpu.memref_slice %arg6[%dma_wait3A_238, %dma_wait3A_239] : memref<8x80xi32, #tpu.memory_space<vmem>> -> memref<1x80xi32, #tpu.memory_space<vmem>>
    %dma_wait3A_241 = tpu.memref_squeeze %dma_wait3A_240 : memref<1x80xi32, #tpu.memory_space<vmem>> -> memref<80xi32, #tpu.memory_space<vmem>>
    %dma_wait3A_242 = arith.constant 0 : i32
    %dma_wait3A_243 = arith.constant 0 : i32
    %dma_wait3A_244 = tpu.memref_slice %arg11[%dma_wait3A_242, %dma_wait3A_243] : memref<10000x128xf32, #tpu.memory_space<vmem_shared>> -> memref<10000x128xf32, #tpu.memory_space<vmem_shared>>
    tpu.wait_indirect_dma semaphore(%arg16 : memref<!tpu.dma_semaphore, #tpu.memory_space<semaphore_mem>>) src(%arg7 : memref<80x128xf32, #tpu.memory_space<vmem>>) dst(%dma_wait3A_244 : memref<10000x128xf32, #tpu.memory_space<vmem_shared>>)
    %dma_wait3A_245 = arith.constant 0 : i32
    %dma_wait3A_246 = arith.constant 0 : i32
    %dma_wait3A_247 = tpu.memref_slice %arg6[%dma_wait3A_245, %dma_wait3A_246] : memref<8x80xi32, #tpu.memory_space<vmem>> -> memref<1x80xi32, #tpu.memory_space<vmem>>
    %dma_wait3A_248 = tpu.memref_squeeze %dma_wait3A_247 : memref<1x80xi32, #tpu.memory_space<vmem>> -> memref<80xi32, #tpu.memory_space<vmem>>
    %dma_wait3A_249 = arith.constant 0 : i32
    %dma_wait3A_250 = arith.constant 0 : i32
    %dma_wait3A_251 = tpu.memref_slice %arg11[%dma_wait3A_249, %dma_wait3A_250] : memref<10000x128xf32, #tpu.memory_space<vmem_shared>> -> memref<10000x128xf32, #tpu.memory_space<vmem_shared>>
    tpu.wait_indirect_dma semaphore(%arg17 : memref<!tpu.dma_semaphore, #tpu.memory_space<semaphore_mem>>) src(%arg8 : memref<80x128xf32, #tpu.memory_space<vmem>>) dst(%dma_wait3A_251 : memref<10000x128xf32, #tpu.memory_space<vmem_shared>>)
    %dma_wait3A_252 = arith.constant 0 : i32
    %dma_wait3A_253 = arith.constant 0 : i32
    %dma_wait3A_254 = tpu.memref_slice %arg6[%dma_wait3A_252, %dma_wait3A_253] : memref<8x80xi32, #tpu.memory_space<vmem>> -> memref<1x80xi32, #tpu.memory_space<vmem>>
    %dma_wait3A_255 = tpu.memref_squeeze %dma_wait3A_254 : memref<1x80xi32, #tpu.memory_space<vmem>> -> memref<80xi32, #tpu.memory_space<vmem>>
    %dma_wait3A_256 = arith.constant 0 : i32
    %dma_wait3A_257 = arith.constant 0 : i32
    %dma_wait3A_258 = tpu.memref_slice %arg11[%dma_wait3A_256, %dma_wait3A_257] : memref<10000x128xf32, #tpu.memory_space<vmem_shared>> -> memref<10000x128xf32, #tpu.memory_space<vmem_shared>>
    tpu.wait_indirect_dma semaphore(%arg18 : memref<!tpu.dma_semaphore, #tpu.memory_space<semaphore_mem>>) src(%arg9 : memref<80x128xf32, #tpu.memory_space<vmem>>) dst(%dma_wait3A_258 : memref<10000x128xf32, #tpu.memory_space<vmem_shared>>)
    %dma_wait3A_259 = arith.constant 0 : i32
    %dma_wait3A_260 = arith.constant 0 : i32
    %dma_wait3A_261 = tpu.memref_slice %arg6[%dma_wait3A_259, %dma_wait3A_260] : memref<8x80xi32, #tpu.memory_space<vmem>> -> memref<1x80xi32, #tpu.memory_space<vmem>>
    %dma_wait3A_262 = tpu.memref_squeeze %dma_wait3A_261 : memref<1x80xi32, #tpu.memory_space<vmem>> -> memref<80xi32, #tpu.memory_space<vmem>>
    %dma_wait3A_263 = arith.constant 0 : i32
    %dma_wait3A_264 = arith.constant 0 : i32
    %dma_wait3A_265 = tpu.memref_slice %arg11[%dma_wait3A_263, %dma_wait3A_264] : memref<10000x128xf32, #tpu.memory_space<vmem_shared>> -> memref<10000x128xf32, #tpu.memory_space<vmem_shared>>
    tpu.wait_indirect_dma semaphore(%arg19 : memref<!tpu.dma_semaphore, #tpu.memory_space<semaphore_mem>>) src(%arg10 : memref<80x128xf32, #tpu.memory_space<vmem>>) dst(%dma_wait3A_265 : memref<10000x128xf32, #tpu.memory_space<vmem_shared>>)
    %barrier3A_266 = arith.constant 0 : index
    tpu.barrier barrier_id(%barrier3A_266)
    "tpu.region"() ({
      %run_scoped3A = tpu.sem_alloc : memref<!tpu.dma_semaphore, #tpu.memory_space<semaphore_mem>>
      %dma_start3A_272 = arith.constant 0 : i32
      %dma_start3A_273 = tpu.memref_slice %arg4[%arg0, %mul3A_4, %dma_start3A_272] : memref<2x10000x128xf32, #tpu.memory_space<hbm>> -> memref<1x624x128xf32, #tpu.memory_space<hbm>>
      %dma_start3A_274 = tpu.memref_squeeze %dma_start3A_273 : memref<1x624x128xf32, #tpu.memory_space<hbm>> -> memref<624x128xf32, #tpu.memory_space<hbm>>
      %dma_start3A_275 = arith.constant 0 : i32
      %dma_start3A_276 = tpu.memref_slice %arg11[%mul3A_4, %dma_start3A_275] : memref<10000x128xf32, #tpu.memory_space<vmem_shared>> -> memref<624x128xf32, #tpu.memory_space<vmem_shared>>
      tpu.enqueue_dma source(%dma_start3A_276 : memref<624x128xf32, #tpu.memory_space<vmem_shared>>) target(%dma_start3A_274 : memref<624x128xf32, #tpu.memory_space<hbm>>) target_semaphore(%run_scoped3A : memref<!tpu.dma_semaphore, #tpu.memory_space<semaphore_mem>>)
      %dma_wait3A_277 = arith.constant 0 : i32
      %dma_wait3A_278 = tpu.memref_slice %arg4[%arg0, %mul3A_4, %dma_wait3A_277] : memref<2x10000x128xf32, #tpu.memory_space<hbm>> -> memref<1x624x128xf32, #tpu.memory_space<hbm>>
      %dma_wait3A_279 = tpu.memref_squeeze %dma_wait3A_278 : memref<1x624x128xf32, #tpu.memory_space<hbm>> -> memref<624x128xf32, #tpu.memory_space<hbm>>
      %dma_wait3A_280 = arith.constant 0 : i32
      %dma_wait3A_281 = tpu.memref_slice %arg11[%mul3A_4, %dma_wait3A_280] : memref<10000x128xf32, #tpu.memory_space<vmem_shared>> -> memref<624x128xf32, #tpu.memory_space<vmem_shared>>
      tpu.wait_dma2 semaphore(%run_scoped3A : memref<!tpu.dma_semaphore, #tpu.memory_space<semaphore_mem>>) src(%dma_wait3A_281 : memref<624x128xf32, #tpu.memory_space<vmem_shared>>) dst(%dma_wait3A_279 : memref<624x128xf32, #tpu.memory_space<hbm>>)
      tpu.yield
    }) : () -> ()
    %eq3A_267 = arith.constant 15 : i32
    %eq3A_268 = arith.cmpi eq, %arg1, %eq3A_267 : i32
    %convert_element_type3A_269 = arith.extui %eq3A_268 : i1 to i32
    %cond3A_270 = arith.constant 0 : i32
    %cond3A_271 = arith.cmpi ne, %convert_element_type3A_269, %cond3A_270 : i32
    scf.if %cond3A_271 {
      "tpu.region"() ({
        %run_scoped3A = tpu.sem_alloc : memref<!tpu.dma_semaphore, #tpu.memory_space<semaphore_mem>>
        %dma_start3A_272 = arith.constant 9984 : i32
        %dma_start3A_273 = arith.constant 0 : i32
        %dma_start3A_274 = tpu.memref_slice %arg4[%arg0, %dma_start3A_272, %dma_start3A_273] : memref<2x10000x128xf32, #tpu.memory_space<hbm>> -> memref<1x16x128xf32, #tpu.memory_space<hbm>>
        %dma_start3A_275 = tpu.memref_squeeze %dma_start3A_274 : memref<1x16x128xf32, #tpu.memory_space<hbm>> -> memref<16x128xf32, #tpu.memory_space<hbm>>
        %dma_start3A_276 = arith.constant 9984 : i32
        %dma_start3A_277 = arith.constant 0 : i32
        %dma_start3A_278 = tpu.memref_slice %arg11[%dma_start3A_276, %dma_start3A_277] : memref<10000x128xf32, #tpu.memory_space<vmem_shared>> -> memref<16x128xf32, #tpu.memory_space<vmem_shared>>
        tpu.enqueue_dma source(%dma_start3A_278 : memref<16x128xf32, #tpu.memory_space<vmem_shared>>) target(%dma_start3A_275 : memref<16x128xf32, #tpu.memory_space<hbm>>) target_semaphore(%run_scoped3A : memref<!tpu.dma_semaphore, #tpu.memory_space<semaphore_mem>>)
        %dma_wait3A_279 = arith.constant 9984 : i32
        %dma_wait3A_280 = arith.constant 0 : i32
        %dma_wait3A_281 = tpu.memref_slice %arg4[%arg0, %dma_wait3A_279, %dma_wait3A_280] : memref<2x10000x128xf32, #tpu.memory_space<hbm>> -> memref<1x16x128xf32, #tpu.memory_space<hbm>>
        %dma_wait3A_282 = tpu.memref_squeeze %dma_wait3A_281 : memref<1x16x128xf32, #tpu.memory_space<hbm>> -> memref<16x128xf32, #tpu.memory_space<hbm>>
        %dma_wait3A_283 = arith.constant 9984 : i32
        %dma_wait3A_284 = arith.constant 0 : i32
        %dma_wait3A_285 = tpu.memref_slice %arg11[%dma_wait3A_283, %dma_wait3A_284] : memref<10000x128xf32, #tpu.memory_space<vmem_shared>> -> memref<16x128xf32, #tpu.memory_space<vmem_shared>>
        tpu.wait_dma2 semaphore(%run_scoped3A : memref<!tpu.dma_semaphore, #tpu.memory_space<semaphore_mem>>) src(%dma_wait3A_285 : memref<16x128xf32, #tpu.memory_space<vmem_shared>>) dst(%dma_wait3A_282 : memref<16x128xf32, #tpu.memory_space<hbm>>)
        tpu.yield
      }) : () -> ()
    } else {
    }
    return
  }
}

module attributes {stable_mosaic.version = 14 : i64} {
  func.func @_tc_mlp(%arg0: i32, %arg1: memref<2x1000x128xf32, #tpu.memory_space<vmem>>, %arg2: memref<128x128xf32, #tpu.memory_space<vmem>>, %arg3: memref<1x128xf32, #tpu.memory_space<vmem>>, %arg4: memref<1000x128xf32, #tpu.memory_space<vmem>>) attributes {dimension_semantics = [#tpu.dimension_semantics<arbitrary>], iteration_bounds = array<i64: 10>, scalar_prefetch = 0 : i64, scratch_operands = 0 : i64, tpu.core_type = #tpu.core_type<tc>, window_params = [{transform_indices = @transform_0, window_bounds = array<i64: 2, 1000, 128>}, {pipeline_mode = #tpu.pipeline_mode<synchronous>, transform_indices = @transform_1, window_bounds = array<i64: 128, 128>}, {pipeline_mode = #tpu.pipeline_mode<synchronous>, transform_indices = @transform_2, window_bounds = array<i64: 1, 128>}, {transform_indices = @transform_3, window_bounds = array<i64: 1000, 128>}]} {
    %get3A = arith.constant 0 : index
    %get3A_0 = arith.constant 0 : index
    %get3A_1 = arith.constant 0 : index
    %get3A_2 = vector.load %arg1[%get3A, %get3A_0, %get3A_1] : memref<2x1000x128xf32, #tpu.memory_space<vmem>>, vector<1x1000x128xf32>
    %get3A_3 = vector.shape_cast %get3A_2 : vector<1x1000x128xf32> to vector<1000x128xf32>
    %get3A_4 = arith.constant 1 : index
    %get3A_5 = arith.constant 0 : index
    %get3A_6 = arith.constant 0 : index
    %get3A_7 = vector.load %arg1[%get3A_4, %get3A_5, %get3A_6] : memref<2x1000x128xf32, #tpu.memory_space<vmem>>, vector<1x1000x128xf32>
    %get3A_8 = vector.shape_cast %get3A_7 : vector<1x1000x128xf32> to vector<1000x128xf32>
    %add3A = arith.addf %get3A_3, %get3A_8 : vector<1000x128xf32>
    %get3A_9 = arith.constant 0 : index
    %get3A_10 = arith.constant 0 : index
    %get3A_11 = vector.load %arg2[%get3A_9, %get3A_10] : memref<128x128xf32, #tpu.memory_space<vmem>>, vector<128x128xf32>
    %dot_general3A = arith.constant dense<0.000000e+00> : vector<1000x128xf32>
    %dot_general3A_12 = tpu.matmul %add3A, %get3A_11, %dot_general3A {dimension_numbers = #tpu.dot_dimension_numbers<[1], [1], [0], [0], [0, 0, 1, 0], [], []>, transpose_lhs_hint = false} : vector<1000x128xf32>, vector<128x128xf32>, vector<1000x128xf32> -> vector<1000x128xf32>
    %get3A_13 = arith.constant 0 : index
    %get3A_14 = arith.constant 0 : index
    %get3A_15 = vector.load %arg3[%get3A_13, %get3A_14] : memref<1x128xf32, #tpu.memory_space<vmem>>, vector<1x128xf32>
    %add3A_16 = vector.broadcast %get3A_15 : vector<1x128xf32> to vector<1000x128xf32>
    %add3A_17 = arith.addf %dot_general3A_12, %add3A_16 : vector<1000x128xf32>
    %max3A = arith.constant 0.000000e+00 : f32
    %max3A_18 = vector.broadcast %max3A : f32 to vector<1000x128xf32>
    %max3A_19 = arith.maximumf %add3A_17, %max3A_18 : vector<1000x128xf32>
    %swap3A = arith.constant 0 : index
    %swap3A_20 = arith.constant 0 : index
    %swap3A_21 = vector.load %arg4[%swap3A, %swap3A_20] : memref<1000x128xf32, #tpu.memory_space<vmem>>, vector<1000x128xf32>
    tpu.vector_store %arg4[%swap3A, %swap3A_20], %max3A_19 {strides = array<i32>} : memref<1000x128xf32, #tpu.memory_space<vmem>>, vector<1000x128xf32>,
    return
  }
  func.func @transform_0(%arg0: i32) -> (i32, i32, i32) {
    %c0_i32 = arith.constant 0 : i32
    %c0_i32_0 = arith.constant 0 : i32
    %c0_i32_1 = arith.constant 0 : i32
    return %c0_i32, %arg0, %c0_i32_0 : i32, i32, i32
  }
  func.func @transform_1(%arg0: i32) -> (i32, i32) {
    %c0_i32 = arith.constant 0 : i32
    %c0_i32_0 = arith.constant 0 : i32
    %c0_i32_1 = arith.constant 0 : i32
    return %c0_i32, %c0_i32_0 : i32, i32
  }
  func.func @transform_2(%arg0: i32) -> (i32, i32) {
    %c0_i32 = arith.constant 0 : i32
    %c0_i32_0 = arith.constant 0 : i32
    %c0_i32_1 = arith.constant 0 : i32
    return %c0_i32, %c0_i32_0 : i32, i32
  }
  func.func @transform_3(%arg0: i32) -> (i32, i32) {
    %c0_i32 = arith.constant 0 : i32
    %c0_i32_0 = arith.constant 0 : i32
    return %arg0, %c0_i32 : i32, i32
  }
}

</mosaic_0001>

<sc_bundles>
// kernel: kernel.4.cloned.1.call-start
scs
__scs_entry_jumppad:
0x0: {  	(pc) =	sbr.rel $0x88, $3  }
0x1: {  	(tag) =	ssettag $0x0;
	lr =	simm.s32 $0x1  }
0x2: {  	[smem:$0x3F9D] =	sst lr;
	_ =	strace $0xD0000000  }
0x3: {  	_ = 	snop  }
0x4: {  	_ = 	snop  }
0x5: {  	_ = 	snop  }
0x6: {  	_ = 	snop  }
0x7: {  	_ = 	snop  }
__scs_overlays_trampoline_lowered:
0x8: {  	[smem:$0x3FAC] =	sst s0  }
0x9: {  	[smem:$0x3FAD] =	sst s1  }
0xa: {  	[smem:$0x3FAE] =	sst s2  }
0xb: {  	[smem:$0x3FAF] =	sst s3  }
0xc: {  	[smem:$0x3FB0] =	sst s4  }
0xd: {  	[smem:$0x3FB1] =	sst s5  }
0xe: {  	[smem:$0x3FB2] =	sst s6  }
0xf: {  	[smem:$0x3FB3] =	sst s7  }
0x10: {  	[smem:$0x3FB4] =	sst s8  }
0x11: {  	[smem:$0x3FB5] =	sst s9;
	s0 =	simm.s32 @!p0 $0x0  }
0x12: {  	s1 =	sld [smem:$0x3F9B];
	s0 =	simm.s32 @p0 $0x1  }
0x13: {  	[smem:$0x3FB6] =	sst s0;
	s0 =	simm.s32 @!p1 $0x0  }
0x14: {  	s2 =	sld [smem:$0x3F9A];
	s0 =	simm.s32 @p1 $0x1  }
0x15: {  	[smem:$0x3FB7] =	sst s0;
	s0 =	simm.s32 @!p2 $0x0  }
0x16: {  	s3 =	sld [smem:$0x3FDB];
	s0 =	simm.s32 @p2 $0x1  }
0x17: {  	s4 =	simm.s32 $0x1BF5;
	[smem:$0x3FB9] =	sst s0  }
0x18: {  	s0 =	sld [smem:$0x3F9C];
	_ =	swait.ge [sflag:s4], $0x0  }
0x19: {  	s7 =	sld [smem:$0x3F9D]  }
0x1a: {  	s8 =	sadd.s32 $0xFFFFE003, lr  }
0x1b: {  	s9 =	sadd.s32 $0xFFFFFEF7, lr;
	s5 =	simm.s32 $0xFFFFFFFF;
	p2 =	slt.u32 s8, $0xFFFFF086  }
0x1c: {  	p1 =	slt.u32 s9, $0xF7A;
	s5 =	simm.s32 @!p2 $0x0  }
0x1d: {  	s5 =	simm.s32 @p1 $0x1;
	p0 =	seq.s32 s7, s2  }
0x1e: {  	s7 =	smul.u32 @!p0 $0xF7A, s2;
	p2 =	seq.s32 @!p0 s5, $0x0  }
0x1f: {  	s9 =	smul.u32 $0xF7A, s1;
	s8 =	simm.s32 @!p0 $0x1BF5;
	p2 =	por !p2, p0  }
0x20: {  	[sflag:s8] =	ssyncset.s32 @!p0 $0xFFFFF086;
	s6 =	sadd.s32 @!p0 s3, s7;
	s7 =	simm.s32 @!p0 $0x108  }
0x21: {  	s3 =	sadd.s32 s3, s9;
	s6 =	sadd.s32 @!p0 $0x88, s6;
	s7 =	simm.s32 @p2 $0x1082  }
0x22: {  	[simem:s7], [sflag:s8] =	dma.local @!p0 [hbm:s6], $0xF7A  }
0x23: {  	s9 =	sor.u32 $0xD0000000, s2;
	s6 =	simm.s32 $0x108;
	_ =	swait.ge @!p0 [sflag:s8], $0x0  }
0x24: {  	s3 =	sadd.s32 $0x88, s3;
	s6 =	simm.s32 @!p1 $0x1082;
	[sflag:s4] =	ssyncset.s32 $0xFFFFF086  }
0x25: {  	[simem:s6], [sflag:s4] =	dma.local [hbm:s3], $0xF7A  }
0x26: {  	[smem:$0x3F9D] =	sst s1;
	(tag) =	ssettag s2;
	_ =	strace s9  }
0x27: {  	s1 =	sld [smem:$0x3FAD]  }
0x28: {  	s2 =	sld [smem:$0x3FAE]  }
0x29: {  	s4 =	sld [smem:$0x3FB0]  }
0x2a: {  	p0 =	seq.s32 s5, $0x0;
	s5 =	sld [smem:$0x3FB1]  }
0x2b: {  	s6 =	sld [smem:$0x3FB2]  }
0x2c: {  	s7 =	sld [smem:$0x3FB3]  }
0x2d: {  	s3 =	simm.s32 $0x108;
	s8 =	sld [smem:$0x3FB4]  }
0x2e: {  	s3 =	simm.s32 @!p0 $0x1082;
	s9 =	sld [smem:$0x3FB5]  }
0x2f: {  	lr =	sadd.s32 s0, s3;
	s0 =	sld [smem:$0x3FAC]  }
0x30: {  	s3 =	sld [smem:$0x3FAF]  }
0x31: {  	[smem:$0x3FB8] =	sst s10  }
0x32: {  	s10 =	sld [smem:$0x3FB6];
	_ =	sdelay $0x3  }
0x33: {  	p0 =	seq.s32 s10, $0x1;
	s10 =	sld [smem:$0x3FB8];
	_ =	sdelay $0x3  }
0x34: {  	[smem:$0x3FB8] =	sst s10  }
0x35: {  	s10 =	sld [smem:$0x3FB7];
	_ =	sdelay $0x3  }
0x36: {  	p1 =	seq.s32 s10, $0x1;
	s10 =	sld [smem:$0x3FB8];
	_ =	sdelay $0x3  }
0x37: {  	[smem:$0x3FB8] =	sst s10  }
0x38: {  	s10 =	sld [smem:$0x3FB9]  }
0x39: {  	_ = 	snop;
	(pc) =	sbr.ind lr, $3  }
0x3a: {  	_ = 	snop  }
0x3b: {  	_ = 	snop  }
0x3c: {  	p2 =	seq.s32 s10, $0x1;
	s10 =	sld [smem:$0x3FB8]  }
0x3d: {  	_ =	shalt  }
0x3e: {  	_ =	shalt  }
0x3f: {  	_ =	shalt  }
0x40: {  	_ =	shalt  }
0x41: {  	_ =	shalt  }
0x42: {  	_ =	shalt  }
0x43: {  	_ =	shalt  }
0x44: {  	_ =	shalt  }
0x45: {  	_ =	shalt  }
0x46: {  	_ =	shalt  }
0x47: {  	_ =	shalt  }
0x48: {  	_ =	shalt  }
0x49: {  	_ =	shalt  }
0x4a: {  	_ =	shalt  }
0x4b: {  	_ =	shalt  }
0x4c: {  	_ =	shalt  }
0x4d: {  	_ =	shalt  }
0x4e: {  	_ =	shalt  }
0x4f: {  	_ =	shalt  }
0x50: {  	_ =	shalt  }
0x51: {  	_ =	shalt  }
0x52: {  	_ =	shalt  }
0x53: {  	_ =	shalt  }
0x54: {  	_ =	shalt  }
0x55: {  	_ =	shalt  }
0x56: {  	_ =	shalt  }
0x57: {  	_ =	shalt  }
0x58: {  	_ =	shalt  }
0x59: {  	_ =	shalt  }
0x5a: {  	_ =	shalt  }
0x5b: {  	_ =	shalt  }
0x5c: {  	_ =	shalt  }
0x5d: {  	_ =	shalt  }
0x5e: {  	_ =	shalt  }
0x5f: {  	_ =	shalt  }
0x60: {  	_ =	shalt  }
0x61: {  	_ =	shalt  }
0x62: {  	_ =	shalt  }
0x63: {  	_ =	shalt  }
0x64: {  	_ =	shalt  }
0x65: {  	_ =	shalt  }
0x66: {  	_ =	shalt  }
0x67: {  	_ =	shalt  }
0x68: {  	_ =	shalt  }
0x69: {  	_ =	shalt  }
0x6a: {  	_ =	shalt  }
0x6b: {  	_ =	shalt  }
0x6c: {  	_ =	shalt  }
0x6d: {  	_ =	shalt  }
0x6e: {  	_ =	shalt  }
0x6f: {  	_ =	shalt  }
0x70: {  	_ =	shalt  }
0x71: {  	_ =	shalt  }
0x72: {  	_ =	shalt  }
0x73: {  	_ =	shalt  }
0x74: {  	_ =	shalt  }
0x75: {  	_ =	shalt  }
0x76: {  	_ =	shalt  }
0x77: {  	_ =	shalt  }
0x78: {  	_ =	shalt  }
0x79: {  	_ =	shalt  }
0x7a: {  	_ =	shalt  }
0x7b: {  	_ =	shalt  }
0x7c: {  	_ =	shalt  }
0x7d: {  	_ =	shalt  }
0x7e: {  	_ =	shalt  }
0x7f: {  	_ =	shalt  }
0x80: {  	_ =	shalt  }
0x81: {  	_ =	shalt  }
0x82: {  	_ =	shalt  }
0x83: {  	_ =	shalt  }
0x84: {  	_ =	shalt  }
0x85: {  	_ =	shalt  }
0x86: {  	_ =	shalt  }
0x87: {  	_ =	shalt  }
.Lfunc_end0:
.L_simem_size_0:
called_computation_lowered:
.L_overlay_start_0:
0x88: {  	s2 =	sld [smem:$0x3FD9]  }
0x89: {  	s3 =	sld [smem:$0x3FFE];
	_ =	sdelay $0x1  }
0x8a: {  	s1 =	srdreg.scid  }
0x8b: {  	s0 =	sand.u32 $0x1, s1  }
0x8c: {  	s17 =	sshll.u32 s0, $0xA;
	s2 =	sadd.s32 s3, s2  }
0x8d: {  	s2 =	sadd.s32 s2, s17  }
0x8e: {  	[smem:$0x3FC4] =	sst s2  }
0x8f: {  	_ = 	snop  }
0x90: {  	s2 =	sld [smem:$0x3FC9]  }
0x91: {  	s18 =	sld [smem:$0x3FD0];
	(tm) =	ssettm $0x1  }
0x92: {  	s4 =	sld [smem:$0x3FFB];
	_ =	sdelay $0x3  }
0x93: {  	_ =	strace s4  }
0x94: {  	s4 =	sld [smem:$0x3FFC];
	_ =	sdelay $0x3  }
0x95: {  	_ =	strace s4  }
0x96: {  	s4 =	sld [smem:$0x3FFD];
	_ =	sdelay $0x3  }
0x97: {  	_ =	strace s4  }
0x98: {  	_ =	strace $0x8FFFFFFF  }
0x99: {  	s19 =	sld [smem:$0x3FDB];
	_ =	sdelay $0x1  }
0x9a: {  	s5 =	simm.s32 $_scs_section_size  }
0x9b: {  	s6 =	simm.s32 $_size__tile_overlayer_lowered;
	s7 =	simm.s32 $_tile_overlayer_lowered  }
0x9c: {  	s22 =	simm.s32 $0x1BFF;
	s21 =	sshll.u32 s7, $0x1;
	s4 =	sadd.s32 s5, s19  }
0x9d: {  	s8 =	simm.s32 $0x0;
	s20 =	sshll.u32 s6, $0x1;
	s6 =	sadd.s32 s21, s4  }
0x9e: {  	[timem:s8], [sflag:s22] =	dma.local [hbm:s6], s20  }
0x9f: {  	_ =	swait.ge [sflag:s22], s20  }
0xa0: {  	s5 =	ssub.s32 $0x0, s20;
	[sflag:s22] =	ssyncset.done $0x0  }
0xa1: {  	[sflag:s22] =	ssyncadd.s32 s5;
	_ =	sdelay $0x1  }
0xa2: {  	s23 =	simm.s32 $0x1B8B  }
0xa3: {  	_ =	swait.ge [sflag:s23], $0x1  }
0xa4: {  	[sflag:s23] =	ssyncset.done $0x0  }
0xa5: {  	s25 =	simm.s32 $0x1B8E;
	s24 =	sld [smem:$0x3FFE];
	[sflag:s23] =	ssyncadd.s32 $0xFFFFFFFF  }
0xa6: {  	s26 =	simm.s32 $execute0_lowered;
	[smem:$0x3FD2] =	sst s25  }
0xa7: {  	s6 =	sshll.u32 s26, $0x1;
	_ =	strace $0x80000046;
	[dreg:$0x1] =	wrdreg $0xFFFFFFFF  }
0xa8: {  	s28 =	simm.s32 $_size_execute0_lowered;
	s4 =	sadd.s32 s4, s6;
	[dreg:$0x0] =	wrdreg $0x0  }
0xa9: {  	s6 =	sshll.u32 s28, $0x1;
	[dreg:$0x2] =	wrdreg s4  }
0xaa: {  	[dreg:$0x3] =	wrdreg s6  }
0xab: {  	[dreg:$0x4] =	wrdreg $0xC0  }
0xac: {  	_ =	task [dreg:s8], $0x5FFFF  }
0xad: {  	[dreg:$0x1] =	wrdreg $0xFFFFFFFF  }
0xae: {  	[dreg:$0x0] =	wrdreg $0x60  }
0xaf: {  	[dreg:$0x2] =	wrdreg s2  }
0xb0: {  	[dreg:$0x3] =	wrdreg s18  }
0xb1: {  	[dreg:$0x4] =	wrdreg s24  }
0xb2: {  	[dreg:$0x5] =	wrdreg $0xA8000  }
0xb3: {  	[dreg:$0x6] =	wrdreg $0x9  }
0xb4: {  	_ =	task.clear_ibuf [dreg:s8], $0x7FFFF;
	_ =	strace $0x90000046  }
0xb5: {  	s29 =	simm.s32 $0x9;
	_ =	strace $0x80000048  }
0xb6: {  	_ =	swait.ge [sflag:s29], $0x1  }
0xb7: {  	[sflag:s29] =	ssyncadd.s32 $0xFFFFFFFF  }
0xb8: {  	_ =	strace $0x90000048  }
0xb9: {  	_ =	sfence  }
0xba: {  	s30 =	sld [smem:$0x0];
	_ =	sdelay $0x2  }
0xbb: {  	s31 =	sshll.u32 s1, $0xD;
	s1 =	sshrl.u32 s1, $0x2  }
0xbc: {  	s3 =	sand.u32 $0x4000, s31;
	s1 =	sadd.s32 s1, s30  }
0xbd: {  	s0 =	sor.u32 s3, s0;
	s1 =	sshll.u32 s1, $0x11  }
0xbe: {  	s0 =	sor.u32 s1, s0  }
0xbf: {  	s0 =	sadd.s32 $0x8F2B, s0  }
0xc0: {  	[sflag:s0] =	ssyncadd.remote.s32 $0x1  }
0xc1: {  	_ =	sfence.sel $0xFFFF  }
0xc2: {  	[dreg:$0x0] =	wrdreg $0xFFFFFFFF;
	(pc) =	sbr.abs _section_cstart, $3  }
0xc3: {  	[dreg:$0x1] =	wrdreg $0xFFFFFFFF  }
0xc4: {  	_ =	task.clear_ibuf [dreg:s8], $0x2FFFF;
	_ =	strace $0x9FFFFFFF  }
0xc5: {  	(tm) =	ssettm $0x7FFFFFFF  }
tec
execute0_lowered:
.L_overlay_start_1:
0x0: {  	(tag) =	ssettag $0x1  }
0x1: {  	s0 =	srdreg.scid;
	s1 =	rddreg [dreg:$0x0]  }
0x2: {  	s12 =	rddreg [dreg:$0x1];
	s11 =	stileid.u32  }
0x3: {  	s3 =	rddreg [dreg:$0x2];
	s5 =	smul.u32 $0x4E000, s11  }
0x4: {  	s4 =	rddreg [dreg:$0x3];
	s13 =	simm.s32 $0x0;
	s7 =	smul.u32 $0x2700, s11  }
0x5: {  	s0 =	sand.u32 $0x1, s0;
	[smem:$0x7FF] =	sst s13;
	s26 =	smul.u32 $0x13800, s11  }
0x6: {  	s3 =	sadd.s32 $0xA00, s3;
	s31 =	smul.u32 $0x2710, s11;
	p1 =	sne.s32 s11, $0xF  }
0x7: {  	s2 =	sshll.u32 s0, $0x4;
	s6 =	ssub.s32 $0x2, s0;
	s9 =	smul.u32 $0x138800, s0  }
0x8: {  	_ =	strace $0x80000047;
	s10 =	smul.u32 $0x27100, s0;
	p0 =	sne.s32 s0, $0x0  }
0x9: {  	s2 =	sor.u32 s11, s2;
	s8 =	sshrl.u32 s6, $0x1;
	s5 =	sshrl.u32 s5, $0x2  }
0xa: {  	s7 =	sadd.s32 s1, s7;
	s2 =	smul.u32 $0x2710, s2;
	s6 =	ssub.s32 s6, s8  }
0xb: {  	s15 =	sadd.s32 s5, s4;
	s16 =	sadd.s32 s26, s9;
	s17 =	sshrl.u32 s9, $0x3  }
0xc: {  	[dreg:$0x7] =	wrdreg s7;
	s5 =	sshrl.u32 s16, $0x3;
	s7 =	sadd.s32 s3, s17  }
0xd: {  	s20 =	smax.u32 s6, $0x1;
	[dreg:$0x6] =	wrdreg s15;
	s2 =	sshrl.u32 s2, $0x3  }
0xe: {  	s3 =	sadd.s32 s3, s5;
	s18 =	sadd.s32 $0x27000, s7;
	[dreg:$0xa] =	wrdreg s20  }
0xf: {  	s14 =	sadd.s32 s12, s2;
	s2 =	sadd.s32 s31, s10;
	[dreg:$0x8] =	wrdreg s3  }
0x10: {  	[dreg:$0x9] =	wrdreg s18;
	s19 =	sadd.s32 $0x410, s2;
	s21 =	sadd.s32 $0x4E610, s2  }
0x11: {  	s23 =	sadd.s32 $0x3C0, s2;
	s25 =	sadd.s32 $0x4E5C0, s2;
	s31 =	sadd.s32 $0x370, s2  }
0x12: {  	s6 =	sadd.s32 $0x4E570, s2;
	s8 =	sadd.s32 $0x320, s2;
	s10 =	sadd.s32 $0x4E520, s2  }
0x13: {  	s17 =	sadd.s32 $0x2D0, s2;
	s11 =	sadd.s32 $0x9C68, s14;
	[dreg:$0x5] =	wrdreg s14  }
0x14: {  	s3 =	sshrl.u32 s19, $0x3;
	s22 =	sshrl.u32 s21, $0x3;
	s24 =	sshrl.u32 s23, $0x3  }
0x15: {  	s26 =	sshrl.u32 s25, $0x3;
	s25 =	sadd.s32 $0x280, s2;
	[dreg:$0x1f] =	wrdreg s11  }
0x16: {  	s7 =	sshrl.u32 s6, $0x3;
	s6 =	sadd.s32 $0x14, s14;
	[dreg:$0x16] =	wrdreg s25  }
0x17: {  	s9 =	sshrl.u32 s8, $0x3;
	s8 =	sadd.s32 $0x1E, s14;
	[dreg:$0x1a] =	wrdreg s6  }
0x18: {  	s16 =	sshrl.u32 s10, $0x3;
	s10 =	sadd.s32 $0x28, s14;
	[dreg:$0x1c] =	wrdreg s8  }
0x19: {  	s18 =	sshrl.u32 s17, $0x3;
	s17 =	sadd.s32 $0x5000, s15;
	[dreg:$0x1e] =	wrdreg s10  }
0x1a: {  	s19 =	sadd.s32 $0x4E4D0, s2;
	s3 =	sadd.s32 s3, s12;
	[smem:$0x7F6] =	sst s17  }
0x1b: {  	s20 =	sshrl.u32 s19, $0x3;
	s19 =	sadd.s32 $0xA000, s15;
	[dreg:$0xb] =	wrdreg s3  }
0x1c: {  	s21 =	sadd.s32 $0x4E480, s2;
	s3 =	sadd.s32 s22, s12;
	[smem:$0x7F8] =	sst s19  }
0x1d: {  	s22 =	sshrl.u32 s21, $0x3;
	s21 =	sadd.s32 $0xF000, s15;
	[dreg:$0xc] =	wrdreg s3  }
0x1e: {  	s5 =	sshrl.u32 s31, $0x3;
	s3 =	sadd.s32 s24, s12;
	[smem:$0x7FA] =	sst s21  }
0x1f: {  	s23 =	sadd.s32 $0x230, s2;
	s24 =	sadd.s32 $0x4E430, s2;
	[dreg:$0xd] =	wrdreg s3  }
0x20: {  	s3 =	sadd.s32 s26, s12;
	s0 =	sshrl.u32 s24, $0x3;
	s26 =	sadd.s32 $0x1E0, s2  }
0x21: {  	s2 =	sadd.s32 $0x4E3E0, s2;
	s24 =	sadd.s32 $0x138000, s4;
	[dreg:$0xe] =	wrdreg s3  }
0x22: {  	s3 =	sadd.s32 s5, s12;
	s5 =	sshrl.u32 s23, $0x3;
	[smem:$0x7FC] =	sst s24  }
0x23: {  	s2 =	sshrl.u32 s2, $0x3;
	[dreg:$0xf] =	wrdreg s3;
	s3 =	sadd.s32 s7, s12  }
0x24: {  	s28 =	sadd.s32 s2, s12;
	s2 =	sadd.s32 $0x9C40, s14;
	[dreg:$0x10] =	wrdreg s3  }
0x25: {  	s23 =	sadd.s32 s5, s12;
	s5 =	sadd.s32 $0x9C4A, s14;
	[dreg:$0x17] =	wrdreg s2  }
0x26: {  	s31 =	sshrl.u32 s26, $0x3;
	s7 =	sadd.s32 $0x9C54, s14;
	[dreg:$0x19] =	wrdreg s5  }
0x27: {  	s26 =	sadd.s32 s31, s12;
	s31 =	sadd.s32 $0x27000, s1;
	[dreg:$0x1b] =	wrdreg s7  }
0x28: {  	s3 =	sadd.s32 s9, s12;
	[smem:$0x7FD] =	sst s31  }
0x29: {  	s29 =	simm.s32 $0x3;
	s9 =	sadd.s32 $0x9C5E, s14;
	[dreg:$0x11] =	wrdreg s3  }
0x2a: {  	s30 =	simm.s32 $0x4;
	s3 =	sadd.s32 s16, s12;
	[dreg:$0x1d] =	wrdreg s9  }
0x2b: {  	s11 =	simm.s32 $0x2;
	s16 =	sadd.s32 $0x2800, s15;
	[dreg:$0x12] =	wrdreg s3  }
0x2c: {  	s6 =	simm.s32 $0x800;
	s3 =	sadd.s32 s18, s12;
	[smem:$0x7F5] =	sst s16  }
0x2d: {  	s8 =	simm.s32 $0x1;
	s18 =	sadd.s32 $0x7800, s15;
	[dreg:$0x13] =	wrdreg s3  }
0x2e: {  	s10 =	simm.s32 $0xD;
	s3 =	sadd.s32 s20, s12;
	[smem:$0x7F7] =	sst s18  }
0x2f: {  	s25 =	sadd.s32 s0, s12;
	s20 =	sadd.s32 $0xC800, s15;
	[dreg:$0x14] =	wrdreg s3  }
0x30: {  	s0 =	simm.s32 $0x50;
	s3 =	sadd.s32 s22, s12;
	[smem:$0x7F9] =	sst s20  }
.Ltmp0:
0x31: {  	s12 =	sadd.s32 $0x32, s14;
	[dreg:$0x15] =	wrdreg s3;
	(pc) =	sbr.rel .LBB2_1-.Ltmp0, $4  }
0x32: {  	s2 =	simm.s32 $0x8000;
	s22 =	sadd.s32 $0x11800, s15;
	[smem:$0x7F3] =	sst s12  }
0x33: {  	s9 =	simm.s32 $0x5;
	s3 =	sadd.s32 $0xA, s14;
	[smem:$0x7FB] =	sst s22  }
0x34: {  	s15 =	simm.s32 $0x11;
	s14 =	sadd.s32 $0x9C72, s14;
	[dreg:$0x18] =	wrdreg s3  }
0x35: {  	v0 =	vimm.f32 $0.0e+00;
	s12 =	simm.s32 $0x0;
	[smem:$0x7F4] =	sst s14;
	s3 =	simm.s32 $0xC  }
.LBB2_12:
0x36: {  	_ =	swait.ge [sflag:s9], $0x2800  }
0x37: {  	[sflag:s9] =	ssyncset.done $0x0  }
0x38: {  	s5 =	simm.s32 $0x6;
	[sflag:s9] =	ssyncadd.s32 $0xFFFFD800  }
0x39: {  	_ =	swait.ge [sflag:s5], $0x2800  }
0x3a: {  	[sflag:s5] =	ssyncset.done $0x0  }
0x3b: {  	s20 =	simm.s32 $0x7;
	[sflag:s5] =	ssyncadd.s32 $0xFFFFD800  }
0x3c: {  	_ =	swait.ge [sflag:s20], $0x2800  }
0x3d: {  	[sflag:s20] =	ssyncset.done $0x0  }
0x3e: {  	s21 =	simm.s32 $0x8;
	[sflag:s20] =	ssyncadd.s32 $0xFFFFD800  }
0x3f: {  	_ =	swait.ge [sflag:s21], $0x2800  }
0x40: {  	[sflag:s21] =	ssyncset.done $0x0  }
0x41: {  	[sflag:s21] =	ssyncadd.s32 $0xFFFFD800  }
0x42: {  	[bflag:$0x0] =	sbarrier.arrive $0xFFFF  }
0x43: {  	s12 =	sld [smem:$0x7F1]  }
0x44: {  	s7 =	sld [smem:$0x7F2];
	_ =	sdelay $0x1  }
0x45: {  	s15 =	simm.s32 $0x11;
	s22 =	rddreg [dreg:$0x8]  }
0x46: {  	[hbm:s22], [sflag:s12] =	dma.local [spmem:s7], $0x2700  }
0x47: {  	_ =	swait.ge [sflag:s15], $0x2700  }
0x48: {  	s7 =	sld [smem:$0x7F0]  }
0x49: {  	[sflag:s15] =	ssyncset.done $0x0  }
0x4a: {  	s5 =	rddreg [dreg:$0x9];
	[sflag:s15] =	ssyncadd.s32 $0xFFFFD900  }
0x4b: {  	[hbm:s5], [sflag:s12] =	dma.local @!p1 [spmem:s7], $0x100  }
0x4c: {  	s5 =	simm.s32 @!p1 $0x11  }
0x4d: {  	_ =	swait.ge @!p1 [sflag:s5], $0x100  }
0x4e: {  	s24 =	sld [smem:$0x7EF];
	_ =	sdelay $0x2  }
0x4f: {  	s31 =	rddreg [dreg:$0xa];
	s12 =	sadd.s32 $0x1, s24  }
0x50: {  	p2 =	sne.s32 s12, s31  }
.Ltmp1:
0x51: {  	_ = 	snop;
	(pc) =	sbr.rel @!p2 .LBB2_13-.Ltmp1, $3  }
0x52: {  	_ =	sdelay $0x1  }
0x53: {  	[sflag:s5] =	ssyncset.done @!p1 $0x0  }
0x54: {  	s13 =	simm.s32 $0x0;
	[sflag:s5] =	ssyncadd.s32 @!p1 $0xFFFFFF00  }
.LBB2_1:
0x55: {  	[smem:$0x7EF] =	sst s12  }
0x56: {  	s5 =	rddreg [dreg:$0x5]  }
0x57: {  	s19 =	rddreg [dreg:$0x17]  }
0x58: {  	[tilespmem:s13], [sflag:$0x9] =	stream.linear.gather [hbm4b:s5+s13], $0x50, $0x38;
	[tilespmem:$0x1E080] =	vst v63  }
0x59: {  	s7 =	simm.s32 $0x400;
	s20 =	rddreg [dreg:$0x18]  }
0x5a: {  	[tilespmem:s7], [sflag:$0x9] =	stream.linear.gather [hbm4b:s19+s13], $0x50, $0x38;
	[tilespmem:$0x1E080] =	vst v63  }
0x5b: {  	s21 =	rddreg [dreg:$0x19];
	s7 =	simm.s32 $0x80  }
0x5c: {  	[tilespmem:s7], [sflag:$0xA] =	stream.linear.gather [hbm4b:s20+s13], $0x50, $0x38;
	[tilespmem:$0x1E080] =	vst v63  }
0x5d: {  	s22 =	simm.s32 $0x480;
	s24 =	rddreg [dreg:$0x1a]  }
0x5e: {  	[tilespmem:s22], [sflag:$0xA] =	stream.linear.gather [hbm4b:s21+s13], $0x50, $0x38;
	[tilespmem:$0x1E080] =	vst v63  }
0x5f: {  	s12 =	simm.s32 $0x100;
	s31 =	rddreg [dreg:$0x1b]  }
0x60: {  	[tilespmem:s12], [sflag:$0xB] =	stream.linear.gather [hbm4b:s24+s13], $0x50, $0x38;
	[tilespmem:$0x1E080] =	vst v63  }
0x61: {  	s14 =	simm.s32 $0x500;
	s17 =	rddreg [dreg:$0x1d]  }
0x62: {  	[tilespmem:s14], [sflag:$0xB] =	stream.linear.gather [hbm4b:s31+s13], $0x50, $0x38;
	[tilespmem:$0x1E080] =	vst v63  }
0x63: {  	s16 =	simm.s32 $0x180;
	s14 =	rddreg [dreg:$0x1c]  }
0x64: {  	[tilespmem:s16], [sflag:$0xC] =	stream.linear.gather [hbm4b:s14+s13], $0x50, $0x38;
	[tilespmem:$0x1E080] =	vst v63  }
0x65: {  	s18 =	simm.s32 $0x580;
	s19 =	rddreg [dreg:$0x1e]  }
0x66: {  	[tilespmem:s18], [sflag:$0xC] =	stream.linear.gather [hbm4b:s17+s13], $0x50, $0x38;
	[tilespmem:$0x1E080] =	vst v63  }
0x67: {  	s20 =	simm.s32 $0x200;
	s21 =	rddreg [dreg:$0x1f]  }
0x68: {  	[tilespmem:s20], [sflag:$0xD] =	stream.linear.gather [hbm4b:s19+s13], $0x50, $0x38;
	[tilespmem:$0x1E080] =	vst v63  }
0x69: {  	s22 =	simm.s32 $0x600;
	s24 =	sld [smem:$0x7F3]  }
0x6a: {  	[tilespmem:s22], [sflag:$0xD] =	stream.linear.gather [hbm4b:s21+s13], $0x50, $0x38;
	[tilespmem:$0x1E080] =	vst v63  }
0x6b: {  	s31 =	simm.s32 $0x280;
	s16 =	sld [smem:$0x7F4]  }
0x6c: {  	[tilespmem:s31], [sflag:$0xE] =	stream.linear.gather [hbm4b:s24+s13], $0x50, $0x38;
	[tilespmem:$0x1E080] =	vst v63  }
0x6d: {  	s17 =	simm.s32 $0x680;
	s18 =	simm.s32 $0x9  }
0x6e: {  	[tilespmem:s17], [sflag:$0xE] =	stream.linear.gather [hbm4b:s16+s13], $0x50, $0x38;
	[tilespmem:$0x1E080] =	vst v63  }
0x6f: {  	_ =	swait.ge [sflag:s18], $0x50  }
0x70: {  	[sflag:s18] =	ssyncset.done $0x0  }
0x71: {  	[sflag:s18] =	ssyncadd.s32 $0xFFFFFFB0  }
0x72: {  	_ =	swait.ge [sflag:s18], $0x50  }
0x73: {  	[sflag:s18] =	ssyncset.done $0x0  }
0x74: {  	s19 =	simm.s32 $0xA;
	[sflag:s18] =	ssyncadd.s32 $0xFFFFFFB0  }
0x75: {  	[tilespmem:s6], [sflag:$0x1] =	stream.indirect.gather [hbm4b:s1+s0], $0x80, s13, s0, $0xb8;
	[tilespmem:$0x1E080] =	vst v63  }
0x76: {  	_ =	swait.ge [sflag:s19], $0x50  }
0x77: {  	[sflag:s19] =	ssyncset.done $0x0  }
0x78: {  	[sflag:s19] =	ssyncadd.s32 $0xFFFFFFB0  }
0x79: {  	_ =	swait.ge [sflag:s19], $0x50  }
0x7a: {  	[sflag:s19] =	ssyncset.done $0x0  }
0x7b: {  	s20 =	simm.s32 $0x3000;
	s21 =	simm.s32 $0xB;
	[sflag:s19] =	ssyncadd.s32 $0xFFFFFFB0  }
0x7c: {  	[tilespmem:s20], [sflag:$0x2] =	stream.indirect.gather [hbm4b:s1+s0], $0x80, s7, s0, $0xb8;
	[tilespmem:$0x1E080] =	vst v63  }
0x7d: {  	_ =	swait.ge [sflag:s21], $0x50  }
0x7e: {  	[sflag:s21] =	ssyncset.done $0x0  }
0x7f: {  	[sflag:s21] =	ssyncadd.s32 $0xFFFFFFB0  }
0x80: {  	_ =	swait.ge [sflag:s21], $0x50  }
0x81: {  	s22 =	simm.s32 $0x5800;
	s24 =	stileid.u32;
	s31 =	rddreg [dreg:$0x6]  }
0x82: {  	s5 =	sshll.u32 s24, $0x6;
	[sflag:s21] =	ssyncset.done $0x0;
	s7 =	sld [smem:$0x7FC]  }
.Ltmp2:
0x83: {  	[sflag:s21] =	ssyncadd.s32 $0xFFFFFFB0;
	s14 =	sshrl.u32 s31, $0x3;
	(pc) =	sbr.rel @p0 .LBB2_3-.Ltmp2, $4  }
0x84: {  	[tilespmem:s22], [sflag:$0x3] =	stream.indirect.gather [hbm4b:s1+s0], $0x80, s12, s0, $0xb8;
	[tilespmem:$0x1E080] =	vst v63  }
0x85: {  	s12 =	sor.u32 $0x1C11, s5;
	[smem:$0x7F2] =	sst s14  }
0x86: {  	s7 =	sshrl.u32 @!p1 s7, $0x3;
	[smem:$0x7F1] =	sst s12  }
0x87: {  	[smem:$0x7F0] =	sst s7  }
0x88: {  	s5 =	rddreg [dreg:$0x7]  }
0x89: {  	[spmem:s14], [sflag:s12] =	dma.local [hbm:s5], $0x2700  }
0x8a: {  	_ =	swait.ge [sflag:s15], $0x2700  }
0x8b: {  	s5 =	sld [smem:$0x7FD]  }
0x8c: {  	[sflag:s15] =	ssyncset.done $0x0  }
0x8d: {  	[sflag:s15] =	ssyncadd.s32 $0xFFFFD900  }
0x8e: {  	[spmem:s7], [sflag:s12] =	dma.local @!p1 [hbm:s5], $0x100  }
.Ltmp3:
0x8f: {  	_ = 	snop;
	(pc) =	sbr.rel .LBB2_6-.Ltmp3, $4  }
0x90: {  	s5 =	simm.s32 @!p1 $0x11  }
0x91: {  	_ =	swait.ge @!p1 [sflag:s5], $0x100  }
0x92: {  	[sflag:s5] =	ssyncset.done @!p1 $0x0  }
0x93: {  	[sflag:s5] =	ssyncadd.s32 @!p1 $0xFFFFFF00  }
.LBB2_3:
0x94: {  	s5 =	sshra.s32 s13, $0x2;
	s7 =	sadd.s32 $0x200, s13  }
.LBB2_4:
0x95: {  	p2 =	sne.s32 s7, $0x9E00;
	[tilespmem:s5+$0x8070] =	vst v0  }
0x96: {  	[tilespmem:s5+$0x8000] =	vst v0  }
0x97: {  	[tilespmem:s5+$0x8010] =	vst v0  }
.Ltmp4:
0x98: {  	[tilespmem:s5+$0x8020] =	vst v0;
	(pc) =	sbr.rel @p2 .LBB2_4-.Ltmp4, $4  }
0x99: {  	[tilespmem:s5+$0x8030] =	vst v0  }
0x9a: {  	[tilespmem:s5+$0x8040] =	vst v0  }
0x9b: {  	[tilespmem:s5+$0x8050] =	vst v0  }
0x9c: {  	[tilespmem:s5+$0x8060] =	vst v0;
	s5 =	sshra.s32 s7, $0x2;
	s7 =	sadd.s32 $0x200, s7  }
0x9d: {  	[tilespmem:s5+$0x8070] =	vst v0  }
0x9e: {  	[tilespmem:s5+$0x8000] =	vst v0  }
0x9f: {  	[tilespmem:s5+$0x8010] =	vst v0  }
0xa0: {  	[tilespmem:s5+$0x8020] =	vst v0  }
0xa1: {  	[tilespmem:s5+$0x8030] =	vst v0  }
0xa2: {  	[tilespmem:s5+$0x8040] =	vst v0  }
0xa3: {  	[tilespmem:s5+$0x8050] =	vst v0  }
0xa4: {  	[tilespmem:s5+$0x8060] =	vst v0;
	s17 =	rddreg [dreg:$0x6]  }
0xa5: {  	[spmem:s17] =	stream.linear.scatter [tilespmem:s2], [sflag:$0x11], $0x2800, $0x38;
	[tilespmem:$0x1E080] =	vst v63  }
0xa6: {  	_ =	swait.ge [sflag:s15], $0x2800  }
0xa7: {  	s18 =	sld [smem:$0x7F5]  }
0xa8: {  	[sflag:s15] =	ssyncset.done $0x0  }
0xa9: {  	[sflag:s15] =	ssyncadd.s32 $0xFFFFD800  }
0xaa: {  	[spmem:s18] =	stream.linear.scatter [tilespmem:s2], [sflag:$0x11], $0x2800, $0x38;
	[tilespmem:$0x1E080] =	vst v63  }
0xab: {  	_ =	swait.ge [sflag:s15], $0x2800  }
0xac: {  	s19 =	sld [smem:$0x7F6]  }
0xad: {  	[sflag:s15] =	ssyncset.done $0x0  }
0xae: {  	[sflag:s15] =	ssyncadd.s32 $0xFFFFD800  }
0xaf: {  	[spmem:s19] =	stream.linear.scatter [tilespmem:s2], [sflag:$0x11], $0x2800, $0x38;
	[tilespmem:$0x1E080] =	vst v63  }
0xb0: {  	_ =	swait.ge [sflag:s15], $0x2800  }
0xb1: {  	s20 =	sld [smem:$0x7F7]  }
0xb2: {  	[sflag:s15] =	ssyncset.done $0x0  }
0xb3: {  	[sflag:s15] =	ssyncadd.s32 $0xFFFFD800  }
0xb4: {  	[spmem:s20] =	stream.linear.scatter [tilespmem:s2], [sflag:$0x11], $0x2800, $0x38;
	[tilespmem:$0x1E080] =	vst v63  }
0xb5: {  	_ =	swait.ge [sflag:s15], $0x2800  }
0xb6: {  	s21 =	sld [smem:$0x7F8]  }
0xb7: {  	[sflag:s15] =	ssyncset.done $0x0  }
0xb8: {  	[sflag:s15] =	ssyncadd.s32 $0xFFFFD800  }
0xb9: {  	[spmem:s21] =	stream.linear.scatter [tilespmem:s2], [sflag:$0x11], $0x2800, $0x38;
	[tilespmem:$0x1E080] =	vst v63  }
0xba: {  	_ =	swait.ge [sflag:s15], $0x2800  }
0xbb: {  	s22 =	sld [smem:$0x7F9]  }
0xbc: {  	[sflag:s15] =	ssyncset.done $0x0  }
0xbd: {  	[sflag:s15] =	ssyncadd.s32 $0xFFFFD800  }
0xbe: {  	[spmem:s22] =	stream.linear.scatter [tilespmem:s2], [sflag:$0x11], $0x2800, $0x38;
	[tilespmem:$0x1E080] =	vst v63  }
0xbf: {  	_ =	swait.ge [sflag:s15], $0x2800  }
0xc0: {  	s24 =	sld [smem:$0x7FA]  }
0xc1: {  	[sflag:s15] =	ssyncset.done $0x0  }
0xc2: {  	[sflag:s15] =	ssyncadd.s32 $0xFFFFD800  }
0xc3: {  	[spmem:s24] =	stream.linear.scatter [tilespmem:s2], [sflag:$0x11], $0x2800, $0x38;
	[tilespmem:$0x1E080] =	vst v63  }
0xc4: {  	_ =	swait.ge [sflag:s15], $0x2800  }
0xc5: {  	s31 =	sld [smem:$0x7FB]  }
0xc6: {  	[sflag:s15] =	ssyncset.done $0x0  }
0xc7: {  	[sflag:s15] =	ssyncadd.s32 $0xFFFFD800  }
0xc8: {  	[spmem:s31] =	stream.linear.scatter [tilespmem:s2], [sflag:$0x11], $0x2000, $0x38;
	[tilespmem:$0x1E080] =	vst v63  }
0xc9: {  	_ =	swait.ge [sflag:s15], $0x2000  }
0xca: {  	s7 =	sld [smem:$0x7FC]  }
0xcb: {  	[sflag:s15] =	ssyncset.done $0x0  }
0xcc: {  	s5 =	simm.s32 @!p1 $0x8000;
	[sflag:s15] =	ssyncadd.s32 $0xFFFFE000  }
0xcd: {  	[spmem:s7] =	stream.linear.scatter @!p1 [tilespmem:s5], [sflag:$0x11], $0x800, $0x38;
	[tilespmem:$0x1E080] =	vst v63  }
0xce: {  	s5 =	simm.s32 @!p1 $0x11  }
0xcf: {  	_ =	swait.ge @!p1 [sflag:s5], $0x800  }
0xd0: {  	[sflag:s5] =	ssyncset.done @!p1 $0x0  }
0xd1: {  	[sflag:s5] =	ssyncadd.s32 @!p1 $0xFFFFF800  }
.LBB2_6:
.Ltmp5:
0xd2: {  	(pc) =	sbr.rel .LBB2_7-.Ltmp5, $3  }
0xd3: {  	_ =	sdelay $0x1  }
0xd4: {  	[bflag:$0x0] =	sbarrier.arrive $0xFFFF;
	s7 =	simm.s32 $0x0  }
0xd5: {  	s22 =	simm.s32 $0x7;
	s24 =	simm.s32 $0x0;
	s5 =	rddreg [dreg:$0x16]  }
.LBB2_8:
0xd6: {  	s12 =	simm.s32 $0x6  }
0xd7: {  	_ =	swait.ge [sflag:s12], $0x2800  }
0xd8: {  	[sflag:s12] =	ssyncset.done $0x0  }
0xd9: {  	[sflag:s12] =	ssyncadd.s32 $0xFFFFD800  }
.LBB2_10:
0xda: {  	s12 =	sshrl.u32 s5, $0x3;
	s13 =	rddreg [dreg:$0x1]  }
0xdb: {  	s21 =	simm.s32 $0x0;
	s31 =	rddreg [dreg:$0x15];
	s12 =	sadd.s32 s13, s12  }
0xdc: {  	[tilespmem:s21], [sflag:$0x9] =	stream.linear.gather [hbm4b:s12+s21], $0x50, $0x38;
	[tilespmem:$0x1E080] =	vst v63  }
0xdd: {  	s14 =	simm.s32 $0x400;
	s12 =	sadd.s32 s7, s31  }
0xde: {  	[tilespmem:s14], [sflag:$0x9] =	stream.linear.gather [hbm4b:s12+s21], $0x50, $0x38;
	[tilespmem:$0x1E080] =	vst v63  }
0xdf: {  	s12 =	simm.s32 @!p5 $0xE  }
0xe0: {  	_ =	swait.ge @!p5 [sflag:s12], $0x50  }
0xe1: {  	[sflag:s12] =	ssyncset.done @!p5 $0x0  }
0xe2: {  	[sflag:s12] =	ssyncadd.s32 @!p5 $0xFFFFFFB0  }
0xe3: {  	p6 =	por @!p5 $0x0, $0x0;
	p4 =	por $0x0, $0x0;
	_ =	swait.ge @!p5 [sflag:s12], $0x50  }
0xe4: {  	s13 =	simm.s32 @!p5 $0x280;
	p4 =	por @!p5 p6, p6;
	[sflag:s12] =	ssyncset.done @!p5 $0x0  }
0xe5: {  	s14 =	simm.s32 @!p5 $0x3000;
	[sflag:s12] =	ssyncadd.s32 @!p5 $0xFFFFFFB0;
	s12 =	simm.s32 @!p5 $0x50  }
0xe6: {  	[tilespmem:s14], [sflag:$0x2] =	stream.indirect.gather @!p5 [hbm4b:s1+s12], $0x80, s13, s12, $0xb8;
	[tilespmem:$0x1E080] =	vst v63  }
.LBB2_11:
0xe7: {  	_ =	swait.ge [sflag:s29], $0x2800  }
0xe8: {  	[sflag:s29] =	ssyncset.done $0x0  }
0xe9: {  	s12 =	simm.s32 $0x500;
	s13 =	simm.s32 $0x5800;
	[sflag:s29] =	ssyncadd.s32 $0xFFFFD800  }
0xea: {  	[spmem:s4] =	stream.indirect.scatter.add.f32 [tilespmem:s13], [sflag:$0x7], $0x80, s12, s0, $0xb8;
	[tilespmem:$0x1E080] =	vst v63  }
0xeb: {  	s12 =	simm.s32 @!p3 $0x7  }
0xec: {  	_ =	swait.ge @!p3 [sflag:s12], $0x2800  }
0xed: {  	[sflag:s12] =	ssyncset.done @!p3 $0x0  }
0xee: {  	[sflag:s12] =	ssyncadd.s32 @!p3 $0xFFFFD800;
	s12 =	rddreg [dreg:$0x13]  }
0xef: {  	s16 =	simm.s32 @!p4 $0x0;
	s13 =	simm.s32 @!p4 $0x80;
	s12 =	sadd.s32 @!p4 s7, s12  }
0xf0: {  	[tilespmem:s13], [sflag:$0xA] =	stream.linear.gather @!p4 [hbm4b:s12+s16], $0x50, $0x38;
	[tilespmem:$0x1E080] =	vst v63  }
0xf1: {  	s12 =	rddreg [dreg:$0x14]  }
0xf2: {  	s14 =	simm.s32 @!p4 $0x480;
	s12 =	sadd.s32 @!p4 s7, s12  }
0xf3: {  	[tilespmem:s14], [sflag:$0xA] =	stream.linear.gather @!p4 [hbm4b:s12+s16], $0x50, $0x38;
	[tilespmem:$0x1E080] =	vst v63  }
0xf4: {  	s12 =	simm.s32 @!p3 $0xF  }
0xf5: {  	_ =	swait.ge @!p3 [sflag:s12], $0x50  }
0xf6: {  	[sflag:s12] =	ssyncset.done @!p3 $0x0  }
0xf7: {  	[sflag:s12] =	ssyncadd.s32 @!p3 $0xFFFFFFB0  }
0xf8: {  	_ =	swait.ge @!p3 [sflag:s12], $0x50  }
0xf9: {  	s31 =	simm.s32 @!p3 $0x50;
	[sflag:s12] =	ssyncset.done @!p3 $0x0  }
0xfa: {  	s17 =	simm.s32 @!p3 $0x5800;
	[sflag:s12] =	ssyncadd.s32 @!p3 $0xFFFFFFB0;
	s12 =	simm.s32 @!p3 $0x300  }
0xfb: {  	[tilespmem:s17], [sflag:$0x3] =	stream.indirect.gather @!p3 [hbm4b:s1+s31], $0x80, s12, s31, $0xb8;
	[tilespmem:$0x1E080] =	vst v63  }
0xfc: {  	_ =	swait.ge [sflag:s30], $0x2800  }
0xfd: {  	[sflag:s30] =	ssyncset.done $0x0  }
0xfe: {  	s20 =	simm.s32 $0x580;
	s12 =	simm.s32 @!p2 $0x8;
	[sflag:s30] =	ssyncadd.s32 $0xFFFFD800  }
0xff: {  	[spmem:s4] =	stream.indirect.scatter.add.f32 [tilespmem:s2], [sflag:$0x8], $0x80, s20, s0, $0xb8;
	[tilespmem:$0x1E080] =	vst v63  }
0x100: {  	_ =	swait.ge @!p2 [sflag:s12], $0x2800  }
0x101: {  	[sflag:s12] =	ssyncset.done @!p2 $0x0  }
0x102: {  	[sflag:s12] =	ssyncadd.s32 @!p2 $0xFFFFD800;
	s12 =	rddreg [dreg:$0x11]  }
0x103: {  	s14 =	sadd.s32 @!p4 s7, s12;
	s12 =	simm.s32 @!p4 $0x100  }
0x104: {  	[tilespmem:s12], [sflag:$0xB] =	stream.linear.gather @!p4 [hbm4b:s14+s16], $0x50, $0x38;
	[tilespmem:$0x1E080] =	vst v63  }
0x105: {  	s14 =	rddreg [dreg:$0x12]  }
0x106: {  	s15 =	simm.s32 @!p4 $0x500;
	s14 =	sadd.s32 @!p4 s7, s14  }
0x107: {  	[tilespmem:s15], [sflag:$0xB] =	stream.linear.gather @!p4 [hbm4b:s14+s16], $0x50, $0x38;
	[tilespmem:$0x1E080] =	vst v63  }
0x108: {  	s14 =	simm.s32 @!p2 $0x10  }
0x109: {  	_ =	swait.ge @!p2 [sflag:s14], $0x50  }
0x10a: {  	[sflag:s14] =	ssyncset.done @!p2 $0x0  }
0x10b: {  	[sflag:s14] =	ssyncadd.s32 @!p2 $0xFFFFFFB0  }
0x10c: {  	_ =	swait.ge @!p2 [sflag:s14], $0x50  }
0x10d: {  	s18 =	simm.s32 @!p2 $0x380;
	[sflag:s14] =	ssyncset.done @!p2 $0x0  }
0x10e: {  	s15 =	simm.s32 @!p2 $0x8000;
	[sflag:s14] =	ssyncadd.s32 @!p2 $0xFFFFFFB0;
	s14 =	simm.s32 @!p2 $0x50  }
0x10f: {  	[tilespmem:s15], [sflag:$0x4] =	stream.indirect.gather @!p2 [hbm4b:s1+s14], $0x80, s18, s14, $0xb8;
	[tilespmem:$0x1E080] =	vst v63  }
0x110: {  	_ =	swait.ge [sflag:s8], $0x2800  }
0x111: {  	[sflag:s8] =	ssyncset.done $0x0  }
0x112: {  	s21 =	simm.s32 $0x600;
	s18 =	simm.s32 @!p4 $0x5;
	[sflag:s8] =	ssyncadd.s32 $0xFFFFD800  }
0x113: {  	[spmem:s4] =	stream.indirect.scatter.add.f32 [tilespmem:s6], [sflag:$0x5], $0x80, s21, s0, $0xb8;
	[tilespmem:$0x1E080] =	vst v63  }
0x114: {  	_ =	swait.ge @!p4 [sflag:s18], $0x2800  }
0x115: {  	[sflag:s18] =	ssyncset.done @!p4 $0x0  }
0x116: {  	[sflag:s18] =	ssyncadd.s32 @!p4 $0xFFFFD800;
	s18 =	rddreg [dreg:$0xf]  }
0x117: {  	s19 =	simm.s32 @!p4 $0x180;
	s18 =	sadd.s32 @!p4 s7, s18  }
0x118: {  	[tilespmem:s19], [sflag:$0xC] =	stream.linear.gather @!p4 [hbm4b:s18+s16], $0x50, $0x38;
	[tilespmem:$0x1E080] =	vst v63  }
0x119: {  	s18 =	rddreg [dreg:$0x10]  }
0x11a: {  	s19 =	simm.s32 @!p4 $0x580;
	s18 =	sadd.s32 @!p4 s7, s18  }
0x11b: {  	[tilespmem:s19], [sflag:$0xC] =	stream.linear.gather @!p4 [hbm4b:s18+s16], $0x50, $0x38;
	[tilespmem:$0x1E080] =	vst v63  }
0x11c: {  	s18 =	simm.s32 @!p4 $0x9  }
0x11d: {  	_ =	swait.ge @!p4 [sflag:s18], $0x50  }
0x11e: {  	[sflag:s18] =	ssyncset.done @!p4 $0x0  }
0x11f: {  	[sflag:s18] =	ssyncadd.s32 @!p4 $0xFFFFFFB0  }
0x120: {  	_ =	swait.ge @!p4 [sflag:s18], $0x50  }
0x121: {  	[sflag:s18] =	ssyncset.done @!p4 $0x0  }
0x122: {  	s19 =	simm.s32 @!p4 $0x800;
	[sflag:s18] =	ssyncadd.s32 @!p4 $0xFFFFFFB0;
	s18 =	simm.s32 @!p4 $0x50  }
0x123: {  	[tilespmem:s19], [sflag:$0x1] =	stream.indirect.gather @!p4 [hbm4b:s1+s18], $0x80, s16, s18, $0xb8;
	[tilespmem:$0x1E080] =	vst v63  }
0x124: {  	s19 =	simm.s32 @!p5 $0x2  }
0x125: {  	_ =	swait.ge @!p5 [sflag:s19], $0x2800  }
0x126: {  	s20 =	simm.s32 @!p5 $0x680;
	[sflag:s19] =	ssyncset.done @!p5 $0x0  }
0x127: {  	s21 =	simm.s32 @!p5 $0x3000;
	[sflag:s19] =	ssyncadd.s32 @!p5 $0xFFFFD800;
	s19 =	simm.s32 @!p5 $0x50  }
0x128: {  	[spmem:s4] =	stream.indirect.scatter.add.f32 @!p5 [tilespmem:s21], [sflag:$0x6], $0x80, s20, s19, $0xb8;
	[tilespmem:$0x1E080] =	vst v63  }
0x129: {  	s19 =	simm.s32 @!p4 $0x6  }
0x12a: {  	_ =	swait.ge @!p4 [sflag:s19], $0x2800  }
0x12b: {  	[sflag:s19] =	ssyncset.done @!p4 $0x0  }
0x12c: {  	[sflag:s19] =	ssyncadd.s32 @!p4 $0xFFFFD800;
	s19 =	rddreg [dreg:$0xd]  }
0x12d: {  	s20 =	simm.s32 @!p4 $0x200;
	s19 =	sadd.s32 @!p4 s7, s19  }
0x12e: {  	[tilespmem:s20], [sflag:$0xD] =	stream.linear.gather @!p4 [hbm4b:s19+s16], $0x50, $0x38;
	[tilespmem:$0x1E080] =	vst v63  }
0x12f: {  	s19 =	rddreg [dreg:$0xe]  }
0x130: {  	s20 =	simm.s32 @!p4 $0x600;
	s19 =	sadd.s32 @!p4 s7, s19  }
0x131: {  	[tilespmem:s20], [sflag:$0xD] =	stream.linear.gather @!p4 [hbm4b:s19+s16], $0x50, $0x38;
	[tilespmem:$0x1E080] =	vst v63  }
0x132: {  	s16 =	simm.s32 @!p4 $0xA  }
0x133: {  	_ =	swait.ge @!p4 [sflag:s16], $0x50  }
0x134: {  	[sflag:s16] =	ssyncset.done @!p4 $0x0  }
0x135: {  	[sflag:s16] =	ssyncadd.s32 @!p4 $0xFFFFFFB0  }
0x136: {  	_ =	swait.ge @!p4 [sflag:s16], $0x50  }
0x137: {  	[sflag:s16] =	ssyncset.done @!p4 $0x0  }
0x138: {  	[sflag:s16] =	ssyncadd.s32 @!p4 $0xFFFFFFB0;
	s16 =	simm.s32 @!p4 $0x3000  }
0x139: {  	[tilespmem:s16], [sflag:$0x2] =	stream.indirect.gather @!p4 [hbm4b:s1+s18], $0x80, s13, s18, $0xb8;
	[tilespmem:$0x1E080] =	vst v63  }
0x13a: {  	s13 =	simm.s32 @!p3 $0x3  }
0x13b: {  	_ =	swait.ge @!p3 [sflag:s13], $0x2800  }
0x13c: {  	[sflag:s13] =	ssyncset.done @!p3 $0x0  }
0x13d: {  	[sflag:s13] =	ssyncadd.s32 @!p3 $0xFFFFD800;
	s13 =	simm.s32 @!p3 $0x700  }
0x13e: {  	[spmem:s4] =	stream.indirect.scatter.add.f32 @!p3 [tilespmem:s17], [sflag:$0x7], $0x80, s13, s31, $0xb8;
	[tilespmem:$0x1E080] =	vst v63  }
0x13f: {  	s13 =	simm.s32 @!p4 $0x7  }
0x140: {  	_ =	swait.ge @!p4 [sflag:s13], $0x2800  }
0x141: {  	p3 =	sgt.u32 @!p4 s24, $0xD;
	[sflag:s13] =	ssyncset.done @!p4 $0x0  }
0x142: {  	p3 =	por p3, p4;
	[sflag:s13] =	ssyncadd.s32 @!p4 $0xFFFFD800;
	s13 =	rddreg [dreg:$0xb]  }
0x143: {  	s16 =	simm.s32 @!p3 $0x0;
	s17 =	simm.s32 @!p3 $0x280;
	s13 =	sadd.s32 @!p3 s7, s13  }
0x144: {  	[tilespmem:s17], [sflag:$0xE] =	stream.linear.gather @!p3 [hbm4b:s13+s16], $0x50, $0x38;
	[tilespmem:$0x1E080] =	vst v63  }
0x145: {  	s13 =	rddreg [dreg:$0xc]  }
0x146: {  	s17 =	simm.s32 @!p3 $0x680;
	s13 =	sadd.s32 @!p3 s7, s13  }
0x147: {  	[tilespmem:s17], [sflag:$0xE] =	stream.linear.gather @!p3 [hbm4b:s13+s16], $0x50, $0x38;
	[tilespmem:$0x1E080] =	vst v63  }
0x148: {  	s13 =	simm.s32 @!p4 $0xB  }
0x149: {  	_ =	swait.ge @!p4 [sflag:s13], $0x50  }
0x14a: {  	[sflag:s13] =	ssyncset.done @!p4 $0x0  }
0x14b: {  	[sflag:s13] =	ssyncadd.s32 @!p4 $0xFFFFFFB0  }
0x14c: {  	_ =	swait.ge @!p4 [sflag:s13], $0x50  }
0x14d: {  	[sflag:s13] =	ssyncset.done @!p4 $0x0  }
0x14e: {  	[sflag:s13] =	ssyncadd.s32 @!p4 $0xFFFFFFB0;
	s13 =	simm.s32 @!p4 $0x5800  }
0x14f: {  	[tilespmem:s13], [sflag:$0x3] =	stream.indirect.gather @!p4 [hbm4b:s1+s18], $0x80, s12, s18, $0xb8;
	[tilespmem:$0x1E080] =	vst v63  }
0x150: {  	s12 =	simm.s32 @!p2 $0x4  }
0x151: {  	_ =	swait.ge @!p2 [sflag:s12], $0x2800  }
0x152: {  	[sflag:s12] =	ssyncset.done @!p2 $0x0  }
0x153: {  	s7 =	sadd.s32 $0x50, s7;
	[sflag:s12] =	ssyncadd.s32 @!p2 $0xFFFFD800;
	s12 =	simm.s32 @!p2 $0x780  }
0x154: {  	[spmem:s4] =	stream.indirect.scatter.add.f32 @!p2 [tilespmem:s15], [sflag:$0x8], $0x80, s12, s14, $0xb8;
	[tilespmem:$0x1E080] =	vst v63  }
0x155: {  	p2 =	sne.s32 s7, $0x500  }
.Ltmp6:
0x156: {  	_ = 	snop;
	(pc) =	sbr.rel @!p2 .LBB2_12-.Ltmp6, $2  }
0x157: {  	_ =	sdelay $0x2  }
0x158: {  	s5 =	sadd.s32 $0x280, s5;
	s22 =	sadd.s32 $0x8, s22;
	s24 =	sadd.s32 $0x1, s24  }
.LBB2_7:
0x159: {  	p2 =	seq.s32 s7, $0x0  }
0x15a: {  	s13 =	sadd.s32 $0xFFFFFFFF, s22;
	s12 =	simm.s32 @!p2 $0x8  }
0x15b: {  	p3 =	sgt.u32 s13, $0x7C;
	_ =	swait.ge @!p2 [sflag:s12], $0x2800  }
0x15c: {  	s13 =	simm.s32 @!p3 $0x0;
	[sflag:s12] =	ssyncset.done @!p2 $0x0  }
0x15d: {  	s14 =	simm.s32 @!p3 $0x300;
	[sflag:s12] =	ssyncadd.s32 @!p2 $0xFFFFD800;
	s12 =	sadd.s32 @!p3 s7, s26  }
0x15e: {  	[tilespmem:s14], [sflag:$0xF] =	stream.linear.gather @!p3 [hbm4b:s12+s13], $0x50, $0x38;
	[tilespmem:$0x1E080] =	vst v63  }
0x15f: {  	s12 =	sadd.s32 @!p3 s7, s28;
	s14 =	simm.s32 @!p3 $0x700  }
0x160: {  	[tilespmem:s14], [sflag:$0xF] =	stream.linear.gather @!p3 [hbm4b:s12+s13], $0x50, $0x38;
	[tilespmem:$0x1E080] =	vst v63  }
0x161: {  	_ =	swait.ge [sflag:s3], $0x50  }
0x162: {  	[sflag:s3] =	ssyncset.done $0x0  }
0x163: {  	[sflag:s3] =	ssyncadd.s32 $0xFFFFFFB0  }
0x164: {  	_ =	swait.ge [sflag:s3], $0x50  }
0x165: {  	[sflag:s3] =	ssyncset.done $0x0  }
0x166: {  	s18 =	simm.s32 $0x180;
	[sflag:s3] =	ssyncadd.s32 $0xFFFFFFB0  }
0x167: {  	[tilespmem:s2], [sflag:$0x4] =	stream.indirect.gather [hbm4b:s1+s0], $0x80, s18, s0, $0xb8;
	[tilespmem:$0x1E080] =	vst v63  }
0x168: {  	_ =	swait.ge [sflag:s8], $0x2800  }
0x169: {  	[sflag:s8] =	ssyncset.done $0x0  }
0x16a: {  	s19 =	simm.s32 $0x400;
	[sflag:s8] =	ssyncadd.s32 $0xFFFFD800  }
0x16b: {  	[spmem:s4] =	stream.indirect.scatter.add.f32 [tilespmem:s6], [sflag:$0x5], $0x80, s19, s0, $0xb8;
	[tilespmem:$0x1E080] =	vst v63  }
0x16c: {  	p2 =	sgt.u32 s22, $0x7C;
	_ =	swait.ge [sflag:s9], $0x2800  }
0x16d: {  	s12 =	sadd.s32 @!p2 s7, s23;
	[sflag:s9] =	ssyncset.done $0x0  }
0x16e: {  	s13 =	simm.s32 @!p2 $0x0;
	s14 =	simm.s32 @!p2 $0x380;
	[sflag:s9] =	ssyncadd.s32 $0xFFFFD800  }
0x16f: {  	[tilespmem:s14], [sflag:$0x10] =	stream.linear.gather @!p2 [hbm4b:s12+s13], $0x50, $0x38;
	[tilespmem:$0x1E080] =	vst v63  }
0x170: {  	s12 =	sadd.s32 @!p2 s7, s25;
	s14 =	simm.s32 @!p2 $0x780  }
0x171: {  	[tilespmem:s14], [sflag:$0x10] =	stream.linear.gather @!p2 [hbm4b:s12+s13], $0x50, $0x38;
	[tilespmem:$0x1E080] =	vst v63  }
0x172: {  	_ =	swait.ge [sflag:s10], $0x50  }
0x173: {  	[sflag:s10] =	ssyncset.done $0x0  }
0x174: {  	[sflag:s10] =	ssyncadd.s32 $0xFFFFFFB0  }
0x175: {  	_ =	swait.ge [sflag:s10], $0x50  }
0x176: {  	[sflag:s10] =	ssyncset.done $0x0  }
0x177: {  	s20 =	simm.s32 $0x200;
	p5 =	sgt.u32 s24, $0xE;
	[sflag:s10] =	ssyncadd.s32 $0xFFFFFFB0  }
0x178: {  	[tilespmem:s6], [sflag:$0x1] =	stream.indirect.gather [hbm4b:s1+s0], $0x80, s20, s0, $0xb8;
	[tilespmem:$0x1E080] =	vst v63  }
.Ltmp7:
0x179: {  	_ = 	snop;
	(pc) =	sbr.rel @!p5 .LBB2_8-.Ltmp7, $4  }
0x17a: {  	_ =	swait.ge [sflag:s11], $0x2800  }
0x17b: {  	[sflag:s11] =	ssyncset.done $0x0  }
0x17c: {  	s21 =	simm.s32 $0x480;
	s31 =	simm.s32 $0x3000;
	[sflag:s11] =	ssyncadd.s32 $0xFFFFD800  }
0x17d: {  	[spmem:s4] =	stream.indirect.scatter.add.f32 [tilespmem:s31], [sflag:$0x6], $0x80, s21, s0, $0xb8;
	[tilespmem:$0x1E080] =	vst v63  }
0x17e: {  	p6 =	seq.s32 s7, $0x4B0  }
.Ltmp8:
0x17f: {  	_ = 	snop;
	(pc) =	sbr.rel @p6 .LBB2_11-.Ltmp8, $4  }
.Ltmp9:
0x180: {  	_ = 	snop;
	(pc) =	sbr.rel @!p6 .LBB2_10-.Ltmp9, $4  }
0x181: {  	_ = 	snop  }
0x182: {  	_ = 	snop  }
0x183: {  	p4 =	por $0x1, $0x1  }
0x184: {  	_ = 	snop  }
.LBB2_13:
0x185: {  	_ =	sfence.sel $0x180000  }
0x186: {  	[bflag:$0x0] =	sbarrier.arrive $0xFFFF  }
0x187: {  	_ =	strace $0x90000047  }
0x188: {  	s0 =	stileid.u32;
	[bflag:$0x2] =	sbarrier.arrive $0xFFFF  }
0x189: {  	p0 =	sne.s32 s0, $0x0;
	s0 =	rddreg [dreg:$0x4]  }
0x18a: {  	s0 =	sadd.s32 @!p0 $0x100000, s0  }
0x18b: {  	[sflag:s0] =	ssyncadd.tile.s32 @!p0 $0x1;
	_ =	shalt  }
.Lfunc_end2:
_tile_overlayer_lowered:
.L_overlay_start_2:
0x18c: {  	(tag) =	ssettag $0x2  }
0x18d: {  	s0 =	rddreg [dreg:$0x0];
	s2 =	stileid.u32  }
0x18e: {  	s1 =	rddreg [dreg:$0x1];
	p0 =	sne.s32 s2, $0x0  }
0x18f: {  	s3 =	rddreg [dreg:$0x2];
	[bflag:$0x3] =	sbarrier.arrive $0xFFFF;
	s2 =	simm.s32 @!p0 $0x1C11  }
0x190: {  	[timem:s3], [sflag:s2] =	dma.local @!p0 [hbm:s0], s1  }
0x191: {  	s0 =	simm.s32 @!p0 $0x11  }
0x192: {  	_ =	swait.ge @!p0 [sflag:s0], s1  }
0x193: {  	s1 =	ssub.s32 @!p0 $0x0, s1;
	[sflag:s0] =	ssyncset.done @!p0 $0x0  }
0x194: {  	[sflag:s0] =	ssyncadd.s32 @!p0 s1  }
0x195: {  	[bflag:$0x3] =	sbarrier.arrive $0xFFFF  }
0x196: {  	_ =	shalt  }

</sc_bundles>
